<compile_context>
chip_gen: v7x
topology: tpu7x:2x2x1
jax: 0.10.2.dev20260603
libtpu: 0.0.44.dev20260713+nightly
codegen_flags: <defaults>
</compile_context>

<pallas_src>
import functools

import jax
import jax.numpy as jnp
import numpy as np
from jax import lax
from jax.experimental import pallas as pl
from jax.experimental.pallas import tpu as pltpu
from jax.experimental.pallas import tpu_sc as plsc

D = 128
L = 16
NC = 2
NS = 16
NW = NC * NS
CHUNK = 64
ROWS_PER_TILE = 640
NPAD = NS * ROWS_PER_TILE

_SRC_OF = np.empty(D, np.int32)
for _m in range(D):
    _t, _r = divmod(_m, 2 * L)
    _SRC_OF[_m] = 2 * L * _t + _r // 2 + (L if (_r & 1) else 0)


def _proj_body(x_ref, wq_ref, bq_ref, wk_ref, bk_ref, wv_ref, bv_ref,
               ws_ref, bs_ref, q_ref, kv_ref, s_ref):
    xb = x_ref[...]
    q_ref[...] = jnp.dot(xb, wq_ref[...], preferred_element_type=jnp.float32) + bq_ref[...]
    kv_ref[:, :D] = (jnp.dot(xb, wk_ref[...], preferred_element_type=jnp.float32)
                     + bk_ref[...]).astype(jnp.bfloat16)
    kv_ref[:, D:] = (jnp.dot(xb, wv_ref[...], preferred_element_type=jnp.float32)
                     + bv_ref[...]).astype(jnp.bfloat16)
    s_ref[...] = jnp.dot(xb, ws_ref[...], preferred_element_type=jnp.float32) + bs_ref[...]


def _projections(x, Wq, bq, Wk, bk, Wv, bv, Ws, bs):
    n = x.shape[0]
    blk = 2000
    grid = (n // blk,)
    row_spec = pl.BlockSpec((blk, D), lambda i: (i, 0))
    kv_spec = pl.BlockSpec((blk, 2 * D), lambda i: (i, 0))
    full_spec = pl.BlockSpec((D, D), lambda i: (0, 0))
    bias_spec = pl.BlockSpec((1, D), lambda i: (0, 0))
    return pl.pallas_call(
        _proj_body,
        grid=grid,
        in_specs=[row_spec, full_spec, bias_spec, full_spec, bias_spec,
                  full_spec, bias_spec, full_spec, bias_spec],
        out_specs=[row_spec, kv_spec, row_spec],
        out_shape=[jax.ShapeDtypeStruct((n, D), jnp.float32),
                   jax.ShapeDtypeStruct((n, 2 * D), jnp.bfloat16),
                   jax.ShapeDtypeStruct((n, D), jnp.float32)],
    )(x, Wq, bq.reshape(1, D), Wk, bk.reshape(1, D),
      Wv, bv.reshape(1, D), Ws, bs.reshape(1, D))


def _edge_body(src_hbm, dst_hbm, q_hbm, kv_hbm, u_out, den_out,
               idx_s, idx_d, idx_sc, qd, kv, pbuf, den_local, u_sp,
               sem_i, sem_g, sem_si, sem_s):
    cid = lax.axis_index("c")
    sid = lax.axis_index("s")
    wid = sid * NC + cid
    n_edges = src_hbm.shape[0]
    n_chunks = n_edges // CHUNK
    chunks_per_tile = (n_chunks + NW - 1) // NW
    scale = 1.0 / (float(D) ** 0.5)
    zero16 = jnp.zeros((L,), jnp.float32)
    lane0 = lax.iota(jnp.int32, L) == 0
    fmt = plsc.PackFormat.INTERLEAVED

    def _zden(r, _):
        den_local[pl.ds(r * L, L)] = zero16
        return 0
    lax.fori_loop(0, NPAD // L + 1, _zden, 0)

    def _zrow(r, _):
        for j in range(D // L):
            qd[0, r, pl.ds(j * L, L)] = zero16
        return 0
    lax.fori_loop(0, CHUNK, _zrow, 0)
    for t in range(ROWS_PER_TILE // CHUNK):
        pltpu.sync_copy(qd.at[0],
                        u_sp.at[pl.ds(sid * ROWS_PER_TILE + t * CHUNK, CHUNK)])
    plsc.subcore_barrier()

    def _fire_idx(j, slot):
        c = j * NW + wid

        @pl.when(c < n_chunks)
        def _():
            base = c * CHUNK
            pltpu.async_copy(src_hbm.at[pl.ds(base, CHUNK)], idx_s.at[slot], sem_i)
            pltpu.async_copy(dst_hbm.at[pl.ds(base, CHUNK)], idx_d.at[slot], sem_i)

    def _wait_idx(j, slot):
        c = j * NW + wid

        @pl.when(c < n_chunks)
        def _():
            base = c * CHUNK
            pltpu.make_async_copy(src_hbm.at[pl.ds(base, CHUNK)], idx_s.at[slot], sem_i).wait()
            pltpu.make_async_copy(src_hbm.at[pl.ds(base, CHUNK)], idx_d.at[slot], sem_i).wait()

    def _fire_scidx(j, slot):
        c = j * NW + wid

        @pl.when(c < n_chunks)
        def _():
            base = c * CHUNK
            pltpu.async_copy(dst_hbm.at[pl.ds(base, CHUNK)], idx_sc.at[slot], sem_si)

    def _wait_scidx(j, slot):
        c = j * NW + wid

        @pl.when(c < n_chunks)
        def _():
            base = c * CHUNK
            pltpu.make_async_copy(dst_hbm.at[pl.ds(base, CHUNK)],
                                  idx_sc.at[slot], sem_si).wait()

    def _wait_scatter(j, slot):
        c = j * NW + wid

        @pl.when(jnp.logical_and(j >= 0, c < n_chunks))
        def _():
            pltpu.make_async_copy(qd.at[slot], u_sp.at[idx_sc.at[slot]], sem_s).wait()

    def _fire_gather(j, slot):
        c = j * NW + wid

        @pl.when(c < n_chunks)
        def _():
            pltpu.async_copy(q_hbm.at[idx_d.at[slot]], qd.at[slot], sem_g)
            pltpu.async_copy(kv_hbm.at[idx_s.at[slot]], kv.at[slot], sem_g)

    def _wait_gather(j, slot):
        c = j * NW + wid

        @pl.when(c < n_chunks)
        def _():
            pltpu.make_async_copy(q_hbm.at[idx_d.at[slot]], qd.at[slot], sem_g).wait()
            pltpu.make_async_copy(kv_hbm.at[idx_s.at[slot]], kv.at[slot], sem_g).wait()

    def _compute_scatter(j, slot):
        c = j * NW + wid

        @pl.when(c < n_chunks)
        def _():
            def _edge_logit(e, _):
                acca = zero16
                accb = zero16
                for t in range(D // (2 * L)):
                    kk = plsc.bitcast(kv[slot, e, pl.ds(t * L, L)], jnp.bfloat16)
                    ka, kb = plsc.unpack(kk, format=fmt)
                    acca = acca + qd[slot, e, pl.ds(2 * t * L, L)] * ka
                    accb = accb + qd[slot, e, pl.ds((2 * t + 1) * L, L)] * kb
                logit = jnp.sum(acca + accb, axis=0)
                pbuf[pl.ds(e, L)] = jnp.full((L,), logit, jnp.float32)
                return 0
            lax.fori_loop(0, CHUNK, _edge_logit, 0)

            for g in range(CHUNK // L):
                pbuf[pl.ds(g * L, L)] = jnp.exp(pbuf[pl.ds(g * L, L)] * scale)
            for g in range(CHUNK // L):
                plsc.addupdate_scatter(
                    den_local, [idx_d[slot, pl.ds(g * L, L)]],
                    pbuf[pl.ds(g * L, L)])

            def _edge_scale(e, _):
                p = jnp.full((L,), pbuf[pl.ds(e, L)][0], jnp.float32)
                for t in range(D // (2 * L)):
                    vv = plsc.bitcast(kv[slot, e, pl.ds((D // 2) + t * L, L)],
                                      jnp.bfloat16)
                    va, vb = plsc.unpack(vv, format=fmt)
                    qd[slot, e, pl.ds(2 * t * L, L)] = va * p
                    qd[slot, e, pl.ds((2 * t + 1) * L, L)] = vb * p
                return 0
            lax.fori_loop(0, CHUNK, _edge_scale, 0)
            _wait_scidx(j, slot)
            pltpu.async_copy(qd.at[slot], u_sp.at[idx_sc.at[slot]], sem_s, add=True)

    _fire_idx(0, 0)
    _wait_idx(0, 0)
    _fire_scidx(0, 0)
    _fire_gather(0, 0)
    _fire_idx(1, 1)

    def _outer(o, _):
        for b in range(2):
            j = o * 2 + b
            _wait_gather(j, b)
            _wait_idx(j + 1, 1 - b)
            _wait_scatter(j - 1, 1 - b)
            _fire_scidx(j + 1, 1 - b)
            _fire_gather(j + 1, 1 - b)
            _compute_scatter(j, b)
            _fire_idx(j + 2, b)
        return 0

    lax.fori_loop(0, (chunks_per_tile + 1) // 2, _outer, 0)
    if chunks_per_tile % 2 == 0:
        _wait_scatter(chunks_per_tile - 1, (chunks_per_tile - 1) % 2)
    plsc.subcore_barrier()

    pltpu.sync_copy(u_sp.at[pl.ds(sid * ROWS_PER_TILE, ROWS_PER_TILE)],
                    u_out.at[cid, pl.ds(sid * ROWS_PER_TILE, ROWS_PER_TILE)])
    pltpu.sync_copy(den_local.at[pl.ds(0, NPAD)], den_out.at[wid])


def _edge_phase(src, dst, q, kv32):
    mesh = plsc.VectorSubcoreMesh(core_axis_name="c", subcore_axis_name="s")
    fn = pl.kernel(
        _edge_body,
        out_type=[jax.ShapeDtypeStruct((NC, NPAD, D), jnp.float32),
                  jax.ShapeDtypeStruct((NW, NPAD), jnp.float32)],
        mesh=mesh,
        compiler_params=pltpu.CompilerParams(needs_layout_passes=False),
        scratch_types=[
            pltpu.VMEM((2, CHUNK), jnp.int32),
            pltpu.VMEM((2, CHUNK), jnp.int32),
            pltpu.VMEM((2, CHUNK), jnp.int32),
            pltpu.VMEM((2, CHUNK, D), jnp.float32),
            pltpu.VMEM((2, CHUNK, D), jnp.int32),
            pltpu.VMEM((CHUNK + L,), jnp.float32),
            pltpu.VMEM((NPAD + L,), jnp.float32),
            pltpu.VMEM_SHARED((NPAD, D), jnp.float32),
            pltpu.SemaphoreType.DMA,
            pltpu.SemaphoreType.DMA,
            pltpu.SemaphoreType.DMA,
            pltpu.SemaphoreType.DMA,
        ],
    )
    return fn(src, dst, q, kv32)


def _combine_body(u_ref, den_ref, skip_ref, out_ref):
    ub = u_ref[0] + u_ref[1]
    den = jnp.sum(den_ref[...], axis=0)
    den = jnp.where(den == 0.0, 1.0, den)
    out_ref[...] = jnp.maximum(ub / den[:, None] + skip_ref[...], 0.0)


def _combine(u, den, skip):
    n = skip.shape[0]
    blk = 2048
    return pl.pallas_call(
        _combine_body,
        grid=(pl.cdiv(n, blk),),
        in_specs=[pl.BlockSpec((NC, blk, D), lambda i: (0, i, 0)),
                  pl.BlockSpec((NW, blk), lambda i: (0, i)),
                  pl.BlockSpec((blk, D), lambda i: (i, 0))],
        out_specs=pl.BlockSpec((blk, D), lambda i: (i, 0)),
        out_shape=jax.ShapeDtypeStruct((n, D), jnp.float32),
    )(u, den, skip)


def kernel(x, edge_index, Wq, bq, Wk, bk, Wv, bv, Ws, bs):
    src = edge_index[0]
    dst = edge_index[1]
    perm = jnp.asarray(_SRC_OF)
    q, kv_bf, skip = _projections(x, Wq, bq, Wk[:, perm], bk[perm],
                                  Wv[:, perm], bv[perm], Ws, bs)
    n = q.shape[0]
    kv32 = lax.bitcast_convert_type(kv_bf.reshape(n, D, 2), jnp.int32)
    u, den = _edge_phase(src, dst, q, kv32)
    return _combine(u, den, skip)

# --- scband reference (transcript-rebuilt; emitter-appended) ---
"""Pipeline reference for scband-mlp-66778151518217 (READ-ONLY COPY).

The authoritative reference and input builder live on the scoring server;
editing this copy changes nothing except your own understanding.
"""

import jax, jax.numpy as jnp
import numpy as np

N = 10000
E = 320000
D_IN = 128
D_OUT = 128


def setup_inputs(seed: int = 0) -> dict:
    key = jax.random.key(seed)
    ks = jax.random.split(key, 12)
    x = jax.random.normal(ks[0], (N, D_IN), dtype=jnp.float32)
    edge_index = jax.random.randint(ks[1], (2, E), 0, N, dtype=jnp.int32)
    s = 1.0 / np.sqrt(D_IN)
    Wq = jax.random.uniform(ks[2], (D_IN, D_OUT), jnp.float32, -s, s)
    bq = jax.random.uniform(ks[3], (D_OUT,), jnp.float32, -s, s)
    Wk = jax.random.uniform(ks[4], (D_IN, D_OUT), jnp.float32, -s, s)
    bk = jax.random.uniform(ks[5], (D_OUT,), jnp.float32, -s, s)
    Wv = jax.random.uniform(ks[6], (D_IN, D_OUT), jnp.float32, -s, s)
    bv = jax.random.uniform(ks[7], (D_OUT,), jnp.float32, -s, s)
    Ws = jax.random.uniform(ks[8], (D_IN, D_OUT), jnp.float32, -s, s)
    bs = jax.random.uniform(ks[9], (D_OUT,), jnp.float32, -s, s)
    return {"x": x, "edge_index": edge_index, "Wq": Wq, "bq": bq, "Wk": Wk, "bk": bk, "Wv": Wv, "bv": bv, "Ws": Ws, "bs": bs}


def reference(x, edge_index, Wq, bq, Wk, bk, Wv, bv, Ws, bs):
    # PyG TransformerConv (heads=1, concat=True, root_weight=True, beta=False,
    # edge_dim=None), followed by ReLU (MLP.last=False; dropout identity in eval).
    src = edge_index[0]
    dst = edge_index[1]
    q = x @ Wq + bq  # query at target node i
    k = x @ Wk + bk  # key at source node j
    v = x @ Wv + bv  # value at source node j
    scale = 1.0 / jnp.sqrt(jnp.asarray(D_OUT, jnp.float32))
    logits = jnp.sum(q[dst] * k[src], axis=-1) * scale  # [E]
    # segment softmax over edges grouped by destination node
    m = jax.ops.segment_max(logits, dst, num_segments=N)
    m = jnp.where(jnp.isneginf(m), 0.0, m)
    p = jnp.exp(logits - m[dst])
    denom = jax.ops.segment_sum(p, dst, num_segments=N)
    denom = jnp.where(denom == 0.0, 1.0, denom)
    alpha = p / denom[dst]  # [E]
    agg = jax.ops.segment_sum(alpha[:, None] * v[src], dst, num_segments=N)  # [N, D_OUT]
    out = agg + (x @ Ws + bs)  # root/skip connection
    return jax.nn.relu(out)

if __name__ == "__main__":
    import jax
    _d = setup_inputs()
    print(jax.jit(kernel)(*tuple(_d.values())))

</pallas_src>

<mosaic_0001>
#map = affine_map<(d0, d1) -> (0)>
#map1 = affine_map<(d0, d1) -> (0, 0)>
#map2 = affine_map<(d0, d1) -> (0, 0, 0)>
module attributes {stable_mosaic.version = 14 : i64} {
  func.func @_edge_body(%arg0: i32, %arg1: i32, %arg2: memref<320000xi32, #tpu.memory_space<hbm>>, %arg3: memref<320000xi32, #tpu.memory_space<hbm>>, %arg4: memref<10000x128xf32, #tpu.memory_space<hbm>>, %arg5: memref<10000x128xi32, #tpu.memory_space<hbm>>, %arg6: memref<2x10240x128xf32, #tpu.memory_space<hbm>>, %arg7: memref<32x10240xf32, #tpu.memory_space<hbm>>, %arg8: memref<2x64xi32, #tpu.memory_space<vmem>>, %arg9: memref<2x64xi32, #tpu.memory_space<vmem>>, %arg10: memref<2x64xi32, #tpu.memory_space<vmem>>, %arg11: memref<2x64x128xf32, #tpu.memory_space<vmem>>, %arg12: memref<2x64x128xi32, #tpu.memory_space<vmem>>, %arg13: memref<80xf32, #tpu.memory_space<vmem>>, %arg14: memref<10256xf32, #tpu.memory_space<vmem>>, %arg15: memref<10240x128xf32, #tpu.memory_space<vmem_shared>>, %arg16: memref<!tpu.dma_semaphore, #tpu.memory_space<semaphore_mem>>, %arg17: memref<!tpu.dma_semaphore, #tpu.memory_space<semaphore_mem>>, %arg18: memref<!tpu.dma_semaphore, #tpu.memory_space<semaphore_mem>>, %arg19: memref<!tpu.dma_semaphore, #tpu.memory_space<semaphore_mem>>) attributes {dimension_semantics = [#tpu.dimension_semantics<core_parallel>, #tpu.dimension_semantics<subcore_parallel>], iteration_bounds = array<i64: 2, 16>, scalar_prefetch = 0 : i64, scratch_operands = 12 : i64, tpu.core_type = #tpu.core_type<sc_vector_subcore>, window_params = [{transform_indices = #map}, {transform_indices = #map}, {transform_indices = #map1}, {transform_indices = #map1}, {transform_indices = #map2}, {transform_indices = #map1}]} {
    %mul3A = arith.constant 2 : i32
    %mul3A_0 = arith.muli %arg1, %mul3A : i32
    %add3A = arith.addi %mul3A_0, %arg0 : i32
    %broadcast_in_dim3A = arith.constant 0.000000e+00 : f32
    %broadcast_in_dim3A_1 = vector.broadcast %broadcast_in_dim3A : f32 to vector<16xf32>
    %iota3A = tpu.iota {dimensions = array<i32: 0>} : vector<16xi32>
    %eq3A = arith.constant 0 : i32
    %eq3A_2 = vector.broadcast %eq3A : i32 to vector<16xi32>
    %eq3A_3 = arith.cmpi eq, %iota3A, %eq3A_2 : vector<16xi32>
    %scan3A = arith.constant 0 : i32
    %scan3A_4 = arith.constant 0 : i32
    %scan3A_5 = arith.constant 641 : i32
    %scan3A_6 = arith.addi %scan3A_4, %scan3A_5 : i32
    %scan3A_7 = arith.constant 1 : i32
    %scan3A_8 = scf.for %scan3A_110 = %scan3A_4 to %scan3A_6 step %scan3A_7 iter_args(%scan3A_111 = %scan3A) -> (i32)  : i32 {
      %mul3A_112 = arith.constant 16 : i32
      %mul3A_113 = arith.muli %scan3A_110, %mul3A_112 : i32
      %swap3A = arith.index_cast %mul3A_113 : i32 to index
      %swap3A_114 = tpu.vector_load %arg14[%swap3A] {strides = array<i32>} : memref<10256xf32, #tpu.memory_space<vmem>>, vector<16xf32>,
      tpu.vector_store %arg14[%swap3A], %broadcast_in_dim3A_1 {strides = array<i32>} : memref<10256xf32, #tpu.memory_space<vmem>>, vector<16xf32>,
      %scan3A_115 = arith.constant 0 : i32
      scf.yield %scan3A_115 : i32
    }
    %scan3A_9 = arith.constant 641 : i32
    %scan3A_10 = arith.constant 0 : i32
    %scan3A_11 = arith.constant 0 : i32
    %scan3A_12 = arith.constant 64 : i32
    %scan3A_13 = arith.addi %scan3A_11, %scan3A_12 : i32
    %scan3A_14 = arith.constant 1 : i32
    %scan3A_15 = scf.for %scan3A_110 = %scan3A_11 to %scan3A_13 step %scan3A_14 iter_args(%scan3A_111 = %scan3A_10) -> (i32)  : i32 {
      %swap3A = arith.constant 0 : i32
      %swap3A_112 = arith.index_cast %swap3A : i32 to index
      %swap3A_113 = arith.index_cast %scan3A_110 : i32 to index
      %swap3A_114 = arith.constant 0 : index
      %swap3A_115 = tpu.vector_load %arg11[%swap3A_112, %swap3A_113, %swap3A_114] {strides = array<i32>} : memref<2x64x128xf32, #tpu.memory_space<vmem>>, vector<16xf32>,
      tpu.vector_store %arg11[%swap3A_112, %swap3A_113, %swap3A_114], %broadcast_in_dim3A_1 {strides = array<i32>} : memref<2x64x128xf32, #tpu.memory_space<vmem>>, vector<16xf32>,
      %swap3A_116 = arith.constant 0 : i32
      %swap3A_117 = arith.index_cast %swap3A_116 : i32 to index
      %swap3A_118 = arith.index_cast %scan3A_110 : i32 to index
      %swap3A_119 = arith.constant 16 : index
      %swap3A_120 = tpu.vector_load %arg11[%swap3A_117, %swap3A_118, %swap3A_119] {strides = array<i32>} : memref<2x64x128xf32, #tpu.memory_space<vmem>>, vector<16xf32>,
      tpu.vector_store %arg11[%swap3A_117, %swap3A_118, %swap3A_119], %broadcast_in_dim3A_1 {strides = array<i32>} : memref<2x64x128xf32, #tpu.memory_space<vmem>>, vector<16xf32>,
      %swap3A_121 = arith.constant 0 : i32
      %swap3A_122 = arith.index_cast %swap3A_121 : i32 to index
      %swap3A_123 = arith.index_cast %scan3A_110 : i32 to index
      %swap3A_124 = arith.constant 32 : index
      %swap3A_125 = tpu.vector_load %arg11[%swap3A_122, %swap3A_123, %swap3A_124] {strides = array<i32>} : memref<2x64x128xf32, #tpu.memory_space<vmem>>, vector<16xf32>,
      tpu.vector_store %arg11[%swap3A_122, %swap3A_123, %swap3A_124], %broadcast_in_dim3A_1 {strides = array<i32>} : memref<2x64x128xf32, #tpu.memory_space<vmem>>, vector<16xf32>,
      %swap3A_126 = arith.constant 0 : i32
      %swap3A_127 = arith.index_cast %swap3A_126 : i32 to index
      %swap3A_128 = arith.index_cast %scan3A_110 : i32 to index
      %swap3A_129 = arith.constant 48 : index
      %swap3A_130 = tpu.vector_load %arg11[%swap3A_127, %swap3A_128, %swap3A_129] {strides = array<i32>} : memref<2x64x128xf32, #tpu.memory_space<vmem>>, vector<16xf32>,
      tpu.vector_store %arg11[%swap3A_127, %swap3A_128, %swap3A_129], %broadcast_in_dim3A_1 {strides = array<i32>} : memref<2x64x128xf32, #tpu.memory_space<vmem>>, vector<16xf32>,
      %swap3A_131 = arith.constant 0 : i32
      %swap3A_132 = arith.index_cast %swap3A_131 : i32 to index
      %swap3A_133 = arith.index_cast %scan3A_110 : i32 to index
      %swap3A_134 = arith.constant 64 : index
      %swap3A_135 = tpu.vector_load %arg11[%swap3A_132, %swap3A_133, %swap3A_134] {strides = array<i32>} : memref<2x64x128xf32, #tpu.memory_space<vmem>>, vector<16xf32>,
      tpu.vector_store %arg11[%swap3A_132, %swap3A_133, %swap3A_134], %broadcast_in_dim3A_1 {strides = array<i32>} : memref<2x64x128xf32, #tpu.memory_space<vmem>>, vector<16xf32>,
      %swap3A_136 = arith.constant 0 : i32
      %swap3A_137 = arith.index_cast %swap3A_136 : i32 to index
      %swap3A_138 = arith.index_cast %scan3A_110 : i32 to index
      %swap3A_139 = arith.constant 80 : index
      %swap3A_140 = tpu.vector_load %arg11[%swap3A_137, %swap3A_138, %swap3A_139] {strides = array<i32>} : memref<2x64x128xf32, #tpu.memory_space<vmem>>, vector<16xf32>,
      tpu.vector_store %arg11[%swap3A_137, %swap3A_138, %swap3A_139], %broadcast_in_dim3A_1 {strides = array<i32>} : memref<2x64x128xf32, #tpu.memory_space<vmem>>, vector<16xf32>,
      %swap3A_141 = arith.constant 0 : i32
      %swap3A_142 = arith.index_cast %swap3A_141 : i32 to index
      %swap3A_143 = arith.index_cast %scan3A_110 : i32 to index
      %swap3A_144 = arith.constant 96 : index
      %swap3A_145 = tpu.vector_load %arg11[%swap3A_142, %swap3A_143, %swap3A_144] {strides = array<i32>} : memref<2x64x128xf32, #tpu.memory_space<vmem>>, vector<16xf32>,
      tpu.vector_store %arg11[%swap3A_142, %swap3A_143, %swap3A_144], %broadcast_in_dim3A_1 {strides = array<i32>} : memref<2x64x128xf32, #tpu.memory_space<vmem>>, vector<16xf32>,
      %swap3A_146 = arith.constant 0 : i32
      %swap3A_147 = arith.index_cast %swap3A_146 : i32 to index
      %swap3A_148 = arith.index_cast %scan3A_110 : i32 to index
      %swap3A_149 = arith.constant 112 : index
      %swap3A_150 = tpu.vector_load %arg11[%swap3A_147, %swap3A_148, %swap3A_149] {strides = array<i32>} : memref<2x64x128xf32, #tpu.memory_space<vmem>>, vector<16xf32>,
      tpu.vector_store %arg11[%swap3A_147, %swap3A_148, %swap3A_149], %broadcast_in_dim3A_1 {strides = array<i32>} : memref<2x64x128xf32, #tpu.memory_space<vmem>>, vector<16xf32>,
      %scan3A_151 = arith.constant 0 : i32
      scf.yield %scan3A_151 : i32
    }
    %scan3A_16 = arith.constant 64 : i32
    %mul3A_17 = arith.constant 640 : i32
    %mul3A_18 = arith.muli %arg1, %mul3A_17 : i32
    %add3A_19 = arith.constant 0 : i32
    %add3A_20 = arith.addi %mul3A_18, %add3A_19 : i32
    %run_scoped3A = arith.constant 0 : i32
    "tpu.region"() ({
      %run_scoped3A_110 = tpu.sem_alloc : memref<!tpu.dma_semaphore, #tpu.memory_space<semaphore_mem>>
      %dma_start3A = arith.constant 0 : i32
      %dma_start3A_111 = arith.constant 0 : i32
      %dma_start3A_112 = tpu.memref_slice %arg11[%run_scoped3A, %dma_start3A, %dma_start3A_111] : memref<2x64x128xf32, #tpu.memory_space<vmem>> -> memref<1x64x128xf32, #tpu.memory_space<vmem>>
      %dma_start3A_113 = tpu.memref_squeeze %dma_start3A_112 : memref<1x64x128xf32, #tpu.memory_space<vmem>> -> memref<64x128xf32, #tpu.memory_space<vmem>>
      %dma_start3A_114 = arith.constant 0 : i32
      %dma_start3A_115 = tpu.memref_slice %arg15[%add3A_20, %dma_start3A_114] : memref<10240x128xf32, #tpu.memory_space<vmem_shared>> -> memref<64x128xf32, #tpu.memory_space<vmem_shared>>
      %dma_start3A_116 = arith.constant 0 : i32
      %dma_start3A_117 = tpu.memref_slice %arg15[%add3A_20, %dma_start3A_116] : memref<10240x128xf32, #tpu.memory_space<vmem_shared>> -> memref<64x128xf32, #tpu.memory_space<vmem_shared>>
      %dma_start3A_118 = arith.constant 0 : i32
      %dma_start3A_119 = arith.constant 0 : i32
      %dma_start3A_120 = tpu.memref_slice %arg11[%run_scoped3A, %dma_start3A_118, %dma_start3A_119] : memref<2x64x128xf32, #tpu.memory_space<vmem>> -> memref<1x64x128xf32, #tpu.memory_space<vmem>>
      %dma_start3A_121 = tpu.memref_squeeze %dma_start3A_120 : memref<1x64x128xf32, #tpu.memory_space<vmem>> -> memref<64x128xf32, #tpu.memory_space<vmem>>
      tpu.enqueue_dma source(%dma_start3A_121 : memref<64x128xf32, #tpu.memory_space<vmem>>) target(%dma_start3A_117 : memref<64x128xf32, #tpu.memory_space<vmem_shared>>) target_semaphore(%run_scoped3A_110 : memref<!tpu.dma_semaphore, #tpu.memory_space<semaphore_mem>>)
      %dma_wait3A = arith.constant 0 : i32
      %dma_wait3A_122 = arith.constant 0 : i32
      %dma_wait3A_123 = tpu.memref_slice %arg11[%run_scoped3A, %dma_wait3A, %dma_wait3A_122] : memref<2x64x128xf32, #tpu.memory_space<vmem>> -> memref<1x64x128xf32, #tpu.memory_space<vmem>>
      %dma_wait3A_124 = tpu.memref_squeeze %dma_wait3A_123 : memref<1x64x128xf32, #tpu.memory_space<vmem>> -> memref<64x128xf32, #tpu.memory_space<vmem>>
      %dma_wait3A_125 = arith.constant 0 : i32
      %dma_wait3A_126 = tpu.memref_slice %arg15[%add3A_20, %dma_wait3A_125] : memref<10240x128xf32, #tpu.memory_space<vmem_shared>> -> memref<64x128xf32, #tpu.memory_space<vmem_shared>>
      %dma_wait3A_127 = arith.constant 0 : i32
      %dma_wait3A_128 = tpu.memref_slice %arg15[%add3A_20, %dma_wait3A_127] : memref<10240x128xf32, #tpu.memory_space<vmem_shared>> -> memref<64x128xf32, #tpu.memory_space<vmem_shared>>
      %dma_wait3A_129 = arith.constant 0 : i32
      %dma_wait3A_130 = arith.constant 0 : i32
      %dma_wait3A_131 = tpu.memref_slice %arg11[%run_scoped3A, %dma_wait3A_129, %dma_wait3A_130] : memref<2x64x128xf32, #tpu.memory_space<vmem>> -> memref<1x64x128xf32, #tpu.memory_space<vmem>>
      %dma_wait3A_132 = tpu.memref_squeeze %dma_wait3A_131 : memref<1x64x128xf32, #tpu.memory_space<vmem>> -> memref<64x128xf32, #tpu.memory_space<vmem>>
      tpu.wait_dma2 semaphore(%run_scoped3A_110 : memref<!tpu.dma_semaphore, #tpu.memory_space<semaphore_mem>>) src(%dma_wait3A_132 : memref<64x128xf32, #tpu.memory_space<vmem>>) dst(%dma_wait3A_128 : memref<64x128xf32, #tpu.memory_space<vmem_shared>>)
      tpu.yield
    }) : () -> ()
    %mul3A_21 = arith.constant 640 : i32
    %mul3A_22 = arith.muli %arg1, %mul3A_21 : i32
    %add3A_23 = arith.constant 64 : i32
    %add3A_24 = arith.addi %mul3A_22, %add3A_23 : i32
    %run_scoped3A_25 = arith.constant 0 : i32
    "tpu.region"() ({
      %run_scoped3A_110 = tpu.sem_alloc : memref<!tpu.dma_semaphore, #tpu.memory_space<semaphore_mem>>
      %dma_start3A = arith.constant 0 : i32
      %dma_start3A_111 = arith.constant 0 : i32
      %dma_start3A_112 = tpu.memref_slice %arg11[%run_scoped3A_25, %dma_start3A, %dma_start3A_111] : memref<2x64x128xf32, #tpu.memory_space<vmem>> -> memref<1x64x128xf32, #tpu.memory_space<vmem>>
      %dma_start3A_113 = tpu.memref_squeeze %dma_start3A_112 : memref<1x64x128xf32, #tpu.memory_space<vmem>> -> memref<64x128xf32, #tpu.memory_space<vmem>>
      %dma_start3A_114 = arith.constant 0 : i32
      %dma_start3A_115 = tpu.memref_slice %arg15[%add3A_24, %dma_start3A_114] : memref<10240x128xf32, #tpu.memory_space<vmem_shared>> -> memref<64x128xf32, #tpu.memory_space<vmem_shared>>
      %dma_start3A_116 = arith.constant 0 : i32
      %dma_start3A_117 = tpu.memref_slice %arg15[%add3A_24, %dma_start3A_116] : memref<10240x128xf32, #tpu.memory_space<vmem_shared>> -> memref<64x128xf32, #tpu.memory_space<vmem_shared>>
      %dma_start3A_118 = arith.constant 0 : i32
      %dma_start3A_119 = arith.constant 0 : i32
      %dma_start3A_120 = tpu.memref_slice %arg11[%run_scoped3A_25, %dma_start3A_118, %dma_start3A_119] : memref<2x64x128xf32, #tpu.memory_space<vmem>> -> memref<1x64x128xf32, #tpu.memory_space<vmem>>
      %dma_start3A_121 = tpu.memref_squeeze %dma_start3A_120 : memref<1x64x128xf32, #tpu.memory_space<vmem>> -> memref<64x128xf32, #tpu.memory_space<vmem>>
      tpu.enqueue_dma source(%dma_start3A_121 : memref<64x128xf32, #tpu.memory_space<vmem>>) target(%dma_start3A_117 : memref<64x128xf32, #tpu.memory_space<vmem_shared>>) target_semaphore(%run_scoped3A_110 : memref<!tpu.dma_semaphore, #tpu.memory_space<semaphore_mem>>)
      %dma_wait3A = arith.constant 0 : i32
      %dma_wait3A_122 = arith.constant 0 : i32
      %dma_wait3A_123 = tpu.memref_slice %arg11[%run_scoped3A_25, %dma_wait3A, %dma_wait3A_122] : memref<2x64x128xf32, #tpu.memory_space<vmem>> -> memref<1x64x128xf32, #tpu.memory_space<vmem>>
      %dma_wait3A_124 = tpu.memref_squeeze %dma_wait3A_123 : memref<1x64x128xf32, #tpu.memory_space<vmem>> -> memref<64x128xf32, #tpu.memory_space<vmem>>
      %dma_wait3A_125 = arith.constant 0 : i32
      %dma_wait3A_126 = tpu.memref_slice %arg15[%add3A_24, %dma_wait3A_125] : memref<10240x128xf32, #tpu.memory_space<vmem_shared>> -> memref<64x128xf32, #tpu.memory_space<vmem_shared>>
      %dma_wait3A_127 = arith.constant 0 : i32
      %dma_wait3A_128 = tpu.memref_slice %arg15[%add3A_24, %dma_wait3A_127] : memref<10240x128xf32, #tpu.memory_space<vmem_shared>> -> memref<64x128xf32, #tpu.memory_space<vmem_shared>>
      %dma_wait3A_129 = arith.constant 0 : i32
      %dma_wait3A_130 = arith.constant 0 : i32
      %dma_wait3A_131 = tpu.memref_slice %arg11[%run_scoped3A_25, %dma_wait3A_129, %dma_wait3A_130] : memref<2x64x128xf32, #tpu.memory_space<vmem>> -> memref<1x64x128xf32, #tpu.memory_space<vmem>>
      %dma_wait3A_132 = tpu.memref_squeeze %dma_wait3A_131 : memref<1x64x128xf32, #tpu.memory_space<vmem>> -> memref<64x128xf32, #tpu.memory_space<vmem>>
      tpu.wait_dma2 semaphore(%run_scoped3A_110 : memref<!tpu.dma_semaphore, #tpu.memory_space<semaphore_mem>>) src(%dma_wait3A_132 : memref<64x128xf32, #tpu.memory_space<vmem>>) dst(%dma_wait3A_128 : memref<64x128xf32, #tpu.memory_space<vmem_shared>>)
      tpu.yield
    }) : () -> ()
    %mul3A_26 = arith.constant 640 : i32
    %mul3A_27 = arith.muli %arg1, %mul3A_26 : i32
    %add3A_28 = arith.constant 128 : i32
    %add3A_29 = arith.addi %mul3A_27, %add3A_28 : i32
    %run_scoped3A_30 = arith.constant 0 : i32
    "tpu.region"() ({
      %run_scoped3A_110 = tpu.sem_alloc : memref<!tpu.dma_semaphore, #tpu.memory_space<semaphore_mem>>
      %dma_start3A = arith.constant 0 : i32
      %dma_start3A_111 = arith.constant 0 : i32
      %dma_start3A_112 = tpu.memref_slice %arg11[%run_scoped3A_30, %dma_start3A, %dma_start3A_111] : memref<2x64x128xf32, #tpu.memory_space<vmem>> -> memref<1x64x128xf32, #tpu.memory_space<vmem>>
      %dma_start3A_113 = tpu.memref_squeeze %dma_start3A_112 : memref<1x64x128xf32, #tpu.memory_space<vmem>> -> memref<64x128xf32, #tpu.memory_space<vmem>>
      %dma_start3A_114 = arith.constant 0 : i32
      %dma_start3A_115 = tpu.memref_slice %arg15[%add3A_29, %dma_start3A_114] : memref<10240x128xf32, #tpu.memory_space<vmem_shared>> -> memref<64x128xf32, #tpu.memory_space<vmem_shared>>
      %dma_start3A_116 = arith.constant 0 : i32
      %dma_start3A_117 = tpu.memref_slice %arg15[%add3A_29, %dma_start3A_116] : memref<10240x128xf32, #tpu.memory_space<vmem_shared>> -> memref<64x128xf32, #tpu.memory_space<vmem_shared>>
      %dma_start3A_118 = arith.constant 0 : i32
      %dma_start3A_119 = arith.constant 0 : i32
      %dma_start3A_120 = tpu.memref_slice %arg11[%run_scoped3A_30, %dma_start3A_118, %dma_start3A_119] : memref<2x64x128xf32, #tpu.memory_space<vmem>> -> memref<1x64x128xf32, #tpu.memory_space<vmem>>
      %dma_start3A_121 = tpu.memref_squeeze %dma_start3A_120 : memref<1x64x128xf32, #tpu.memory_space<vmem>> -> memref<64x128xf32, #tpu.memory_space<vmem>>
      tpu.enqueue_dma source(%dma_start3A_121 : memref<64x128xf32, #tpu.memory_space<vmem>>) target(%dma_start3A_117 : memref<64x128xf32, #tpu.memory_space<vmem_shared>>) target_semaphore(%run_scoped3A_110 : memref<!tpu.dma_semaphore, #tpu.memory_space<semaphore_mem>>)
      %dma_wait3A = arith.constant 0 : i32
      %dma_wait3A_122 = arith.constant 0 : i32
      %dma_wait3A_123 = tpu.memref_slice %arg11[%run_scoped3A_30, %dma_wait3A, %dma_wait3A_122] : memref<2x64x128xf32, #tpu.memory_space<vmem>> -> memref<1x64x128xf32, #tpu.memory_space<vmem>>
      %dma_wait3A_124 = tpu.memref_squeeze %dma_wait3A_123 : memref<1x64x128xf32, #tpu.memory_space<vmem>> -> memref<64x128xf32, #tpu.memory_space<vmem>>
      %dma_wait3A_125 = arith.constant 0 : i32
      %dma_wait3A_126 = tpu.memref_slice %arg15[%add3A_29, %dma_wait3A_125] : memref<10240x128xf32, #tpu.memory_space<vmem_shared>> -> memref<64x128xf32, #tpu.memory_space<vmem_shared>>
      %dma_wait3A_127 = arith.constant 0 : i32
      %dma_wait3A_128 = tpu.memref_slice %arg15[%add3A_29, %dma_wait3A_127] : memref<10240x128xf32, #tpu.memory_space<vmem_shared>> -> memref<64x128xf32, #tpu.memory_space<vmem_shared>>
      %dma_wait3A_129 = arith.constant 0 : i32
      %dma_wait3A_130 = arith.constant 0 : i32
      %dma_wait3A_131 = tpu.memref_slice %arg11[%run_scoped3A_30, %dma_wait3A_129, %dma_wait3A_130] : memref<2x64x128xf32, #tpu.memory_space<vmem>> -> memref<1x64x128xf32, #tpu.memory_space<vmem>>
      %dma_wait3A_132 = tpu.memref_squeeze %dma_wait3A_131 : memref<1x64x128xf32, #tpu.memory_space<vmem>> -> memref<64x128xf32, #tpu.memory_space<vmem>>
      tpu.wait_dma2 semaphore(%run_scoped3A_110 : memref<!tpu.dma_semaphore, #tpu.memory_space<semaphore_mem>>) src(%dma_wait3A_132 : memref<64x128xf32, #tpu.memory_space<vmem>>) dst(%dma_wait3A_128 : memref<64x128xf32, #tpu.memory_space<vmem_shared>>)
      tpu.yield
    }) : () -> ()
    %mul3A_31 = arith.constant 640 : i32
    %mul3A_32 = arith.muli %arg1, %mul3A_31 : i32
    %add3A_33 = arith.constant 192 : i32
    %add3A_34 = arith.addi %mul3A_32, %add3A_33 : i32
    %run_scoped3A_35 = arith.constant 0 : i32
    "tpu.region"() ({
      %run_scoped3A_110 = tpu.sem_alloc : memref<!tpu.dma_semaphore, #tpu.memory_space<semaphore_mem>>
      %dma_start3A = arith.constant 0 : i32
      %dma_start3A_111 = arith.constant 0 : i32
      %dma_start3A_112 = tpu.memref_slice %arg11[%run_scoped3A_35, %dma_start3A, %dma_start3A_111] : memref<2x64x128xf32, #tpu.memory_space<vmem>> -> memref<1x64x128xf32, #tpu.memory_space<vmem>>
      %dma_start3A_113 = tpu.memref_squeeze %dma_start3A_112 : memref<1x64x128xf32, #tpu.memory_space<vmem>> -> memref<64x128xf32, #tpu.memory_space<vmem>>
      %dma_start3A_114 = arith.constant 0 : i32
      %dma_start3A_115 = tpu.memref_slice %arg15[%add3A_34, %dma_start3A_114] : memref<10240x128xf32, #tpu.memory_space<vmem_shared>> -> memref<64x128xf32, #tpu.memory_space<vmem_shared>>
      %dma_start3A_116 = arith.constant 0 : i32
      %dma_start3A_117 = tpu.memref_slice %arg15[%add3A_34, %dma_start3A_116] : memref<10240x128xf32, #tpu.memory_space<vmem_shared>> -> memref<64x128xf32, #tpu.memory_space<vmem_shared>>
      %dma_start3A_118 = arith.constant 0 : i32
      %dma_start3A_119 = arith.constant 0 : i32
      %dma_start3A_120 = tpu.memref_slice %arg11[%run_scoped3A_35, %dma_start3A_118, %dma_start3A_119] : memref<2x64x128xf32, #tpu.memory_space<vmem>> -> memref<1x64x128xf32, #tpu.memory_space<vmem>>
      %dma_start3A_121 = tpu.memref_squeeze %dma_start3A_120 : memref<1x64x128xf32, #tpu.memory_space<vmem>> -> memref<64x128xf32, #tpu.memory_space<vmem>>
      tpu.enqueue_dma source(%dma_start3A_121 : memref<64x128xf32, #tpu.memory_space<vmem>>) target(%dma_start3A_117 : memref<64x128xf32, #tpu.memory_space<vmem_shared>>) target_semaphore(%run_scoped3A_110 : memref<!tpu.dma_semaphore, #tpu.memory_space<semaphore_mem>>)
      %dma_wait3A = arith.constant 0 : i32
      %dma_wait3A_122 = arith.constant 0 : i32
      %dma_wait3A_123 = tpu.memref_slice %arg11[%run_scoped3A_35, %dma_wait3A, %dma_wait3A_122] : memref<2x64x128xf32, #tpu.memory_space<vmem>> -> memref<1x64x128xf32, #tpu.memory_space<vmem>>
      %dma_wait3A_124 = tpu.memref_squeeze %dma_wait3A_123 : memref<1x64x128xf32, #tpu.memory_space<vmem>> -> memref<64x128xf32, #tpu.memory_space<vmem>>
      %dma_wait3A_125 = arith.constant 0 : i32
      %dma_wait3A_126 = tpu.memref_slice %arg15[%add3A_34, %dma_wait3A_125] : memref<10240x128xf32, #tpu.memory_space<vmem_shared>> -> memref<64x128xf32, #tpu.memory_space<vmem_shared>>
      %dma_wait3A_127 = arith.constant 0 : i32
      %dma_wait3A_128 = tpu.memref_slice %arg15[%add3A_34, %dma_wait3A_127] : memref<10240x128xf32, #tpu.memory_space<vmem_shared>> -> memref<64x128xf32, #tpu.memory_space<vmem_shared>>
      %dma_wait3A_129 = arith.constant 0 : i32
      %dma_wait3A_130 = arith.constant 0 : i32
      %dma_wait3A_131 = tpu.memref_slice %arg11[%run_scoped3A_35, %dma_wait3A_129, %dma_wait3A_130] : memref<2x64x128xf32, #tpu.memory_space<vmem>> -> memref<1x64x128xf32, #tpu.memory_space<vmem>>
      %dma_wait3A_132 = tpu.memref_squeeze %dma_wait3A_131 : memref<1x64x128xf32, #tpu.memory_space<vmem>> -> memref<64x128xf32, #tpu.memory_space<vmem>>
      tpu.wait_dma2 semaphore(%run_scoped3A_110 : memref<!tpu.dma_semaphore, #tpu.memory_space<semaphore_mem>>) src(%dma_wait3A_132 : memref<64x128xf32, #tpu.memory_space<vmem>>) dst(%dma_wait3A_128 : memref<64x128xf32, #tpu.memory_space<vmem_shared>>)
      tpu.yield
    }) : () -> ()
    %mul3A_36 = arith.constant 640 : i32
    %mul3A_37 = arith.muli %arg1, %mul3A_36 : i32
    %add3A_38 = arith.constant 256 : i32
    %add3A_39 = arith.addi %mul3A_37, %add3A_38 : i32
    %run_scoped3A_40 = arith.constant 0 : i32
    "tpu.region"() ({
      %run_scoped3A_110 = tpu.sem_alloc : memref<!tpu.dma_semaphore, #tpu.memory_space<semaphore_mem>>
      %dma_start3A = arith.constant 0 : i32
      %dma_start3A_111 = arith.constant 0 : i32
      %dma_start3A_112 = tpu.memref_slice %arg11[%run_scoped3A_40, %dma_start3A, %dma_start3A_111] : memref<2x64x128xf32, #tpu.memory_space<vmem>> -> memref<1x64x128xf32, #tpu.memory_space<vmem>>
      %dma_start3A_113 = tpu.memref_squeeze %dma_start3A_112 : memref<1x64x128xf32, #tpu.memory_space<vmem>> -> memref<64x128xf32, #tpu.memory_space<vmem>>
      %dma_start3A_114 = arith.constant 0 : i32
      %dma_start3A_115 = tpu.memref_slice %arg15[%add3A_39, %dma_start3A_114] : memref<10240x128xf32, #tpu.memory_space<vmem_shared>> -> memref<64x128xf32, #tpu.memory_space<vmem_shared>>
      %dma_start3A_116 = arith.constant 0 : i32
      %dma_start3A_117 = tpu.memref_slice %arg15[%add3A_39, %dma_start3A_116] : memref<10240x128xf32, #tpu.memory_space<vmem_shared>> -> memref<64x128xf32, #tpu.memory_space<vmem_shared>>
      %dma_start3A_118 = arith.constant 0 : i32
      %dma_start3A_119 = arith.constant 0 : i32
      %dma_start3A_120 = tpu.memref_slice %arg11[%run_scoped3A_40, %dma_start3A_118, %dma_start3A_119] : memref<2x64x128xf32, #tpu.memory_space<vmem>> -> memref<1x64x128xf32, #tpu.memory_space<vmem>>
      %dma_start3A_121 = tpu.memref_squeeze %dma_start3A_120 : memref<1x64x128xf32, #tpu.memory_space<vmem>> -> memref<64x128xf32, #tpu.memory_space<vmem>>
      tpu.enqueue_dma source(%dma_start3A_121 : memref<64x128xf32, #tpu.memory_space<vmem>>) target(%dma_start3A_117 : memref<64x128xf32, #tpu.memory_space<vmem_shared>>) target_semaphore(%run_scoped3A_110 : memref<!tpu.dma_semaphore, #tpu.memory_space<semaphore_mem>>)
      %dma_wait3A = arith.constant 0 : i32
      %dma_wait3A_122 = arith.constant 0 : i32
      %dma_wait3A_123 = tpu.memref_slice %arg11[%run_scoped3A_40, %dma_wait3A, %dma_wait3A_122] : memref<2x64x128xf32, #tpu.memory_space<vmem>> -> memref<1x64x128xf32, #tpu.memory_space<vmem>>
      %dma_wait3A_124 = tpu.memref_squeeze %dma_wait3A_123 : memref<1x64x128xf32, #tpu.memory_space<vmem>> -> memref<64x128xf32, #tpu.memory_space<vmem>>
      %dma_wait3A_125 = arith.constant 0 : i32
      %dma_wait3A_126 = tpu.memref_slice %arg15[%add3A_39, %dma_wait3A_125] : memref<10240x128xf32, #tpu.memory_space<vmem_shared>> -> memref<64x128xf32, #tpu.memory_space<vmem_shared>>
      %dma_wait3A_127 = arith.constant 0 : i32
      %dma_wait3A_128 = tpu.memref_slice %arg15[%add3A_39, %dma_wait3A_127] : memref<10240x128xf32, #tpu.memory_space<vmem_shared>> -> memref<64x128xf32, #tpu.memory_space<vmem_shared>>
      %dma_wait3A_129 = arith.constant 0 : i32
      %dma_wait3A_130 = arith.constant 0 : i32
      %dma_wait3A_131 = tpu.memref_slice %arg11[%run_scoped3A_40, %dma_wait3A_129, %dma_wait3A_130] : memref<2x64x128xf32, #tpu.memory_space<vmem>> -> memref<1x64x128xf32, #tpu.memory_space<vmem>>
      %dma_wait3A_132 = tpu.memref_squeeze %dma_wait3A_131 : memref<1x64x128xf32, #tpu.memory_space<vmem>> -> memref<64x128xf32, #tpu.memory_space<vmem>>
      tpu.wait_dma2 semaphore(%run_scoped3A_110 : memref<!tpu.dma_semaphore, #tpu.memory_space<semaphore_mem>>) src(%dma_wait3A_132 : memref<64x128xf32, #tpu.memory_space<vmem>>) dst(%dma_wait3A_128 : memref<64x128xf32, #tpu.memory_space<vmem_shared>>)
      tpu.yield
    }) : () -> ()
    %mul3A_41 = arith.constant 640 : i32
    %mul3A_42 = arith.muli %arg1, %mul3A_41 : i32
    %add3A_43 = arith.constant 320 : i32
    %add3A_44 = arith.addi %mul3A_42, %add3A_43 : i32
    %run_scoped3A_45 = arith.constant 0 : i32
    "tpu.region"() ({
      %run_scoped3A_110 = tpu.sem_alloc : memref<!tpu.dma_semaphore, #tpu.memory_space<semaphore_mem>>
      %dma_start3A = arith.constant 0 : i32
      %dma_start3A_111 = arith.constant 0 : i32
      %dma_start3A_112 = tpu.memref_slice %arg11[%run_scoped3A_45, %dma_start3A, %dma_start3A_111] : memref<2x64x128xf32, #tpu.memory_space<vmem>> -> memref<1x64x128xf32, #tpu.memory_space<vmem>>
      %dma_start3A_113 = tpu.memref_squeeze %dma_start3A_112 : memref<1x64x128xf32, #tpu.memory_space<vmem>> -> memref<64x128xf32, #tpu.memory_space<vmem>>
      %dma_start3A_114 = arith.constant 0 : i32
      %dma_start3A_115 = tpu.memref_slice %arg15[%add3A_44, %dma_start3A_114] : memref<10240x128xf32, #tpu.memory_space<vmem_shared>> -> memref<64x128xf32, #tpu.memory_space<vmem_shared>>
      %dma_start3A_116 = arith.constant 0 : i32
      %dma_start3A_117 = tpu.memref_slice %arg15[%add3A_44, %dma_start3A_116] : memref<10240x128xf32, #tpu.memory_space<vmem_shared>> -> memref<64x128xf32, #tpu.memory_space<vmem_shared>>
      %dma_start3A_118 = arith.constant 0 : i32
      %dma_start3A_119 = arith.constant 0 : i32
      %dma_start3A_120 = tpu.memref_slice %arg11[%run_scoped3A_45, %dma_start3A_118, %dma_start3A_119] : memref<2x64x128xf32, #tpu.memory_space<vmem>> -> memref<1x64x128xf32, #tpu.memory_space<vmem>>
      %dma_start3A_121 = tpu.memref_squeeze %dma_start3A_120 : memref<1x64x128xf32, #tpu.memory_space<vmem>> -> memref<64x128xf32, #tpu.memory_space<vmem>>
      tpu.enqueue_dma source(%dma_start3A_121 : memref<64x128xf32, #tpu.memory_space<vmem>>) target(%dma_start3A_117 : memref<64x128xf32, #tpu.memory_space<vmem_shared>>) target_semaphore(%run_scoped3A_110 : memref<!tpu.dma_semaphore, #tpu.memory_space<semaphore_mem>>)
      %dma_wait3A = arith.constant 0 : i32
      %dma_wait3A_122 = arith.constant 0 : i32
      %dma_wait3A_123 = tpu.memref_slice %arg11[%run_scoped3A_45, %dma_wait3A, %dma_wait3A_122] : memref<2x64x128xf32, #tpu.memory_space<vmem>> -> memref<1x64x128xf32, #tpu.memory_space<vmem>>
      %dma_wait3A_124 = tpu.memref_squeeze %dma_wait3A_123 : memref<1x64x128xf32, #tpu.memory_space<vmem>> -> memref<64x128xf32, #tpu.memory_space<vmem>>
      %dma_wait3A_125 = arith.constant 0 : i32
      %dma_wait3A_126 = tpu.memref_slice %arg15[%add3A_44, %dma_wait3A_125] : memref<10240x128xf32, #tpu.memory_space<vmem_shared>> -> memref<64x128xf32, #tpu.memory_space<vmem_shared>>
      %dma_wait3A_127 = arith.constant 0 : i32
      %dma_wait3A_128 = tpu.memref_slice %arg15[%add3A_44, %dma_wait3A_127] : memref<10240x128xf32, #tpu.memory_space<vmem_shared>> -> memref<64x128xf32, #tpu.memory_space<vmem_shared>>
      %dma_wait3A_129 = arith.constant 0 : i32
      %dma_wait3A_130 = arith.constant 0 : i32
      %dma_wait3A_131 = tpu.memref_slice %arg11[%run_scoped3A_45, %dma_wait3A_129, %dma_wait3A_130] : memref<2x64x128xf32, #tpu.memory_space<vmem>> -> memref<1x64x128xf32, #tpu.memory_space<vmem>>
      %dma_wait3A_132 = tpu.memref_squeeze %dma_wait3A_131 : memref<1x64x128xf32, #tpu.memory_space<vmem>> -> memref<64x128xf32, #tpu.memory_space<vmem>>
      tpu.wait_dma2 semaphore(%run_scoped3A_110 : memref<!tpu.dma_semaphore, #tpu.memory_space<semaphore_mem>>) src(%dma_wait3A_132 : memref<64x128xf32, #tpu.memory_space<vmem>>) dst(%dma_wait3A_128 : memref<64x128xf32, #tpu.memory_space<vmem_shared>>)
      tpu.yield
    }) : () -> ()
    %mul3A_46 = arith.constant 640 : i32
    %mul3A_47 = arith.muli %arg1, %mul3A_46 : i32
    %add3A_48 = arith.constant 384 : i32
    %add3A_49 = arith.addi %mul3A_47, %add3A_48 : i32
    %run_scoped3A_50 = arith.constant 0 : i32
    "tpu.region"() ({
      %run_scoped3A_110 = tpu.sem_alloc : memref<!tpu.dma_semaphore, #tpu.memory_space<semaphore_mem>>
      %dma_start3A = arith.constant 0 : i32
      %dma_start3A_111 = arith.constant 0 : i32
      %dma_start3A_112 = tpu.memref_slice %arg11[%run_scoped3A_50, %dma_start3A, %dma_start3A_111] : memref<2x64x128xf32, #tpu.memory_space<vmem>> -> memref<1x64x128xf32, #tpu.memory_space<vmem>>
      %dma_start3A_113 = tpu.memref_squeeze %dma_start3A_112 : memref<1x64x128xf32, #tpu.memory_space<vmem>> -> memref<64x128xf32, #tpu.memory_space<vmem>>
      %dma_start3A_114 = arith.constant 0 : i32
      %dma_start3A_115 = tpu.memref_slice %arg15[%add3A_49, %dma_start3A_114] : memref<10240x128xf32, #tpu.memory_space<vmem_shared>> -> memref<64x128xf32, #tpu.memory_space<vmem_shared>>
      %dma_start3A_116 = arith.constant 0 : i32
      %dma_start3A_117 = tpu.memref_slice %arg15[%add3A_49, %dma_start3A_116] : memref<10240x128xf32, #tpu.memory_space<vmem_shared>> -> memref<64x128xf32, #tpu.memory_space<vmem_shared>>
      %dma_start3A_118 = arith.constant 0 : i32
      %dma_start3A_119 = arith.constant 0 : i32
      %dma_start3A_120 = tpu.memref_slice %arg11[%run_scoped3A_50, %dma_start3A_118, %dma_start3A_119] : memref<2x64x128xf32, #tpu.memory_space<vmem>> -> memref<1x64x128xf32, #tpu.memory_space<vmem>>
      %dma_start3A_121 = tpu.memref_squeeze %dma_start3A_120 : memref<1x64x128xf32, #tpu.memory_space<vmem>> -> memref<64x128xf32, #tpu.memory_space<vmem>>
      tpu.enqueue_dma source(%dma_start3A_121 : memref<64x128xf32, #tpu.memory_space<vmem>>) target(%dma_start3A_117 : memref<64x128xf32, #tpu.memory_space<vmem_shared>>) target_semaphore(%run_scoped3A_110 : memref<!tpu.dma_semaphore, #tpu.memory_space<semaphore_mem>>)
      %dma_wait3A = arith.constant 0 : i32
      %dma_wait3A_122 = arith.constant 0 : i32
      %dma_wait3A_123 = tpu.memref_slice %arg11[%run_scoped3A_50, %dma_wait3A, %dma_wait3A_122] : memref<2x64x128xf32, #tpu.memory_space<vmem>> -> memref<1x64x128xf32, #tpu.memory_space<vmem>>
      %dma_wait3A_124 = tpu.memref_squeeze %dma_wait3A_123 : memref<1x64x128xf32, #tpu.memory_space<vmem>> -> memref<64x128xf32, #tpu.memory_space<vmem>>
      %dma_wait3A_125 = arith.constant 0 : i32
      %dma_wait3A_126 = tpu.memref_slice %arg15[%add3A_49, %dma_wait3A_125] : memref<10240x128xf32, #tpu.memory_space<vmem_shared>> -> memref<64x128xf32, #tpu.memory_space<vmem_shared>>
      %dma_wait3A_127 = arith.constant 0 : i32
      %dma_wait3A_128 = tpu.memref_slice %arg15[%add3A_49, %dma_wait3A_127] : memref<10240x128xf32, #tpu.memory_space<vmem_shared>> -> memref<64x128xf32, #tpu.memory_space<vmem_shared>>
      %dma_wait3A_129 = arith.constant 0 : i32
      %dma_wait3A_130 = arith.constant 0 : i32
      %dma_wait3A_131 = tpu.memref_slice %arg11[%run_scoped3A_50, %dma_wait3A_129, %dma_wait3A_130] : memref<2x64x128xf32, #tpu.memory_space<vmem>> -> memref<1x64x128xf32, #tpu.memory_space<vmem>>
      %dma_wait3A_132 = tpu.memref_squeeze %dma_wait3A_131 : memref<1x64x128xf32, #tpu.memory_space<vmem>> -> memref<64x128xf32, #tpu.memory_space<vmem>>
      tpu.wait_dma2 semaphore(%run_scoped3A_110 : memref<!tpu.dma_semaphore, #tpu.memory_space<semaphore_mem>>) src(%dma_wait3A_132 : memref<64x128xf32, #tpu.memory_space<vmem>>) dst(%dma_wait3A_128 : memref<64x128xf32, #tpu.memory_space<vmem_shared>>)
      tpu.yield
    }) : () -> ()
    %mul3A_51 = arith.constant 640 : i32
    %mul3A_52 = arith.muli %arg1, %mul3A_51 : i32
    %add3A_53 = arith.constant 448 : i32
    %add3A_54 = arith.addi %mul3A_52, %add3A_53 : i32
    %run_scoped3A_55 = arith.constant 0 : i32
    "tpu.region"() ({
      %run_scoped3A_110 = tpu.sem_alloc : memref<!tpu.dma_semaphore, #tpu.memory_space<semaphore_mem>>
      %dma_start3A = arith.constant 0 : i32
      %dma_start3A_111 = arith.constant 0 : i32
      %dma_start3A_112 = tpu.memref_slice %arg11[%run_scoped3A_55, %dma_start3A, %dma_start3A_111] : memref<2x64x128xf32, #tpu.memory_space<vmem>> -> memref<1x64x128xf32, #tpu.memory_space<vmem>>
      %dma_start3A_113 = tpu.memref_squeeze %dma_start3A_112 : memref<1x64x128xf32, #tpu.memory_space<vmem>> -> memref<64x128xf32, #tpu.memory_space<vmem>>
      %dma_start3A_114 = arith.constant 0 : i32
      %dma_start3A_115 = tpu.memref_slice %arg15[%add3A_54, %dma_start3A_114] : memref<10240x128xf32, #tpu.memory_space<vmem_shared>> -> memref<64x128xf32, #tpu.memory_space<vmem_shared>>
      %dma_start3A_116 = arith.constant 0 : i32
      %dma_start3A_117 = tpu.memref_slice %arg15[%add3A_54, %dma_start3A_116] : memref<10240x128xf32, #tpu.memory_space<vmem_shared>> -> memref<64x128xf32, #tpu.memory_space<vmem_shared>>
      %dma_start3A_118 = arith.constant 0 : i32
      %dma_start3A_119 = arith.constant 0 : i32
      %dma_start3A_120 = tpu.memref_slice %arg11[%run_scoped3A_55, %dma_start3A_118, %dma_start3A_119] : memref<2x64x128xf32, #tpu.memory_space<vmem>> -> memref<1x64x128xf32, #tpu.memory_space<vmem>>
      %dma_start3A_121 = tpu.memref_squeeze %dma_start3A_120 : memref<1x64x128xf32, #tpu.memory_space<vmem>> -> memref<64x128xf32, #tpu.memory_space<vmem>>
      tpu.enqueue_dma source(%dma_start3A_121 : memref<64x128xf32, #tpu.memory_space<vmem>>) target(%dma_start3A_117 : memref<64x128xf32, #tpu.memory_space<vmem_shared>>) target_semaphore(%run_scoped3A_110 : memref<!tpu.dma_semaphore, #tpu.memory_space<semaphore_mem>>)
      %dma_wait3A = arith.constant 0 : i32
      %dma_wait3A_122 = arith.constant 0 : i32
      %dma_wait3A_123 = tpu.memref_slice %arg11[%run_scoped3A_55, %dma_wait3A, %dma_wait3A_122] : memref<2x64x128xf32, #tpu.memory_space<vmem>> -> memref<1x64x128xf32, #tpu.memory_space<vmem>>
      %dma_wait3A_124 = tpu.memref_squeeze %dma_wait3A_123 : memref<1x64x128xf32, #tpu.memory_space<vmem>> -> memref<64x128xf32, #tpu.memory_space<vmem>>
      %dma_wait3A_125 = arith.constant 0 : i32
      %dma_wait3A_126 = tpu.memref_slice %arg15[%add3A_54, %dma_wait3A_125] : memref<10240x128xf32, #tpu.memory_space<vmem_shared>> -> memref<64x128xf32, #tpu.memory_space<vmem_shared>>
      %dma_wait3A_127 = arith.constant 0 : i32
      %dma_wait3A_128 = tpu.memref_slice %arg15[%add3A_54, %dma_wait3A_127] : memref<10240x128xf32, #tpu.memory_space<vmem_shared>> -> memref<64x128xf32, #tpu.memory_space<vmem_shared>>
      %dma_wait3A_129 = arith.constant 0 : i32
      %dma_wait3A_130 = arith.constant 0 : i32
      %dma_wait3A_131 = tpu.memref_slice %arg11[%run_scoped3A_55, %dma_wait3A_129, %dma_wait3A_130] : memref<2x64x128xf32, #tpu.memory_space<vmem>> -> memref<1x64x128xf32, #tpu.memory_space<vmem>>
      %dma_wait3A_132 = tpu.memref_squeeze %dma_wait3A_131 : memref<1x64x128xf32, #tpu.memory_space<vmem>> -> memref<64x128xf32, #tpu.memory_space<vmem>>
      tpu.wait_dma2 semaphore(%run_scoped3A_110 : memref<!tpu.dma_semaphore, #tpu.memory_space<semaphore_mem>>) src(%dma_wait3A_132 : memref<64x128xf32, #tpu.memory_space<vmem>>) dst(%dma_wait3A_128 : memref<64x128xf32, #tpu.memory_space<vmem_shared>>)
      tpu.yield
    }) : () -> ()
    %mul3A_56 = arith.constant 640 : i32
    %mul3A_57 = arith.muli %arg1, %mul3A_56 : i32
    %add3A_58 = arith.constant 512 : i32
    %add3A_59 = arith.addi %mul3A_57, %add3A_58 : i32
    %run_scoped3A_60 = arith.constant 0 : i32
    "tpu.region"() ({
      %run_scoped3A_110 = tpu.sem_alloc : memref<!tpu.dma_semaphore, #tpu.memory_space<semaphore_mem>>
      %dma_start3A = arith.constant 0 : i32
      %dma_start3A_111 = arith.constant 0 : i32
      %dma_start3A_112 = tpu.memref_slice %arg11[%run_scoped3A_60, %dma_start3A, %dma_start3A_111] : memref<2x64x128xf32, #tpu.memory_space<vmem>> -> memref<1x64x128xf32, #tpu.memory_space<vmem>>
      %dma_start3A_113 = tpu.memref_squeeze %dma_start3A_112 : memref<1x64x128xf32, #tpu.memory_space<vmem>> -> memref<64x128xf32, #tpu.memory_space<vmem>>
      %dma_start3A_114 = arith.constant 0 : i32
      %dma_start3A_115 = tpu.memref_slice %arg15[%add3A_59, %dma_start3A_114] : memref<10240x128xf32, #tpu.memory_space<vmem_shared>> -> memref<64x128xf32, #tpu.memory_space<vmem_shared>>
      %dma_start3A_116 = arith.constant 0 : i32
      %dma_start3A_117 = tpu.memref_slice %arg15[%add3A_59, %dma_start3A_116] : memref<10240x128xf32, #tpu.memory_space<vmem_shared>> -> memref<64x128xf32, #tpu.memory_space<vmem_shared>>
      %dma_start3A_118 = arith.constant 0 : i32
      %dma_start3A_119 = arith.constant 0 : i32
      %dma_start3A_120 = tpu.memref_slice %arg11[%run_scoped3A_60, %dma_start3A_118, %dma_start3A_119] : memref<2x64x128xf32, #tpu.memory_space<vmem>> -> memref<1x64x128xf32, #tpu.memory_space<vmem>>
      %dma_start3A_121 = tpu.memref_squeeze %dma_start3A_120 : memref<1x64x128xf32, #tpu.memory_space<vmem>> -> memref<64x128xf32, #tpu.memory_space<vmem>>
      tpu.enqueue_dma source(%dma_start3A_121 : memref<64x128xf32, #tpu.memory_space<vmem>>) target(%dma_start3A_117 : memref<64x128xf32, #tpu.memory_space<vmem_shared>>) target_semaphore(%run_scoped3A_110 : memref<!tpu.dma_semaphore, #tpu.memory_space<semaphore_mem>>)
      %dma_wait3A = arith.constant 0 : i32
      %dma_wait3A_122 = arith.constant 0 : i32
      %dma_wait3A_123 = tpu.memref_slice %arg11[%run_scoped3A_60, %dma_wait3A, %dma_wait3A_122] : memref<2x64x128xf32, #tpu.memory_space<vmem>> -> memref<1x64x128xf32, #tpu.memory_space<vmem>>
      %dma_wait3A_124 = tpu.memref_squeeze %dma_wait3A_123 : memref<1x64x128xf32, #tpu.memory_space<vmem>> -> memref<64x128xf32, #tpu.memory_space<vmem>>
      %dma_wait3A_125 = arith.constant 0 : i32
      %dma_wait3A_126 = tpu.memref_slice %arg15[%add3A_59, %dma_wait3A_125] : memref<10240x128xf32, #tpu.memory_space<vmem_shared>> -> memref<64x128xf32, #tpu.memory_space<vmem_shared>>
      %dma_wait3A_127 = arith.constant 0 : i32
      %dma_wait3A_128 = tpu.memref_slice %arg15[%add3A_59, %dma_wait3A_127] : memref<10240x128xf32, #tpu.memory_space<vmem_shared>> -> memref<64x128xf32, #tpu.memory_space<vmem_shared>>
      %dma_wait3A_129 = arith.constant 0 : i32
      %dma_wait3A_130 = arith.constant 0 : i32
      %dma_wait3A_131 = tpu.memref_slice %arg11[%run_scoped3A_60, %dma_wait3A_129, %dma_wait3A_130] : memref<2x64x128xf32, #tpu.memory_space<vmem>> -> memref<1x64x128xf32, #tpu.memory_space<vmem>>
      %dma_wait3A_132 = tpu.memref_squeeze %dma_wait3A_131 : memref<1x64x128xf32, #tpu.memory_space<vmem>> -> memref<64x128xf32, #tpu.memory_space<vmem>>
      tpu.wait_dma2 semaphore(%run_scoped3A_110 : memref<!tpu.dma_semaphore, #tpu.memory_space<semaphore_mem>>) src(%dma_wait3A_132 : memref<64x128xf32, #tpu.memory_space<vmem>>) dst(%dma_wait3A_128 : memref<64x128xf32, #tpu.memory_space<vmem_shared>>)
      tpu.yield
    }) : () -> ()
    %mul3A_61 = arith.constant 640 : i32
    %mul3A_62 = arith.muli %arg1, %mul3A_61 : i32
    %add3A_63 = arith.constant 576 : i32
    %add3A_64 = arith.addi %mul3A_62, %add3A_63 : i32
    %run_scoped3A_65 = arith.constant 0 : i32
    "tpu.region"() ({
      %run_scoped3A_110 = tpu.sem_alloc : memref<!tpu.dma_semaphore, #tpu.memory_space<semaphore_mem>>
      %dma_start3A = arith.constant 0 : i32
      %dma_start3A_111 = arith.constant 0 : i32
      %dma_start3A_112 = tpu.memref_slice %arg11[%run_scoped3A_65, %dma_start3A, %dma_start3A_111] : memref<2x64x128xf32, #tpu.memory_space<vmem>> -> memref<1x64x128xf32, #tpu.memory_space<vmem>>
      %dma_start3A_113 = tpu.memref_squeeze %dma_start3A_112 : memref<1x64x128xf32, #tpu.memory_space<vmem>> -> memref<64x128xf32, #tpu.memory_space<vmem>>
      %dma_start3A_114 = arith.constant 0 : i32
      %dma_start3A_115 = tpu.memref_slice %arg15[%add3A_64, %dma_start3A_114] : memref<10240x128xf32, #tpu.memory_space<vmem_shared>> -> memref<64x128xf32, #tpu.memory_space<vmem_shared>>
      %dma_start3A_116 = arith.constant 0 : i32
      %dma_start3A_117 = tpu.memref_slice %arg15[%add3A_64, %dma_start3A_116] : memref<10240x128xf32, #tpu.memory_space<vmem_shared>> -> memref<64x128xf32, #tpu.memory_space<vmem_shared>>
      %dma_start3A_118 = arith.constant 0 : i32
      %dma_start3A_119 = arith.constant 0 : i32
      %dma_start3A_120 = tpu.memref_slice %arg11[%run_scoped3A_65, %dma_start3A_118, %dma_start3A_119] : memref<2x64x128xf32, #tpu.memory_space<vmem>> -> memref<1x64x128xf32, #tpu.memory_space<vmem>>
      %dma_start3A_121 = tpu.memref_squeeze %dma_start3A_120 : memref<1x64x128xf32, #tpu.memory_space<vmem>> -> memref<64x128xf32, #tpu.memory_space<vmem>>
      tpu.enqueue_dma source(%dma_start3A_121 : memref<64x128xf32, #tpu.memory_space<vmem>>) target(%dma_start3A_117 : memref<64x128xf32, #tpu.memory_space<vmem_shared>>) target_semaphore(%run_scoped3A_110 : memref<!tpu.dma_semaphore, #tpu.memory_space<semaphore_mem>>)
      %dma_wait3A = arith.constant 0 : i32
      %dma_wait3A_122 = arith.constant 0 : i32
      %dma_wait3A_123 = tpu.memref_slice %arg11[%run_scoped3A_65, %dma_wait3A, %dma_wait3A_122] : memref<2x64x128xf32, #tpu.memory_space<vmem>> -> memref<1x64x128xf32, #tpu.memory_space<vmem>>
      %dma_wait3A_124 = tpu.memref_squeeze %dma_wait3A_123 : memref<1x64x128xf32, #tpu.memory_space<vmem>> -> memref<64x128xf32, #tpu.memory_space<vmem>>
      %dma_wait3A_125 = arith.constant 0 : i32
      %dma_wait3A_126 = tpu.memref_slice %arg15[%add3A_64, %dma_wait3A_125] : memref<10240x128xf32, #tpu.memory_space<vmem_shared>> -> memref<64x128xf32, #tpu.memory_space<vmem_shared>>
      %dma_wait3A_127 = arith.constant 0 : i32
      %dma_wait3A_128 = tpu.memref_slice %arg15[%add3A_64, %dma_wait3A_127] : memref<10240x128xf32, #tpu.memory_space<vmem_shared>> -> memref<64x128xf32, #tpu.memory_space<vmem_shared>>
      %dma_wait3A_129 = arith.constant 0 : i32
      %dma_wait3A_130 = arith.constant 0 : i32
      %dma_wait3A_131 = tpu.memref_slice %arg11[%run_scoped3A_65, %dma_wait3A_129, %dma_wait3A_130] : memref<2x64x128xf32, #tpu.memory_space<vmem>> -> memref<1x64x128xf32, #tpu.memory_space<vmem>>
      %dma_wait3A_132 = tpu.memref_squeeze %dma_wait3A_131 : memref<1x64x128xf32, #tpu.memory_space<vmem>> -> memref<64x128xf32, #tpu.memory_space<vmem>>
      tpu.wait_dma2 semaphore(%run_scoped3A_110 : memref<!tpu.dma_semaphore, #tpu.memory_space<semaphore_mem>>) src(%dma_wait3A_132 : memref<64x128xf32, #tpu.memory_space<vmem>>) dst(%dma_wait3A_128 : memref<64x128xf32, #tpu.memory_space<vmem_shared>>)
      tpu.yield
    }) : () -> ()
    %barrier3A = arith.constant 0 : index
    tpu.barrier barrier_id(%barrier3A)
    %add3A_66 = arith.constant 0 : i32
    %add3A_67 = arith.addi %add3A_66, %add3A : i32
    %lt3A = arith.constant 5000 : i32
    %lt3A_68 = arith.cmpi slt, %add3A_67, %lt3A : i32
    %convert_element_type3A = arith.extui %lt3A_68 : i1 to i32
    %cond3A = arith.constant 0 : i32
    %cond3A_69 = arith.cmpi ne, %convert_element_type3A, %cond3A : i32
    scf.if %cond3A_69 {
      %mul3A_110 = arith.constant 64 : i32
      %mul3A_111 = arith.muli %add3A_67, %mul3A_110 : i32
      %dma_start3A = arith.constant 0 : i32
      %dma_start3A_112 = arith.constant 0 : i32
      %dma_start3A_113 = tpu.memref_slice %arg8[%dma_start3A, %dma_start3A_112] : memref<2x64xi32, #tpu.memory_space<vmem>> -> memref<1x64xi32, #tpu.memory_space<vmem>>
      %dma_start3A_114 = tpu.memref_squeeze %dma_start3A_113 : memref<1x64xi32, #tpu.memory_space<vmem>> -> memref<64xi32, #tpu.memory_space<vmem>>
      %dma_start3A_115 = tpu.memref_slice %arg2[%mul3A_111] : memref<320000xi32, #tpu.memory_space<hbm>> -> memref<64xi32, #tpu.memory_space<hbm>>
      %dma_start3A_116 = arith.constant 0 : i32
      %dma_start3A_117 = tpu.memref_slice %arg8[%dma_start3A, %dma_start3A_116] : memref<2x64xi32, #tpu.memory_space<vmem>> -> memref<1x64xi32, #tpu.memory_space<vmem>>
      %dma_start3A_118 = tpu.memref_squeeze %dma_start3A_117 : memref<1x64xi32, #tpu.memory_space<vmem>> -> memref<64xi32, #tpu.memory_space<vmem>>
      %dma_start3A_119 = tpu.memref_slice %arg2[%mul3A_111] : memref<320000xi32, #tpu.memory_space<hbm>> -> memref<64xi32, #tpu.memory_space<hbm>>
      tpu.enqueue_dma source(%dma_start3A_119 : memref<64xi32, #tpu.memory_space<hbm>>) target(%dma_start3A_118 : memref<64xi32, #tpu.memory_space<vmem>>) target_semaphore(%arg16 : memref<!tpu.dma_semaphore, #tpu.memory_space<semaphore_mem>>)
      %dma_start3A_120 = arith.constant 0 : i32
      %dma_start3A_121 = arith.constant 0 : i32
      %dma_start3A_122 = tpu.memref_slice %arg9[%dma_start3A_120, %dma_start3A_121] : memref<2x64xi32, #tpu.memory_space<vmem>> -> memref<1x64xi32, #tpu.memory_space<vmem>>
      %dma_start3A_123 = tpu.memref_squeeze %dma_start3A_122 : memref<1x64xi32, #tpu.memory_space<vmem>> -> memref<64xi32, #tpu.memory_space<vmem>>
      %dma_start3A_124 = tpu.memref_slice %arg3[%mul3A_111] : memref<320000xi32, #tpu.memory_space<hbm>> -> memref<64xi32, #tpu.memory_space<hbm>>
      %dma_start3A_125 = arith.constant 0 : i32
      %dma_start3A_126 = tpu.memref_slice %arg9[%dma_start3A_120, %dma_start3A_125] : memref<2x64xi32, #tpu.memory_space<vmem>> -> memref<1x64xi32, #tpu.memory_space<vmem>>
      %dma_start3A_127 = tpu.memref_squeeze %dma_start3A_126 : memref<1x64xi32, #tpu.memory_space<vmem>> -> memref<64xi32, #tpu.memory_space<vmem>>
      %dma_start3A_128 = tpu.memref_slice %arg3[%mul3A_111] : memref<320000xi32, #tpu.memory_space<hbm>> -> memref<64xi32, #tpu.memory_space<hbm>>
      tpu.enqueue_dma source(%dma_start3A_128 : memref<64xi32, #tpu.memory_space<hbm>>) target(%dma_start3A_127 : memref<64xi32, #tpu.memory_space<vmem>>) target_semaphore(%arg16 : memref<!tpu.dma_semaphore, #tpu.memory_space<semaphore_mem>>)
    } else {
    }
    %add3A_70 = arith.constant 0 : i32
    %add3A_71 = arith.addi %add3A_70, %add3A : i32
    %lt3A_72 = arith.constant 5000 : i32
    %lt3A_73 = arith.cmpi slt, %add3A_71, %lt3A_72 : i32
    %convert_element_type3A_74 = arith.extui %lt3A_73 : i1 to i32
    %cond3A_75 = arith.constant 0 : i32
    %cond3A_76 = arith.cmpi ne, %convert_element_type3A_74, %cond3A_75 : i32
    scf.if %cond3A_76 {
      %mul3A_110 = arith.constant 64 : i32
      %mul3A_111 = arith.muli %add3A_71, %mul3A_110 : i32
      %dma_wait3A = arith.constant 0 : i32
      %dma_wait3A_112 = arith.constant 0 : i32
      %dma_wait3A_113 = tpu.memref_slice %arg8[%dma_wait3A, %dma_wait3A_112] : memref<2x64xi32, #tpu.memory_space<vmem>> -> memref<1x64xi32, #tpu.memory_space<vmem>>
      %dma_wait3A_114 = tpu.memref_squeeze %dma_wait3A_113 : memref<1x64xi32, #tpu.memory_space<vmem>> -> memref<64xi32, #tpu.memory_space<vmem>>
      %dma_wait3A_115 = tpu.memref_slice %arg2[%mul3A_111] : memref<320000xi32, #tpu.memory_space<hbm>> -> memref<64xi32, #tpu.memory_space<hbm>>
      %dma_wait3A_116 = arith.constant 0 : i32
      %dma_wait3A_117 = tpu.memref_slice %arg8[%dma_wait3A, %dma_wait3A_116] : memref<2x64xi32, #tpu.memory_space<vmem>> -> memref<1x64xi32, #tpu.memory_space<vmem>>
      %dma_wait3A_118 = tpu.memref_squeeze %dma_wait3A_117 : memref<1x64xi32, #tpu.memory_space<vmem>> -> memref<64xi32, #tpu.memory_space<vmem>>
      %dma_wait3A_119 = tpu.memref_slice %arg2[%mul3A_111] : memref<320000xi32, #tpu.memory_space<hbm>> -> memref<64xi32, #tpu.memory_space<hbm>>
      tpu.wait_dma2 semaphore(%arg16 : memref<!tpu.dma_semaphore, #tpu.memory_space<semaphore_mem>>) src(%dma_wait3A_119 : memref<64xi32, #tpu.memory_space<hbm>>) dst(%dma_wait3A_118 : memref<64xi32, #tpu.memory_space<vmem>>)
      %dma_wait3A_120 = arith.constant 0 : i32
      %dma_wait3A_121 = arith.constant 0 : i32
      %dma_wait3A_122 = tpu.memref_slice %arg9[%dma_wait3A_120, %dma_wait3A_121] : memref<2x64xi32, #tpu.memory_space<vmem>> -> memref<1x64xi32, #tpu.memory_space<vmem>>
      %dma_wait3A_123 = tpu.memref_squeeze %dma_wait3A_122 : memref<1x64xi32, #tpu.memory_space<vmem>> -> memref<64xi32, #tpu.memory_space<vmem>>
      %dma_wait3A_124 = tpu.memref_slice %arg2[%mul3A_111] : memref<320000xi32, #tpu.memory_space<hbm>> -> memref<64xi32, #tpu.memory_space<hbm>>
      %dma_wait3A_125 = arith.constant 0 : i32
      %dma_wait3A_126 = tpu.memref_slice %arg9[%dma_wait3A_120, %dma_wait3A_125] : memref<2x64xi32, #tpu.memory_space<vmem>> -> memref<1x64xi32, #tpu.memory_space<vmem>>
      %dma_wait3A_127 = tpu.memref_squeeze %dma_wait3A_126 : memref<1x64xi32, #tpu.memory_space<vmem>> -> memref<64xi32, #tpu.memory_space<vmem>>
      %dma_wait3A_128 = tpu.memref_slice %arg2[%mul3A_111] : memref<320000xi32, #tpu.memory_space<hbm>> -> memref<64xi32, #tpu.memory_space<hbm>>
      tpu.wait_dma2 semaphore(%arg16 : memref<!tpu.dma_semaphore, #tpu.memory_space<semaphore_mem>>) src(%dma_wait3A_128 : memref<64xi32, #tpu.memory_space<hbm>>) dst(%dma_wait3A_127 : memref<64xi32, #tpu.memory_space<vmem>>)
    } else {
    }
    %add3A_77 = arith.constant 0 : i32
    %add3A_78 = arith.addi %add3A_77, %add3A : i32
    %lt3A_79 = arith.constant 5000 : i32
    %lt3A_80 = arith.cmpi slt, %add3A_78, %lt3A_79 : i32
    %convert_element_type3A_81 = arith.extui %lt3A_80 : i1 to i32
    %cond3A_82 = arith.constant 0 : i32
    %cond3A_83 = arith.cmpi ne, %convert_element_type3A_81, %cond3A_82 : i32
    scf.if %cond3A_83 {
      %mul3A_110 = arith.constant 64 : i32
      %mul3A_111 = arith.muli %add3A_78, %mul3A_110 : i32
      %dma_start3A = arith.constant 0 : i32
      %dma_start3A_112 = arith.constant 0 : i32
      %dma_start3A_113 = tpu.memref_slice %arg10[%dma_start3A, %dma_start3A_112] : memref<2x64xi32, #tpu.memory_space<vmem>> -> memref<1x64xi32, #tpu.memory_space<vmem>>
      %dma_start3A_114 = tpu.memref_squeeze %dma_start3A_113 : memref<1x64xi32, #tpu.memory_space<vmem>> -> memref<64xi32, #tpu.memory_space<vmem>>
      %dma_start3A_115 = tpu.memref_slice %arg3[%mul3A_111] : memref<320000xi32, #tpu.memory_space<hbm>> -> memref<64xi32, #tpu.memory_space<hbm>>
      %dma_start3A_116 = arith.constant 0 : i32
      %dma_start3A_117 = tpu.memref_slice %arg10[%dma_start3A, %dma_start3A_116] : memref<2x64xi32, #tpu.memory_space<vmem>> -> memref<1x64xi32, #tpu.memory_space<vmem>>
      %dma_start3A_118 = tpu.memref_squeeze %dma_start3A_117 : memref<1x64xi32, #tpu.memory_space<vmem>> -> memref<64xi32, #tpu.memory_space<vmem>>
      %dma_start3A_119 = tpu.memref_slice %arg3[%mul3A_111] : memref<320000xi32, #tpu.memory_space<hbm>> -> memref<64xi32, #tpu.memory_space<hbm>>
      tpu.enqueue_dma source(%dma_start3A_119 : memref<64xi32, #tpu.memory_space<hbm>>) target(%dma_start3A_118 : memref<64xi32, #tpu.memory_space<vmem>>) target_semaphore(%arg18 : memref<!tpu.dma_semaphore, #tpu.memory_space<semaphore_mem>>)
    } else {
    }
    %add3A_84 = arith.constant 0 : i32
    %add3A_85 = arith.addi %add3A_84, %add3A : i32
    %lt3A_86 = arith.constant 5000 : i32
    %lt3A_87 = arith.cmpi slt, %add3A_85, %lt3A_86 : i32
    %convert_element_type3A_88 = arith.extui %lt3A_87 : i1 to i32
    %cond3A_89 = arith.constant 0 : i32
    %cond3A_90 = arith.cmpi ne, %convert_element_type3A_88, %cond3A_89 : i32
    scf.if %cond3A_90 {
      %dma_start3A = arith.constant 0 : i32
      %dma_start3A_110 = arith.constant 0 : i32
      %dma_start3A_111 = arith.constant 0 : i32
      %dma_start3A_112 = arith.constant 0 : i32
      %dma_start3A_113 = tpu.memref_slice %arg11[%dma_start3A_110, %dma_start3A_111, %dma_start3A_112] : memref<2x64x128xf32, #tpu.memory_space<vmem>> -> memref<1x64x128xf32, #tpu.memory_space<vmem>>
      %dma_start3A_114 = tpu.memref_squeeze %dma_start3A_113 : memref<1x64x128xf32, #tpu.memory_space<vmem>> -> memref<64x128xf32, #tpu.memory_space<vmem>>
      %dma_start3A_115 = arith.constant 0 : i32
      %dma_start3A_116 = tpu.memref_slice %arg9[%dma_start3A, %dma_start3A_115] : memref<2x64xi32, #tpu.memory_space<vmem>> -> memref<1x64xi32, #tpu.memory_space<vmem>>
      %dma_start3A_117 = tpu.memref_squeeze %dma_start3A_116 : memref<1x64xi32, #tpu.memory_space<vmem>> -> memref<64xi32, #tpu.memory_space<vmem>>
      %dma_start3A_118 = arith.constant 0 : i32
      %dma_start3A_119 = arith.constant 0 : i32
      %dma_start3A_120 = tpu.memref_slice %arg4[%dma_start3A_118, %dma_start3A_119] : memref<10000x128xf32, #tpu.memory_space<hbm>> -> memref<10000x128xf32, #tpu.memory_space<hbm>>
      tpu.enqueue_indirect_dma source(%dma_start3A_120 : memref<10000x128xf32, #tpu.memory_space<hbm>>) target(%dma_start3A_114 : memref<64x128xf32, #tpu.memory_space<vmem>>) offsets(%dma_start3A_117 : memref<64xi32, #tpu.memory_space<vmem>>) semaphore(%arg17 : memref<!tpu.dma_semaphore, #tpu.memory_space<semaphore_mem>>)
      %dma_start3A_121 = arith.constant 0 : i32
      %dma_start3A_122 = arith.constant 0 : i32
      %dma_start3A_123 = arith.constant 0 : i32
      %dma_start3A_124 = arith.constant 0 : i32
      %dma_start3A_125 = tpu.memref_slice %arg12[%dma_start3A_122, %dma_start3A_123, %dma_start3A_124] : memref<2x64x128xi32, #tpu.memory_space<vmem>> -> memref<1x64x128xi32, #tpu.memory_space<vmem>>
      %dma_start3A_126 = tpu.memref_squeeze %dma_start3A_125 : memref<1x64x128xi32, #tpu.memory_space<vmem>> -> memref<64x128xi32, #tpu.memory_space<vmem>>
      %dma_start3A_127 = arith.constant 0 : i32
      %dma_start3A_128 = tpu.memref_slice %arg8[%dma_start3A_121, %dma_start3A_127] : memref<2x64xi32, #tpu.memory_space<vmem>> -> memref<1x64xi32, #tpu.memory_space<vmem>>
      %dma_start3A_129 = tpu.memref_squeeze %dma_start3A_128 : memref<1x64xi32, #tpu.memory_space<vmem>> -> memref<64xi32, #tpu.memory_space<vmem>>
      %dma_start3A_130 = arith.constant 0 : i32
      %dma_start3A_131 = arith.constant 0 : i32
      %dma_start3A_132 = tpu.memref_slice %arg5[%dma_start3A_130, %dma_start3A_131] : memref<10000x128xi32, #tpu.memory_space<hbm>> -> memref<10000x128xi32, #tpu.memory_space<hbm>>
      tpu.enqueue_indirect_dma source(%dma_start3A_132 : memref<10000x128xi32, #tpu.memory_space<hbm>>) target(%dma_start3A_126 : memref<64x128xi32, #tpu.memory_space<vmem>>) offsets(%dma_start3A_129 : memref<64xi32, #tpu.memory_space<vmem>>) semaphore(%arg17 : memref<!tpu.dma_semaphore, #tpu.memory_space<semaphore_mem>>)
    } else {
    }
    %add3A_91 = arith.constant 32 : i32
    %add3A_92 = arith.addi %add3A_91, %add3A : i32
    %lt3A_93 = arith.constant 5000 : i32
    %lt3A_94 = arith.cmpi slt, %add3A_92, %lt3A_93 : i32
    %convert_element_type3A_95 = arith.extui %lt3A_94 : i1 to i32
    %cond3A_96 = arith.constant 0 : i32
    %cond3A_97 = arith.cmpi ne, %convert_element_type3A_95, %cond3A_96 : i32
    scf.if %cond3A_97 {
      %mul3A_110 = arith.constant 64 : i32
      %mul3A_111 = arith.muli %add3A_92, %mul3A_110 : i32
      %dma_start3A = arith.constant 1 : i32
      %dma_start3A_112 = arith.constant 0 : i32
      %dma_start3A_113 = tpu.memref_slice %arg8[%dma_start3A, %dma_start3A_112] : memref<2x64xi32, #tpu.memory_space<vmem>> -> memref<1x64xi32, #tpu.memory_space<vmem>>
      %dma_start3A_114 = tpu.memref_squeeze %dma_start3A_113 : memref<1x64xi32, #tpu.memory_space<vmem>> -> memref<64xi32, #tpu.memory_space<vmem>>
      %dma_start3A_115 = tpu.memref_slice %arg2[%mul3A_111] : memref<320000xi32, #tpu.memory_space<hbm>> -> memref<64xi32, #tpu.memory_space<hbm>>
      %dma_start3A_116 = arith.constant 0 : i32
      %dma_start3A_117 = tpu.memref_slice %arg8[%dma_start3A, %dma_start3A_116] : memref<2x64xi32, #tpu.memory_space<vmem>> -> memref<1x64xi32, #tpu.memory_space<vmem>>
      %dma_start3A_118 = tpu.memref_squeeze %dma_start3A_117 : memref<1x64xi32, #tpu.memory_space<vmem>> -> memref<64xi32, #tpu.memory_space<vmem>>
      %dma_start3A_119 = tpu.memref_slice %arg2[%mul3A_111] : memref<320000xi32, #tpu.memory_space<hbm>> -> memref<64xi32, #tpu.memory_space<hbm>>
      tpu.enqueue_dma source(%dma_start3A_119 : memref<64xi32, #tpu.memory_space<hbm>>) target(%dma_start3A_118 : memref<64xi32, #tpu.memory_space<vmem>>) target_semaphore(%arg16 : memref<!tpu.dma_semaphore, #tpu.memory_space<semaphore_mem>>)
      %dma_start3A_120 = arith.constant 1 : i32
      %dma_start3A_121 = arith.constant 0 : i32
      %dma_start3A_122 = tpu.memref_slice %arg9[%dma_start3A_120, %dma_start3A_121] : memref<2x64xi32, #tpu.memory_space<vmem>> -> memref<1x64xi32, #tpu.memory_space<vmem>>
      %dma_start3A_123 = tpu.memref_squeeze %dma_start3A_122 : memref<1x64xi32, #tpu.memory_space<vmem>> -> memref<64xi32, #tpu.memory_space<vmem>>
      %dma_start3A_124 = tpu.memref_slice %arg3[%mul3A_111] : memref<320000xi32, #tpu.memory_space<hbm>> -> memref<64xi32, #tpu.memory_space<hbm>>
      %dma_start3A_125 = arith.constant 0 : i32
      %dma_start3A_126 = tpu.memref_slice %arg9[%dma_start3A_120, %dma_start3A_125] : memref<2x64xi32, #tpu.memory_space<vmem>> -> memref<1x64xi32, #tpu.memory_space<vmem>>
      %dma_start3A_127 = tpu.memref_squeeze %dma_start3A_126 : memref<1x64xi32, #tpu.memory_space<vmem>> -> memref<64xi32, #tpu.memory_space<vmem>>
      %dma_start3A_128 = tpu.memref_slice %arg3[%mul3A_111] : memref<320000xi32, #tpu.memory_space<hbm>> -> memref<64xi32, #tpu.memory_space<hbm>>
      tpu.enqueue_dma source(%dma_start3A_128 : memref<64xi32, #tpu.memory_space<hbm>>) target(%dma_start3A_127 : memref<64xi32, #tpu.memory_space<vmem>>) target_semaphore(%arg16 : memref<!tpu.dma_semaphore, #tpu.memory_space<semaphore_mem>>)
    } else {
    }
    %scan3A_98 = arith.constant 0 : i32
    %scan3A_99 = arith.constant 0 : i32
    %scan3A_100 = arith.constant 79 : i32
    %scan3A_101 = arith.addi %scan3A_99, %scan3A_100 : i32
    %scan3A_102 = arith.constant 1 : i32
    %scan3A_103 = scf.for %scan3A_110 = %scan3A_99 to %scan3A_101 step %scan3A_102 iter_args(%scan3A_111 = %scan3A_98) -> (i32)  : i32 {
      %mul3A_112 = arith.constant 2 : i32
      %mul3A_113 = arith.muli %scan3A_110, %mul3A_112 : i32
      %add3A_114 = arith.constant 0 : i32
      %add3A_115 = arith.addi %mul3A_113, %add3A_114 : i32
      %mul3A_116 = arith.constant 32 : i32
      %mul3A_117 = arith.muli %add3A_115, %mul3A_116 : i32
      %add3A_118 = arith.addi %mul3A_117, %add3A : i32
      %lt3A_119 = arith.constant 5000 : i32
      %lt3A_120 = arith.cmpi slt, %add3A_118, %lt3A_119 : i32
      %convert_element_type3A_121 = arith.extui %lt3A_120 : i1 to i32
      %cond3A_122 = arith.constant 0 : i32
      %cond3A_123 = arith.cmpi ne, %convert_element_type3A_121, %cond3A_122 : i32
      scf.if %cond3A_123 {
        %dma_wait3A = arith.constant 0 : i32
        %dma_wait3A_256 = arith.constant 0 : i32
        %dma_wait3A_257 = arith.constant 0 : i32
        %dma_wait3A_258 = arith.constant 0 : i32
        %dma_wait3A_259 = tpu.memref_slice %arg11[%dma_wait3A_256, %dma_wait3A_257, %dma_wait3A_258] : memref<2x64x128xf32, #tpu.memory_space<vmem>> -> memref<1x64x128xf32, #tpu.memory_space<vmem>>
        %dma_wait3A_260 = tpu.memref_squeeze %dma_wait3A_259 : memref<1x64x128xf32, #tpu.memory_space<vmem>> -> memref<64x128xf32, #tpu.memory_space<vmem>>
        %dma_wait3A_261 = arith.constant 0 : i32
        %dma_wait3A_262 = tpu.memref_slice %arg9[%dma_wait3A, %dma_wait3A_261] : memref<2x64xi32, #tpu.memory_space<vmem>> -> memref<1x64xi32, #tpu.memory_space<vmem>>
        %dma_wait3A_263 = tpu.memref_squeeze %dma_wait3A_262 : memref<1x64xi32, #tpu.memory_space<vmem>> -> memref<64xi32, #tpu.memory_space<vmem>>
        %dma_wait3A_264 = arith.constant 0 : i32
        %dma_wait3A_265 = arith.constant 0 : i32
        %dma_wait3A_266 = tpu.memref_slice %arg4[%dma_wait3A_264, %dma_wait3A_265] : memref<10000x128xf32, #tpu.memory_space<hbm>> -> memref<10000x128xf32, #tpu.memory_space<hbm>>
        tpu.wait_indirect_dma semaphore(%arg17 : memref<!tpu.dma_semaphore, #tpu.memory_space<semaphore_mem>>) src(%dma_wait3A_266 : memref<10000x128xf32, #tpu.memory_space<hbm>>) dst(%dma_wait3A_260 : memref<64x128xf32, #tpu.memory_space<vmem>>)
        %dma_wait3A_267 = arith.constant 0 : i32
        %dma_wait3A_268 = arith.constant 0 : i32
        %dma_wait3A_269 = arith.constant 0 : i32
        %dma_wait3A_270 = arith.constant 0 : i32
        %dma_wait3A_271 = tpu.memref_slice %arg12[%dma_wait3A_268, %dma_wait3A_269, %dma_wait3A_270] : memref<2x64x128xi32, #tpu.memory_space<vmem>> -> memref<1x64x128xi32, #tpu.memory_space<vmem>>
        %dma_wait3A_272 = tpu.memref_squeeze %dma_wait3A_271 : memref<1x64x128xi32, #tpu.memory_space<vmem>> -> memref<64x128xi32, #tpu.memory_space<vmem>>
        %dma_wait3A_273 = arith.constant 0 : i32
        %dma_wait3A_274 = tpu.memref_slice %arg8[%dma_wait3A_267, %dma_wait3A_273] : memref<2x64xi32, #tpu.memory_space<vmem>> -> memref<1x64xi32, #tpu.memory_space<vmem>>
        %dma_wait3A_275 = tpu.memref_squeeze %dma_wait3A_274 : memref<1x64xi32, #tpu.memory_space<vmem>> -> memref<64xi32, #tpu.memory_space<vmem>>
        %dma_wait3A_276 = arith.constant 0 : i32
        %dma_wait3A_277 = arith.constant 0 : i32
        %dma_wait3A_278 = tpu.memref_slice %arg5[%dma_wait3A_276, %dma_wait3A_277] : memref<10000x128xi32, #tpu.memory_space<hbm>> -> memref<10000x128xi32, #tpu.memory_space<hbm>>
        tpu.wait_indirect_dma semaphore(%arg17 : memref<!tpu.dma_semaphore, #tpu.memory_space<semaphore_mem>>) src(%dma_wait3A_278 : memref<10000x128xi32, #tpu.memory_space<hbm>>) dst(%dma_wait3A_272 : memref<64x128xi32, #tpu.memory_space<vmem>>)
      } else {
      }
      %add3A_124 = arith.constant 1 : i32
      %add3A_125 = arith.addi %add3A_115, %add3A_124 : i32
      %mul3A_126 = arith.constant 32 : i32
      %mul3A_127 = arith.muli %add3A_125, %mul3A_126 : i32
      %add3A_128 = arith.addi %mul3A_127, %add3A : i32
      %lt3A_129 = arith.constant 5000 : i32
      %lt3A_130 = arith.cmpi slt, %add3A_128, %lt3A_129 : i32
      %convert_element_type3A_131 = arith.extui %lt3A_130 : i1 to i32
      %cond3A_132 = arith.constant 0 : i32
      %cond3A_133 = arith.cmpi ne, %convert_element_type3A_131, %cond3A_132 : i32
      scf.if %cond3A_133 {
        %mul3A_256 = arith.constant 64 : i32
        %mul3A_257 = arith.muli %add3A_128, %mul3A_256 : i32
        %dma_wait3A = arith.constant 1 : i32
        %dma_wait3A_258 = arith.constant 0 : i32
        %dma_wait3A_259 = tpu.memref_slice %arg8[%dma_wait3A, %dma_wait3A_258] : memref<2x64xi32, #tpu.memory_space<vmem>> -> memref<1x64xi32, #tpu.memory_space<vmem>>
        %dma_wait3A_260 = tpu.memref_squeeze %dma_wait3A_259 : memref<1x64xi32, #tpu.memory_space<vmem>> -> memref<64xi32, #tpu.memory_space<vmem>>
        %dma_wait3A_261 = tpu.memref_slice %arg2[%mul3A_257] : memref<320000xi32, #tpu.memory_space<hbm>> -> memref<64xi32, #tpu.memory_space<hbm>>
        %dma_wait3A_262 = arith.constant 0 : i32
        %dma_wait3A_263 = tpu.memref_slice %arg8[%dma_wait3A, %dma_wait3A_262] : memref<2x64xi32, #tpu.memory_space<vmem>> -> memref<1x64xi32, #tpu.memory_space<vmem>>
        %dma_wait3A_264 = tpu.memref_squeeze %dma_wait3A_263 : memref<1x64xi32, #tpu.memory_space<vmem>> -> memref<64xi32, #tpu.memory_space<vmem>>
        %dma_wait3A_265 = tpu.memref_slice %arg2[%mul3A_257] : memref<320000xi32, #tpu.memory_space<hbm>> -> memref<64xi32, #tpu.memory_space<hbm>>
        tpu.wait_dma2 semaphore(%arg16 : memref<!tpu.dma_semaphore, #tpu.memory_space<semaphore_mem>>) src(%dma_wait3A_265 : memref<64xi32, #tpu.memory_space<hbm>>) dst(%dma_wait3A_264 : memref<64xi32, #tpu.memory_space<vmem>>)
        %dma_wait3A_266 = arith.constant 1 : i32
        %dma_wait3A_267 = arith.constant 0 : i32
        %dma_wait3A_268 = tpu.memref_slice %arg9[%dma_wait3A_266, %dma_wait3A_267] : memref<2x64xi32, #tpu.memory_space<vmem>> -> memref<1x64xi32, #tpu.memory_space<vmem>>
        %dma_wait3A_269 = tpu.memref_squeeze %dma_wait3A_268 : memref<1x64xi32, #tpu.memory_space<vmem>> -> memref<64xi32, #tpu.memory_space<vmem>>
        %dma_wait3A_270 = tpu.memref_slice %arg2[%mul3A_257] : memref<320000xi32, #tpu.memory_space<hbm>> -> memref<64xi32, #tpu.memory_space<hbm>>
        %dma_wait3A_271 = arith.constant 0 : i32
        %dma_wait3A_272 = tpu.memref_slice %arg9[%dma_wait3A_266, %dma_wait3A_271] : memref<2x64xi32, #tpu.memory_space<vmem>> -> memref<1x64xi32, #tpu.memory_space<vmem>>
        %dma_wait3A_273 = tpu.memref_squeeze %dma_wait3A_272 : memref<1x64xi32, #tpu.memory_space<vmem>> -> memref<64xi32, #tpu.memory_space<vmem>>
        %dma_wait3A_274 = tpu.memref_slice %arg2[%mul3A_257] : memref<320000xi32, #tpu.memory_space<hbm>> -> memref<64xi32, #tpu.memory_space<hbm>>
        tpu.wait_dma2 semaphore(%arg16 : memref<!tpu.dma_semaphore, #tpu.memory_space<semaphore_mem>>) src(%dma_wait3A_274 : memref<64xi32, #tpu.memory_space<hbm>>) dst(%dma_wait3A_273 : memref<64xi32, #tpu.memory_space<vmem>>)
      } else {
      }
      %sub3A = arith.constant 1 : i32
      %sub3A_134 = arith.subi %add3A_115, %sub3A : i32
      %mul3A_135 = arith.constant 32 : i32
      %mul3A_136 = arith.muli %sub3A_134, %mul3A_135 : i32
      %add3A_137 = arith.addi %mul3A_136, %add3A : i32
      %ge3A = arith.constant 0 : i32
      %ge3A_138 = arith.cmpi sge, %sub3A_134, %ge3A : i32
      %lt3A_139 = arith.constant 5000 : i32
      %lt3A_140 = arith.cmpi slt, %add3A_137, %lt3A_139 : i32
      %and3A = arith.andi %ge3A_138, %lt3A_140 : i1
      %convert_element_type3A_141 = arith.extui %and3A : i1 to i32
      %cond3A_142 = arith.constant 0 : i32
      %cond3A_143 = arith.cmpi ne, %convert_element_type3A_141, %cond3A_142 : i32
      scf.if %cond3A_143 {
        %dma_wait3A = arith.constant 1 : i32
        %dma_wait3A_256 = arith.constant 1 : i32
        %dma_wait3A_257 = arith.constant 0 : i32
        %dma_wait3A_258 = arith.constant 0 : i32
        %dma_wait3A_259 = tpu.memref_slice %arg11[%dma_wait3A, %dma_wait3A_257, %dma_wait3A_258] : memref<2x64x128xf32, #tpu.memory_space<vmem>> -> memref<1x64x128xf32, #tpu.memory_space<vmem>>
        %dma_wait3A_260 = tpu.memref_squeeze %dma_wait3A_259 : memref<1x64x128xf32, #tpu.memory_space<vmem>> -> memref<64x128xf32, #tpu.memory_space<vmem>>
        %dma_wait3A_261 = arith.constant 0 : i32
        %dma_wait3A_262 = tpu.memref_slice %arg10[%dma_wait3A_256, %dma_wait3A_261] : memref<2x64xi32, #tpu.memory_space<vmem>> -> memref<1x64xi32, #tpu.memory_space<vmem>>
        %dma_wait3A_263 = tpu.memref_squeeze %dma_wait3A_262 : memref<1x64xi32, #tpu.memory_space<vmem>> -> memref<64xi32, #tpu.memory_space<vmem>>
        %dma_wait3A_264 = arith.constant 0 : i32
        %dma_wait3A_265 = arith.constant 0 : i32
        %dma_wait3A_266 = tpu.memref_slice %arg15[%dma_wait3A_264, %dma_wait3A_265] : memref<10240x128xf32, #tpu.memory_space<vmem_shared>> -> memref<10240x128xf32, #tpu.memory_space<vmem_shared>>
        tpu.wait_indirect_dma semaphore(%arg19 : memref<!tpu.dma_semaphore, #tpu.memory_space<semaphore_mem>>) src(%dma_wait3A_260 : memref<64x128xf32, #tpu.memory_space<vmem>>) dst(%dma_wait3A_266 : memref<10240x128xf32, #tpu.memory_space<vmem_shared>>)
      } else {
      }
      %add3A_144 = arith.constant 1 : i32
      %add3A_145 = arith.addi %add3A_115, %add3A_144 : i32
      %mul3A_146 = arith.constant 32 : i32
      %mul3A_147 = arith.muli %add3A_145, %mul3A_146 : i32
      %add3A_148 = arith.addi %mul3A_147, %add3A : i32
      %lt3A_149 = arith.constant 5000 : i32
      %lt3A_150 = arith.cmpi slt, %add3A_148, %lt3A_149 : i32
      %convert_element_type3A_151 = arith.extui %lt3A_150 : i1 to i32
      %cond3A_152 = arith.constant 0 : i32
      %cond3A_153 = arith.cmpi ne, %convert_element_type3A_151, %cond3A_152 : i32
      scf.if %cond3A_153 {
        %mul3A_256 = arith.constant 64 : i32
        %mul3A_257 = arith.muli %add3A_148, %mul3A_256 : i32
        %dma_start3A = arith.constant 1 : i32
        %dma_start3A_258 = arith.constant 0 : i32
        %dma_start3A_259 = tpu.memref_slice %arg10[%dma_start3A, %dma_start3A_258] : memref<2x64xi32, #tpu.memory_space<vmem>> -> memref<1x64xi32, #tpu.memory_space<vmem>>
        %dma_start3A_260 = tpu.memref_squeeze %dma_start3A_259 : memref<1x64xi32, #tpu.memory_space<vmem>> -> memref<64xi32, #tpu.memory_space<vmem>>
        %dma_start3A_261 = tpu.memref_slice %arg3[%mul3A_257] : memref<320000xi32, #tpu.memory_space<hbm>> -> memref<64xi32, #tpu.memory_space<hbm>>
        %dma_start3A_262 = arith.constant 0 : i32
        %dma_start3A_263 = tpu.memref_slice %arg10[%dma_start3A, %dma_start3A_262] : memref<2x64xi32, #tpu.memory_space<vmem>> -> memref<1x64xi32, #tpu.memory_space<vmem>>
        %dma_start3A_264 = tpu.memref_squeeze %dma_start3A_263 : memref<1x64xi32, #tpu.memory_space<vmem>> -> memref<64xi32, #tpu.memory_space<vmem>>
        %dma_start3A_265 = tpu.memref_slice %arg3[%mul3A_257] : memref<320000xi32, #tpu.memory_space<hbm>> -> memref<64xi32, #tpu.memory_space<hbm>>
        tpu.enqueue_dma source(%dma_start3A_265 : memref<64xi32, #tpu.memory_space<hbm>>) target(%dma_start3A_264 : memref<64xi32, #tpu.memory_space<vmem>>) target_semaphore(%arg18 : memref<!tpu.dma_semaphore, #tpu.memory_space<semaphore_mem>>)
      } else {
      }
      %add3A_154 = arith.constant 1 : i32
      %add3A_155 = arith.addi %add3A_115, %add3A_154 : i32
      %mul3A_156 = arith.constant 32 : i32
      %mul3A_157 = arith.muli %add3A_155, %mul3A_156 : i32
      %add3A_158 = arith.addi %mul3A_157, %add3A : i32
      %lt3A_159 = arith.constant 5000 : i32
      %lt3A_160 = arith.cmpi slt, %add3A_158, %lt3A_159 : i32
      %convert_element_type3A_161 = arith.extui %lt3A_160 : i1 to i32
      %cond3A_162 = arith.constant 0 : i32
      %cond3A_163 = arith.cmpi ne, %convert_element_type3A_161, %cond3A_162 : i32
      scf.if %cond3A_163 {
        %dma_start3A = arith.constant 1 : i32
        %dma_start3A_256 = arith.constant 1 : i32
        %dma_start3A_257 = arith.constant 0 : i32
        %dma_start3A_258 = arith.constant 0 : i32
        %dma_start3A_259 = tpu.memref_slice %arg11[%dma_start3A_256, %dma_start3A_257, %dma_start3A_258] : memref<2x64x128xf32, #tpu.memory_space<vmem>> -> memref<1x64x128xf32, #tpu.memory_space<vmem>>
        %dma_start3A_260 = tpu.memref_squeeze %dma_start3A_259 : memref<1x64x128xf32, #tpu.memory_space<vmem>> -> memref<64x128xf32, #tpu.memory_space<vmem>>
        %dma_start3A_261 = arith.constant 0 : i32
        %dma_start3A_262 = tpu.memref_slice %arg9[%dma_start3A, %dma_start3A_261] : memref<2x64xi32, #tpu.memory_space<vmem>> -> memref<1x64xi32, #tpu.memory_space<vmem>>
        %dma_start3A_263 = tpu.memref_squeeze %dma_start3A_262 : memref<1x64xi32, #tpu.memory_space<vmem>> -> memref<64xi32, #tpu.memory_space<vmem>>
        %dma_start3A_264 = arith.constant 0 : i32
        %dma_start3A_265 = arith.constant 0 : i32
        %dma_start3A_266 = tpu.memref_slice %arg4[%dma_start3A_264, %dma_start3A_265] : memref<10000x128xf32, #tpu.memory_space<hbm>> -> memref<10000x128xf32, #tpu.memory_space<hbm>>
        tpu.enqueue_indirect_dma source(%dma_start3A_266 : memref<10000x128xf32, #tpu.memory_space<hbm>>) target(%dma_start3A_260 : memref<64x128xf32, #tpu.memory_space<vmem>>) offsets(%dma_start3A_263 : memref<64xi32, #tpu.memory_space<vmem>>) semaphore(%arg17 : memref<!tpu.dma_semaphore, #tpu.memory_space<semaphore_mem>>)
        %dma_start3A_267 = arith.constant 1 : i32
        %dma_start3A_268 = arith.constant 1 : i32
        %dma_start3A_269 = arith.constant 0 : i32
        %dma_start3A_270 = arith.constant 0 : i32
        %dma_start3A_271 = tpu.memref_slice %arg12[%dma_start3A_268, %dma_start3A_269, %dma_start3A_270] : memref<2x64x128xi32, #tpu.memory_space<vmem>> -> memref<1x64x128xi32, #tpu.memory_space<vmem>>
        %dma_start3A_272 = tpu.memref_squeeze %dma_start3A_271 : memref<1x64x128xi32, #tpu.memory_space<vmem>> -> memref<64x128xi32, #tpu.memory_space<vmem>>
        %dma_start3A_273 = arith.constant 0 : i32
        %dma_start3A_274 = tpu.memref_slice %arg8[%dma_start3A_267, %dma_start3A_273] : memref<2x64xi32, #tpu.memory_space<vmem>> -> memref<1x64xi32, #tpu.memory_space<vmem>>
        %dma_start3A_275 = tpu.memref_squeeze %dma_start3A_274 : memref<1x64xi32, #tpu.memory_space<vmem>> -> memref<64xi32, #tpu.memory_space<vmem>>
        %dma_start3A_276 = arith.constant 0 : i32
        %dma_start3A_277 = arith.constant 0 : i32
        %dma_start3A_278 = tpu.memref_slice %arg5[%dma_start3A_276, %dma_start3A_277] : memref<10000x128xi32, #tpu.memory_space<hbm>> -> memref<10000x128xi32, #tpu.memory_space<hbm>>
        tpu.enqueue_indirect_dma source(%dma_start3A_278 : memref<10000x128xi32, #tpu.memory_space<hbm>>) target(%dma_start3A_272 : memref<64x128xi32, #tpu.memory_space<vmem>>) offsets(%dma_start3A_275 : memref<64xi32, #tpu.memory_space<vmem>>) semaphore(%arg17 : memref<!tpu.dma_semaphore, #tpu.memory_space<semaphore_mem>>)
      } else {
      }
      %mul3A_164 = arith.constant 32 : i32
      %mul3A_165 = arith.muli %add3A_115, %mul3A_164 : i32
      %add3A_166 = arith.addi %mul3A_165, %add3A : i32
      %lt3A_167 = arith.constant 5000 : i32
      %lt3A_168 = arith.cmpi slt, %add3A_166, %lt3A_167 : i32
      %convert_element_type3A_169 = arith.extui %lt3A_168 : i1 to i32
      %cond3A_170 = arith.constant 0 : i32
      %cond3A_171 = arith.cmpi ne, %convert_element_type3A_169, %cond3A_170 : i32
      scf.if %cond3A_171 {
        %scan3A_256 = arith.constant 0 : i32
        %scan3A_257 = arith.constant 0 : i32
        %scan3A_258 = arith.constant 64 : i32
        %scan3A_259 = arith.addi %scan3A_257, %scan3A_258 : i32
        %scan3A_260 = arith.constant 1 : i32
        %scan3A_261 = scf.for %scan3A_342 = %scan3A_257 to %scan3A_259 step %scan3A_260 iter_args(%scan3A_343 = %scan3A_256) -> (i32)  : i32 {
          %get3A_344 = arith.constant 0 : i32
          %get3A_345 = arith.index_cast %get3A_344 : i32 to index
          %get3A_346 = arith.index_cast %scan3A_342 : i32 to index
          %get3A_347 = arith.constant 0 : index
          %get3A_348 = tpu.vector_load %arg12[%get3A_345, %get3A_346, %get3A_347] {strides = array<i32>} : memref<2x64x128xi32, #tpu.memory_space<vmem>>, vector<16xi32>,
          %bitcast3A = vector.bitcast %get3A_348 : vector<16xi32> to vector<32xbf16>
          %unpack3A = tpu.unpack_subelements %bitcast3A, 0 {pack_format = #tpu.pack_format<interleaved>} : vector<32xbf16> -> vector<16xf32>
          %unpack3A_349 = tpu.unpack_subelements %bitcast3A, 1 {pack_format = #tpu.pack_format<interleaved>} : vector<32xbf16> -> vector<16xf32>
          %get3A_350 = arith.constant 0 : i32
          %get3A_351 = arith.index_cast %get3A_350 : i32 to index
          %get3A_352 = arith.index_cast %scan3A_342 : i32 to index
          %get3A_353 = arith.constant 0 : index
          %get3A_354 = tpu.vector_load %arg11[%get3A_351, %get3A_352, %get3A_353] {strides = array<i32>} : memref<2x64x128xf32, #tpu.memory_space<vmem>>, vector<16xf32>,
          %mul3A_355 = arith.mulf %get3A_354, %unpack3A : vector<16xf32>
          %add3A_356 = arith.addf %broadcast_in_dim3A_1, %mul3A_355 : vector<16xf32>
          %get3A_357 = arith.constant 0 : i32
          %get3A_358 = arith.index_cast %get3A_357 : i32 to index
          %get3A_359 = arith.index_cast %scan3A_342 : i32 to index
          %get3A_360 = arith.constant 16 : index
          %get3A_361 = tpu.vector_load %arg11[%get3A_358, %get3A_359, %get3A_360] {strides = array<i32>} : memref<2x64x128xf32, #tpu.memory_space<vmem>>, vector<16xf32>,
          %mul3A_362 = arith.mulf %get3A_361, %unpack3A_349 : vector<16xf32>
          %add3A_363 = arith.addf %broadcast_in_dim3A_1, %mul3A_362 : vector<16xf32>
          %get3A_364 = arith.constant 0 : i32
          %get3A_365 = arith.index_cast %get3A_364 : i32 to index
          %get3A_366 = arith.index_cast %scan3A_342 : i32 to index
          %get3A_367 = arith.constant 16 : index
          %get3A_368 = tpu.vector_load %arg12[%get3A_365, %get3A_366, %get3A_367] {strides = array<i32>} : memref<2x64x128xi32, #tpu.memory_space<vmem>>, vector<16xi32>,
          %bitcast3A_369 = vector.bitcast %get3A_368 : vector<16xi32> to vector<32xbf16>
          %unpack3A_370 = tpu.unpack_subelements %bitcast3A_369, 0 {pack_format = #tpu.pack_format<interleaved>} : vector<32xbf16> -> vector<16xf32>
          %unpack3A_371 = tpu.unpack_subelements %bitcast3A_369, 1 {pack_format = #tpu.pack_format<interleaved>} : vector<32xbf16> -> vector<16xf32>
          %get3A_372 = arith.constant 0 : i32
          %get3A_373 = arith.index_cast %get3A_372 : i32 to index
          %get3A_374 = arith.index_cast %scan3A_342 : i32 to index
          %get3A_375 = arith.constant 32 : index
          %get3A_376 = tpu.vector_load %arg11[%get3A_373, %get3A_374, %get3A_375] {strides = array<i32>} : memref<2x64x128xf32, #tpu.memory_space<vmem>>, vector<16xf32>,
          %mul3A_377 = arith.mulf %get3A_376, %unpack3A_370 : vector<16xf32>
          %add3A_378 = arith.addf %add3A_356, %mul3A_377 : vector<16xf32>
          %get3A_379 = arith.constant 0 : i32
          %get3A_380 = arith.index_cast %get3A_379 : i32 to index
          %get3A_381 = arith.index_cast %scan3A_342 : i32 to index
          %get3A_382 = arith.constant 48 : index
          %get3A_383 = tpu.vector_load %arg11[%get3A_380, %get3A_381, %get3A_382] {strides = array<i32>} : memref<2x64x128xf32, #tpu.memory_space<vmem>>, vector<16xf32>,
          %mul3A_384 = arith.mulf %get3A_383, %unpack3A_371 : vector<16xf32>
          %add3A_385 = arith.addf %add3A_363, %mul3A_384 : vector<16xf32>
          %get3A_386 = arith.constant 0 : i32
          %get3A_387 = arith.index_cast %get3A_386 : i32 to index
          %get3A_388 = arith.index_cast %scan3A_342 : i32 to index
          %get3A_389 = arith.constant 32 : index
          %get3A_390 = tpu.vector_load %arg12[%get3A_387, %get3A_388, %get3A_389] {strides = array<i32>} : memref<2x64x128xi32, #tpu.memory_space<vmem>>, vector<16xi32>,
          %bitcast3A_391 = vector.bitcast %get3A_390 : vector<16xi32> to vector<32xbf16>
          %unpack3A_392 = tpu.unpack_subelements %bitcast3A_391, 0 {pack_format = #tpu.pack_format<interleaved>} : vector<32xbf16> -> vector<16xf32>
          %unpack3A_393 = tpu.unpack_subelements %bitcast3A_391, 1 {pack_format = #tpu.pack_format<interleaved>} : vector<32xbf16> -> vector<16xf32>
          %get3A_394 = arith.constant 0 : i32
          %get3A_395 = arith.index_cast %get3A_394 : i32 to index
          %get3A_396 = arith.index_cast %scan3A_342 : i32 to index
          %get3A_397 = arith.constant 64 : index
          %get3A_398 = tpu.vector_load %arg11[%get3A_395, %get3A_396, %get3A_397] {strides = array<i32>} : memref<2x64x128xf32, #tpu.memory_space<vmem>>, vector<16xf32>,
          %mul3A_399 = arith.mulf %get3A_398, %unpack3A_392 : vector<16xf32>
          %add3A_400 = arith.addf %add3A_378, %mul3A_399 : vector<16xf32>
          %get3A_401 = arith.constant 0 : i32
          %get3A_402 = arith.index_cast %get3A_401 : i32 to index
          %get3A_403 = arith.index_cast %scan3A_342 : i32 to index
          %get3A_404 = arith.constant 80 : index
          %get3A_405 = tpu.vector_load %arg11[%get3A_402, %get3A_403, %get3A_404] {strides = array<i32>} : memref<2x64x128xf32, #tpu.memory_space<vmem>>, vector<16xf32>,
          %mul3A_406 = arith.mulf %get3A_405, %unpack3A_393 : vector<16xf32>
          %add3A_407 = arith.addf %add3A_385, %mul3A_406 : vector<16xf32>
          %get3A_408 = arith.constant 0 : i32
          %get3A_409 = arith.index_cast %get3A_408 : i32 to index
          %get3A_410 = arith.index_cast %scan3A_342 : i32 to index
          %get3A_411 = arith.constant 48 : index
          %get3A_412 = tpu.vector_load %arg12[%get3A_409, %get3A_410, %get3A_411] {strides = array<i32>} : memref<2x64x128xi32, #tpu.memory_space<vmem>>, vector<16xi32>,
          %bitcast3A_413 = vector.bitcast %get3A_412 : vector<16xi32> to vector<32xbf16>
          %unpack3A_414 = tpu.unpack_subelements %bitcast3A_413, 0 {pack_format = #tpu.pack_format<interleaved>} : vector<32xbf16> -> vector<16xf32>
          %unpack3A_415 = tpu.unpack_subelements %bitcast3A_413, 1 {pack_format = #tpu.pack_format<interleaved>} : vector<32xbf16> -> vector<16xf32>
          %get3A_416 = arith.constant 0 : i32
          %get3A_417 = arith.index_cast %get3A_416 : i32 to index
          %get3A_418 = arith.index_cast %scan3A_342 : i32 to index
          %get3A_419 = arith.constant 96 : index
          %get3A_420 = tpu.vector_load %arg11[%get3A_417, %get3A_418, %get3A_419] {strides = array<i32>} : memref<2x64x128xf32, #tpu.memory_space<vmem>>, vector<16xf32>,
          %mul3A_421 = arith.mulf %get3A_420, %unpack3A_414 : vector<16xf32>
          %add3A_422 = arith.addf %add3A_400, %mul3A_421 : vector<16xf32>
          %get3A_423 = arith.constant 0 : i32
          %get3A_424 = arith.index_cast %get3A_423 : i32 to index
          %get3A_425 = arith.index_cast %scan3A_342 : i32 to index
          %get3A_426 = arith.constant 112 : index
          %get3A_427 = tpu.vector_load %arg11[%get3A_424, %get3A_425, %get3A_426] {strides = array<i32>} : memref<2x64x128xf32, #tpu.memory_space<vmem>>, vector<16xf32>,
          %mul3A_428 = arith.mulf %get3A_427, %unpack3A_415 : vector<16xf32>
          %add3A_429 = arith.addf %add3A_407, %mul3A_428 : vector<16xf32>
          %add3A_430 = arith.addf %add3A_422, %add3A_429 : vector<16xf32>
          %reduce_sum3A = arith.constant true
          %reduce_sum3A_431 = vector.broadcast %reduce_sum3A : i1 to vector<16xi1>
          %reduce_sum3A_432 = tpu.scan <sum>, %add3A_430 masked %reduce_sum3A_431 : vector<16xf32>, vector<16xi1> -> vector<16xf32>
          %reduce_sum3A_433 = vector.extract %reduce_sum3A_432[15] : f32 from vector<16xf32>
          %broadcast_in_dim3A_434 = vector.broadcast %reduce_sum3A_433 : f32 to vector<16xf32>
          %swap3A_435 = arith.index_cast %scan3A_342 : i32 to index
          %swap3A_436 = tpu.vector_load %arg13[%swap3A_435] {strides = array<i32>} : memref<80xf32, #tpu.memory_space<vmem>>, vector<16xf32>,
          tpu.vector_store %arg13[%swap3A_435], %broadcast_in_dim3A_434 {strides = array<i32>} : memref<80xf32, #tpu.memory_space<vmem>>, vector<16xf32>,
          %scan3A_437 = arith.constant 0 : i32
          scf.yield %scan3A_437 : i32
        }
        %scan3A_262 = arith.constant 64 : i32
        %get3A = arith.constant 0 : index
        %get3A_263 = tpu.vector_load %arg13[%get3A] {strides = array<i32>} : memref<80xf32, #tpu.memory_space<vmem>>, vector<16xf32>,
        %mul3A_264 = arith.constant 0.0883883461 : f32
        %mul3A_265 = vector.broadcast %mul3A_264 : f32 to vector<16xf32>
        %mul3A_266 = arith.mulf %get3A_263, %mul3A_265 : vector<16xf32>
        %exp3A = math.exp %mul3A_266 : vector<16xf32>
        %swap3A = arith.constant 0 : index
        %swap3A_267 = tpu.vector_load %arg13[%swap3A] {strides = array<i32>} : memref<80xf32, #tpu.memory_space<vmem>>, vector<16xf32>,
        tpu.vector_store %arg13[%swap3A], %exp3A {strides = array<i32>} : memref<80xf32, #tpu.memory_space<vmem>>, vector<16xf32>,
        %get3A_268 = arith.constant 16 : index
        %get3A_269 = tpu.vector_load %arg13[%get3A_268] {strides = array<i32>} : memref<80xf32, #tpu.memory_space<vmem>>, vector<16xf32>,
        %mul3A_270 = arith.constant 0.0883883461 : f32
        %mul3A_271 = vector.broadcast %mul3A_270 : f32 to vector<16xf32>
        %mul3A_272 = arith.mulf %get3A_269, %mul3A_271 : vector<16xf32>
        %exp3A_273 = math.exp %mul3A_272 : vector<16xf32>
        %swap3A_274 = arith.constant 16 : index
        %swap3A_275 = tpu.vector_load %arg13[%swap3A_274] {strides = array<i32>} : memref<80xf32, #tpu.memory_space<vmem>>, vector<16xf32>,
        tpu.vector_store %arg13[%swap3A_274], %exp3A_273 {strides = array<i32>} : memref<80xf32, #tpu.memory_space<vmem>>, vector<16xf32>,
        %get3A_276 = arith.constant 32 : index
        %get3A_277 = tpu.vector_load %arg13[%get3A_276] {strides = array<i32>} : memref<80xf32, #tpu.memory_space<vmem>>, vector<16xf32>,
        %mul3A_278 = arith.constant 0.0883883461 : f32
        %mul3A_279 = vector.broadcast %mul3A_278 : f32 to vector<16xf32>
        %mul3A_280 = arith.mulf %get3A_277, %mul3A_279 : vector<16xf32>
        %exp3A_281 = math.exp %mul3A_280 : vector<16xf32>
        %swap3A_282 = arith.constant 32 : index
        %swap3A_283 = tpu.vector_load %arg13[%swap3A_282] {strides = array<i32>} : memref<80xf32, #tpu.memory_space<vmem>>, vector<16xf32>,
        tpu.vector_store %arg13[%swap3A_282], %exp3A_281 {strides = array<i32>} : memref<80xf32, #tpu.memory_space<vmem>>, vector<16xf32>,
        %get3A_284 = arith.constant 48 : index
        %get3A_285 = tpu.vector_load %arg13[%get3A_284] {strides = array<i32>} : memref<80xf32, #tpu.memory_space<vmem>>, vector<16xf32>,
        %mul3A_286 = arith.constant 0.0883883461 : f32
        %mul3A_287 = vector.broadcast %mul3A_286 : f32 to vector<16xf32>
        %mul3A_288 = arith.mulf %get3A_285, %mul3A_287 : vector<16xf32>
        %exp3A_289 = math.exp %mul3A_288 : vector<16xf32>
        %swap3A_290 = arith.constant 48 : index
        %swap3A_291 = tpu.vector_load %arg13[%swap3A_290] {strides = array<i32>} : memref<80xf32, #tpu.memory_space<vmem>>, vector<16xf32>,
        tpu.vector_store %arg13[%swap3A_290], %exp3A_289 {strides = array<i32>} : memref<80xf32, #tpu.memory_space<vmem>>, vector<16xf32>,
        %get3A_292 = arith.constant 0 : i32
        %get3A_293 = arith.index_cast %get3A_292 : i32 to index
        %get3A_294 = arith.constant 0 : index
        %get3A_295 = tpu.vector_load %arg9[%get3A_293, %get3A_294] {strides = array<i32>} : memref<2x64xi32, #tpu.memory_space<vmem>>, vector<16xi32>,
        %get3A_296 = arith.constant 0 : index
        %get3A_297 = tpu.vector_load %arg13[%get3A_296] {strides = array<i32>} : memref<80xf32, #tpu.memory_space<vmem>>, vector<16xf32>,
        tpu.vector_store_idx %arg14[%get3A_295], %get3A_297 {add = true} : memref<10256xf32, #tpu.memory_space<vmem>>[vector<16xi32>], vector<16xf32>,
        %get3A_298 = arith.constant 0 : i32
        %get3A_299 = arith.index_cast %get3A_298 : i32 to index
        %get3A_300 = arith.constant 16 : index
        %get3A_301 = tpu.vector_load %arg9[%get3A_299, %get3A_300] {strides = array<i32>} : memref<2x64xi32, #tpu.memory_space<vmem>>, vector<16xi32>,
        %get3A_302 = arith.constant 16 : index
        %get3A_303 = tpu.vector_load %arg13[%get3A_302] {strides = array<i32>} : memref<80xf32, #tpu.memory_space<vmem>>, vector<16xf32>,
        tpu.vector_store_idx %arg14[%get3A_301], %get3A_303 {add = true} : memref<10256xf32, #tpu.memory_space<vmem>>[vector<16xi32>], vector<16xf32>,
        %get3A_304 = arith.constant 0 : i32
        %get3A_305 = arith.index_cast %get3A_304 : i32 to index
        %get3A_306 = arith.constant 32 : index
        %get3A_307 = tpu.vector_load %arg9[%get3A_305, %get3A_306] {strides = array<i32>} : memref<2x64xi32, #tpu.memory_space<vmem>>, vector<16xi32>,
        %get3A_308 = arith.constant 32 : index
        %get3A_309 = tpu.vector_load %arg13[%get3A_308] {strides = array<i32>} : memref<80xf32, #tpu.memory_space<vmem>>, vector<16xf32>,
        tpu.vector_store_idx %arg14[%get3A_307], %get3A_309 {add = true} : memref<10256xf32, #tpu.memory_space<vmem>>[vector<16xi32>], vector<16xf32>,
        %get3A_310 = arith.constant 0 : i32
        %get3A_311 = arith.index_cast %get3A_310 : i32 to index
        %get3A_312 = arith.constant 48 : index
        %get3A_313 = tpu.vector_load %arg9[%get3A_311, %get3A_312] {strides = array<i32>} : memref<2x64xi32, #tpu.memory_space<vmem>>, vector<16xi32>,
        %get3A_314 = arith.constant 48 : index
        %get3A_315 = tpu.vector_load %arg13[%get3A_314] {strides = array<i32>} : memref<80xf32, #tpu.memory_space<vmem>>, vector<16xf32>,
        tpu.vector_store_idx %arg14[%get3A_313], %get3A_315 {add = true} : memref<10256xf32, #tpu.memory_space<vmem>>[vector<16xi32>], vector<16xf32>,
        %scan3A_316 = arith.constant 0 : i32
        %scan3A_317 = arith.constant 0 : i32
        %scan3A_318 = arith.constant 64 : i32
        %scan3A_319 = arith.addi %scan3A_317, %scan3A_318 : i32
        %scan3A_320 = arith.constant 1 : i32
        %scan3A_321 = scf.for %scan3A_342 = %scan3A_317 to %scan3A_319 step %scan3A_320 iter_args(%scan3A_343 = %scan3A_316) -> (i32)  : i32 {
          %get3A_344 = arith.index_cast %scan3A_342 : i32 to index
          %get3A_345 = tpu.vector_load %arg13[%get3A_344] {strides = array<i32>} : memref<80xf32, #tpu.memory_space<vmem>>, vector<16xf32>,
          %slice3A = vector.extract_strided_slice %get3A_345 {offsets = [0], sizes = [1], strides = [1]} : vector<16xf32> to vector<1xf32>
          %squeeze3A = vector.extract %slice3A[0] : f32 from vector<1xf32>
          %broadcast_in_dim3A_346 = vector.broadcast %squeeze3A : f32 to vector<16xf32>
          %get3A_347 = arith.constant 0 : i32
          %get3A_348 = arith.index_cast %get3A_347 : i32 to index
          %get3A_349 = arith.index_cast %scan3A_342 : i32 to index
          %get3A_350 = arith.constant 64 : index
          %get3A_351 = tpu.vector_load %arg12[%get3A_348, %get3A_349, %get3A_350] {strides = array<i32>} : memref<2x64x128xi32, #tpu.memory_space<vmem>>, vector<16xi32>,
          %bitcast3A = vector.bitcast %get3A_351 : vector<16xi32> to vector<32xbf16>
          %unpack3A = tpu.unpack_subelements %bitcast3A, 0 {pack_format = #tpu.pack_format<interleaved>} : vector<32xbf16> -> vector<16xf32>
          %unpack3A_352 = tpu.unpack_subelements %bitcast3A, 1 {pack_format = #tpu.pack_format<interleaved>} : vector<32xbf16> -> vector<16xf32>
          %mul3A_353 = arith.mulf %unpack3A, %broadcast_in_dim3A_346 : vector<16xf32>
          %swap3A_354 = arith.constant 0 : i32
          %swap3A_355 = arith.index_cast %swap3A_354 : i32 to index
          %swap3A_356 = arith.index_cast %scan3A_342 : i32 to index
          %swap3A_357 = arith.constant 0 : index
          %swap3A_358 = tpu.vector_load %arg11[%swap3A_355, %swap3A_356, %swap3A_357] {strides = array<i32>} : memref<2x64x128xf32, #tpu.memory_space<vmem>>, vector<16xf32>,
          tpu.vector_store %arg11[%swap3A_355, %swap3A_356, %swap3A_357], %mul3A_353 {strides = array<i32>} : memref<2x64x128xf32, #tpu.memory_space<vmem>>, vector<16xf32>,
          %mul3A_359 = arith.mulf %unpack3A_352, %broadcast_in_dim3A_346 : vector<16xf32>
          %swap3A_360 = arith.constant 0 : i32
          %swap3A_361 = arith.index_cast %swap3A_360 : i32 to index
          %swap3A_362 = arith.index_cast %scan3A_342 : i32 to index
          %swap3A_363 = arith.constant 16 : index
          %swap3A_364 = tpu.vector_load %arg11[%swap3A_361, %swap3A_362, %swap3A_363] {strides = array<i32>} : memref<2x64x128xf32, #tpu.memory_space<vmem>>, vector<16xf32>,
          tpu.vector_store %arg11[%swap3A_361, %swap3A_362, %swap3A_363], %mul3A_359 {strides = array<i32>} : memref<2x64x128xf32, #tpu.memory_space<vmem>>, vector<16xf32>,
          %get3A_365 = arith.constant 0 : i32
          %get3A_366 = arith.index_cast %get3A_365 : i32 to index
          %get3A_367 = arith.index_cast %scan3A_342 : i32 to index
          %get3A_368 = arith.constant 80 : index
          %get3A_369 = tpu.vector_load %arg12[%get3A_366, %get3A_367, %get3A_368] {strides = array<i32>} : memref<2x64x128xi32, #tpu.memory_space<vmem>>, vector<16xi32>,
          %bitcast3A_370 = vector.bitcast %get3A_369 : vector<16xi32> to vector<32xbf16>
          %unpack3A_371 = tpu.unpack_subelements %bitcast3A_370, 0 {pack_format = #tpu.pack_format<interleaved>} : vector<32xbf16> -> vector<16xf32>
          %unpack3A_372 = tpu.unpack_subelements %bitcast3A_370, 1 {pack_format = #tpu.pack_format<interleaved>} : vector<32xbf16> -> vector<16xf32>
          %mul3A_373 = arith.mulf %unpack3A_371, %broadcast_in_dim3A_346 : vector<16xf32>
          %swap3A_374 = arith.constant 0 : i32
          %swap3A_375 = arith.index_cast %swap3A_374 : i32 to index
          %swap3A_376 = arith.index_cast %scan3A_342 : i32 to index
          %swap3A_377 = arith.constant 32 : index
          %swap3A_378 = tpu.vector_load %arg11[%swap3A_375, %swap3A_376, %swap3A_377] {strides = array<i32>} : memref<2x64x128xf32, #tpu.memory_space<vmem>>, vector<16xf32>,
          tpu.vector_store %arg11[%swap3A_375, %swap3A_376, %swap3A_377], %mul3A_373 {strides = array<i32>} : memref<2x64x128xf32, #tpu.memory_space<vmem>>, vector<16xf32>,
          %mul3A_379 = arith.mulf %unpack3A_372, %broadcast_in_dim3A_346 : vector<16xf32>
          %swap3A_380 = arith.constant 0 : i32
          %swap3A_381 = arith.index_cast %swap3A_380 : i32 to index
          %swap3A_382 = arith.index_cast %scan3A_342 : i32 to index
          %swap3A_383 = arith.constant 48 : index
          %swap3A_384 = tpu.vector_load %arg11[%swap3A_381, %swap3A_382, %swap3A_383] {strides = array<i32>} : memref<2x64x128xf32, #tpu.memory_space<vmem>>, vector<16xf32>,
          tpu.vector_store %arg11[%swap3A_381, %swap3A_382, %swap3A_383], %mul3A_379 {strides = array<i32>} : memref<2x64x128xf32, #tpu.memory_space<vmem>>, vector<16xf32>,
          %get3A_385 = arith.constant 0 : i32
          %get3A_386 = arith.index_cast %get3A_385 : i32 to index
          %get3A_387 = arith.index_cast %scan3A_342 : i32 to index
          %get3A_388 = arith.constant 96 : index
          %get3A_389 = tpu.vector_load %arg12[%get3A_386, %get3A_387, %get3A_388] {strides = array<i32>} : memref<2x64x128xi32, #tpu.memory_space<vmem>>, vector<16xi32>,
          %bitcast3A_390 = vector.bitcast %get3A_389 : vector<16xi32> to vector<32xbf16>
          %unpack3A_391 = tpu.unpack_subelements %bitcast3A_390, 0 {pack_format = #tpu.pack_format<interleaved>} : vector<32xbf16> -> vector<16xf32>
          %unpack3A_392 = tpu.unpack_subelements %bitcast3A_390, 1 {pack_format = #tpu.pack_format<interleaved>} : vector<32xbf16> -> vector<16xf32>
          %mul3A_393 = arith.mulf %unpack3A_391, %broadcast_in_dim3A_346 : vector<16xf32>
          %swap3A_394 = arith.constant 0 : i32
          %swap3A_395 = arith.index_cast %swap3A_394 : i32 to index
          %swap3A_396 = arith.index_cast %scan3A_342 : i32 to index
          %swap3A_397 = arith.constant 64 : index
          %swap3A_398 = tpu.vector_load %arg11[%swap3A_395, %swap3A_396, %swap3A_397] {strides = array<i32>} : memref<2x64x128xf32, #tpu.memory_space<vmem>>, vector<16xf32>,
          tpu.vector_store %arg11[%swap3A_395, %swap3A_396, %swap3A_397], %mul3A_393 {strides = array<i32>} : memref<2x64x128xf32, #tpu.memory_space<vmem>>, vector<16xf32>,
          %mul3A_399 = arith.mulf %unpack3A_392, %broadcast_in_dim3A_346 : vector<16xf32>
          %swap3A_400 = arith.constant 0 : i32
          %swap3A_401 = arith.index_cast %swap3A_400 : i32 to index
          %swap3A_402 = arith.index_cast %scan3A_342 : i32 to index
          %swap3A_403 = arith.constant 80 : index
          %swap3A_404 = tpu.vector_load %arg11[%swap3A_401, %swap3A_402, %swap3A_403] {strides = array<i32>} : memref<2x64x128xf32, #tpu.memory_space<vmem>>, vector<16xf32>,
          tpu.vector_store %arg11[%swap3A_401, %swap3A_402, %swap3A_403], %mul3A_399 {strides = array<i32>} : memref<2x64x128xf32, #tpu.memory_space<vmem>>, vector<16xf32>,
          %get3A_405 = arith.constant 0 : i32
          %get3A_406 = arith.index_cast %get3A_405 : i32 to index
          %get3A_407 = arith.index_cast %scan3A_342 : i32 to index
          %get3A_408 = arith.constant 112 : index
          %get3A_409 = tpu.vector_load %arg12[%get3A_406, %get3A_407, %get3A_408] {strides = array<i32>} : memref<2x64x128xi32, #tpu.memory_space<vmem>>, vector<16xi32>,
          %bitcast3A_410 = vector.bitcast %get3A_409 : vector<16xi32> to vector<32xbf16>
          %unpack3A_411 = tpu.unpack_subelements %bitcast3A_410, 0 {pack_format = #tpu.pack_format<interleaved>} : vector<32xbf16> -> vector<16xf32>
          %unpack3A_412 = tpu.unpack_subelements %bitcast3A_410, 1 {pack_format = #tpu.pack_format<interleaved>} : vector<32xbf16> -> vector<16xf32>
          %mul3A_413 = arith.mulf %unpack3A_411, %broadcast_in_dim3A_346 : vector<16xf32>
          %swap3A_414 = arith.constant 0 : i32
          %swap3A_415 = arith.index_cast %swap3A_414 : i32 to index
          %swap3A_416 = arith.index_cast %scan3A_342 : i32 to index
          %swap3A_417 = arith.constant 96 : index
          %swap3A_418 = tpu.vector_load %arg11[%swap3A_415, %swap3A_416, %swap3A_417] {strides = array<i32>} : memref<2x64x128xf32, #tpu.memory_space<vmem>>, vector<16xf32>,
          tpu.vector_store %arg11[%swap3A_415, %swap3A_416, %swap3A_417], %mul3A_413 {strides = array<i32>} : memref<2x64x128xf32, #tpu.memory_space<vmem>>, vector<16xf32>,
          %mul3A_419 = arith.mulf %unpack3A_412, %broadcast_in_dim3A_346 : vector<16xf32>
          %swap3A_420 = arith.constant 0 : i32
          %swap3A_421 = arith.index_cast %swap3A_420 : i32 to index
          %swap3A_422 = arith.index_cast %scan3A_342 : i32 to index
          %swap3A_423 = arith.constant 112 : index
          %swap3A_424 = tpu.vector_load %arg11[%swap3A_421, %swap3A_422, %swap3A_423] {strides = array<i32>} : memref<2x64x128xf32, #tpu.memory_space<vmem>>, vector<16xf32>,
          tpu.vector_store %arg11[%swap3A_421, %swap3A_422, %swap3A_423], %mul3A_419 {strides = array<i32>} : memref<2x64x128xf32, #tpu.memory_space<vmem>>, vector<16xf32>,
          %scan3A_425 = arith.constant 0 : i32
          scf.yield %scan3A_425 : i32
        }
        %scan3A_322 = arith.constant 64 : i32
        %mul3A_323 = arith.constant 32 : i32
        %mul3A_324 = arith.muli %add3A_115, %mul3A_323 : i32
        %add3A_325 = arith.addi %mul3A_324, %add3A : i32
        %lt3A_326 = arith.constant 5000 : i32
        %lt3A_327 = arith.cmpi slt, %add3A_325, %lt3A_326 : i32
        %convert_element_type3A_328 = arith.extui %lt3A_327 : i1 to i32
        %cond3A_329 = arith.constant 0 : i32
        %cond3A_330 = arith.cmpi ne, %convert_element_type3A_328, %cond3A_329 : i32
        scf.if %cond3A_330 {
          %mul3A_342 = arith.constant 64 : i32
          %mul3A_343 = arith.muli %add3A_325, %mul3A_342 : i32
          %dma_wait3A = arith.constant 0 : i32
          %dma_wait3A_344 = arith.constant 0 : i32
          %dma_wait3A_345 = tpu.memref_slice %arg10[%dma_wait3A, %dma_wait3A_344] : memref<2x64xi32, #tpu.memory_space<vmem>> -> memref<1x64xi32, #tpu.memory_space<vmem>>
          %dma_wait3A_346 = tpu.memref_squeeze %dma_wait3A_345 : memref<1x64xi32, #tpu.memory_space<vmem>> -> memref<64xi32, #tpu.memory_space<vmem>>
          %dma_wait3A_347 = tpu.memref_slice %arg3[%mul3A_343] : memref<320000xi32, #tpu.memory_space<hbm>> -> memref<64xi32, #tpu.memory_space<hbm>>
          %dma_wait3A_348 = arith.constant 0 : i32
          %dma_wait3A_349 = tpu.memref_slice %arg10[%dma_wait3A, %dma_wait3A_348] : memref<2x64xi32, #tpu.memory_space<vmem>> -> memref<1x64xi32, #tpu.memory_space<vmem>>
          %dma_wait3A_350 = tpu.memref_squeeze %dma_wait3A_349 : memref<1x64xi32, #tpu.memory_space<vmem>> -> memref<64xi32, #tpu.memory_space<vmem>>
          %dma_wait3A_351 = tpu.memref_slice %arg3[%mul3A_343] : memref<320000xi32, #tpu.memory_space<hbm>> -> memref<64xi32, #tpu.memory_space<hbm>>
          tpu.wait_dma2 semaphore(%arg18 : memref<!tpu.dma_semaphore, #tpu.memory_space<semaphore_mem>>) src(%dma_wait3A_351 : memref<64xi32, #tpu.memory_space<hbm>>) dst(%dma_wait3A_350 : memref<64xi32, #tpu.memory_space<vmem>>)
        } else {
        }
        %dma_start3A = arith.constant 0 : i32
        %dma_start3A_331 = arith.constant 0 : i32
        %dma_start3A_332 = arith.constant 0 : i32
        %dma_start3A_333 = arith.constant 0 : i32
        %dma_start3A_334 = tpu.memref_slice %arg11[%dma_start3A, %dma_start3A_332, %dma_start3A_333] : memref<2x64x128xf32, #tpu.memory_space<vmem>> -> memref<1x64x128xf32, #tpu.memory_space<vmem>>
        %dma_start3A_335 = tpu.memref_squeeze %dma_start3A_334 : memref<1x64x128xf32, #tpu.memory_space<vmem>> -> memref<64x128xf32, #tpu.memory_space<vmem>>
        %dma_start3A_336 = arith.constant 0 : i32
        %dma_start3A_337 = tpu.memref_slice %arg10[%dma_start3A_331, %dma_start3A_336] : memref<2x64xi32, #tpu.memory_space<vmem>> -> memref<1x64xi32, #tpu.memory_space<vmem>>
        %dma_start3A_338 = tpu.memref_squeeze %dma_start3A_337 : memref<1x64xi32, #tpu.memory_space<vmem>> -> memref<64xi32, #tpu.memory_space<vmem>>
        %dma_start3A_339 = arith.constant 0 : i32
        %dma_start3A_340 = arith.constant 0 : i32
        %dma_start3A_341 = tpu.memref_slice %arg15[%dma_start3A_339, %dma_start3A_340] : memref<10240x128xf32, #tpu.memory_space<vmem_shared>> -> memref<10240x128xf32, #tpu.memory_space<vmem_shared>>
        tpu.enqueue_indirect_dma source(%dma_start3A_335 : memref<64x128xf32, #tpu.memory_space<vmem>>) target(%dma_start3A_341 : memref<10240x128xf32, #tpu.memory_space<vmem_shared>>) offsets(%dma_start3A_338 : memref<64xi32, #tpu.memory_space<vmem>>) semaphore(%arg19 : memref<!tpu.dma_semaphore, #tpu.memory_space<semaphore_mem>>) {add = true}
      } else {
      }
      %add3A_172 = arith.constant 2 : i32
      %add3A_173 = arith.addi %add3A_115, %add3A_172 : i32
      %mul3A_174 = arith.constant 32 : i32
      %mul3A_175 = arith.muli %add3A_173, %mul3A_174 : i32
      %add3A_176 = arith.addi %mul3A_175, %add3A : i32
      %lt3A_177 = arith.constant 5000 : i32
      %lt3A_178 = arith.cmpi slt, %add3A_176, %lt3A_177 : i32
      %convert_element_type3A_179 = arith.extui %lt3A_178 : i1 to i32
      %cond3A_180 = arith.constant 0 : i32
      %cond3A_181 = arith.cmpi ne, %convert_element_type3A_179, %cond3A_180 : i32
      scf.if %cond3A_181 {
        %mul3A_256 = arith.constant 64 : i32
        %mul3A_257 = arith.muli %add3A_176, %mul3A_256 : i32
        %dma_start3A = arith.constant 0 : i32
        %dma_start3A_258 = arith.constant 0 : i32
        %dma_start3A_259 = tpu.memref_slice %arg8[%dma_start3A, %dma_start3A_258] : memref<2x64xi32, #tpu.memory_space<vmem>> -> memref<1x64xi32, #tpu.memory_space<vmem>>
        %dma_start3A_260 = tpu.memref_squeeze %dma_start3A_259 : memref<1x64xi32, #tpu.memory_space<vmem>> -> memref<64xi32, #tpu.memory_space<vmem>>
        %dma_start3A_261 = tpu.memref_slice %arg2[%mul3A_257] : memref<320000xi32, #tpu.memory_space<hbm>> -> memref<64xi32, #tpu.memory_space<hbm>>
        %dma_start3A_262 = arith.constant 0 : i32
        %dma_start3A_263 = tpu.memref_slice %arg8[%dma_start3A, %dma_start3A_262] : memref<2x64xi32, #tpu.memory_space<vmem>> -> memref<1x64xi32, #tpu.memory_space<vmem>>
        %dma_start3A_264 = tpu.memref_squeeze %dma_start3A_263 : memref<1x64xi32, #tpu.memory_space<vmem>> -> memref<64xi32, #tpu.memory_space<vmem>>
        %dma_start3A_265 = tpu.memref_slice %arg2[%mul3A_257] : memref<320000xi32, #tpu.memory_space<hbm>> -> memref<64xi32, #tpu.memory_space<hbm>>
        tpu.enqueue_dma source(%dma_start3A_265 : memref<64xi32, #tpu.memory_space<hbm>>) target(%dma_start3A_264 : memref<64xi32, #tpu.memory_space<vmem>>) target_semaphore(%arg16 : memref<!tpu.dma_semaphore, #tpu.memory_space<semaphore_mem>>)
        %dma_start3A_266 = arith.constant 0 : i32
        %dma_start3A_267 = arith.constant 0 : i32
        %dma_start3A_268 = tpu.memref_slice %arg9[%dma_start3A_266, %dma_start3A_267] : memref<2x64xi32, #tpu.memory_space<vmem>> -> memref<1x64xi32, #tpu.memory_space<vmem>>
        %dma_start3A_269 = tpu.memref_squeeze %dma_start3A_268 : memref<1x64xi32, #tpu.memory_space<vmem>> -> memref<64xi32, #tpu.memory_space<vmem>>
        %dma_start3A_270 = tpu.memref_slice %arg3[%mul3A_257] : memref<320000xi32, #tpu.memory_space<hbm>> -> memref<64xi32, #tpu.memory_space<hbm>>
        %dma_start3A_271 = arith.constant 0 : i32
        %dma_start3A_272 = tpu.memref_slice %arg9[%dma_start3A_266, %dma_start3A_271] : memref<2x64xi32, #tpu.memory_space<vmem>> -> memref<1x64xi32, #tpu.memory_space<vmem>>
        %dma_start3A_273 = tpu.memref_squeeze %dma_start3A_272 : memref<1x64xi32, #tpu.memory_space<vmem>> -> memref<64xi32, #tpu.memory_space<vmem>>
        %dma_start3A_274 = tpu.memref_slice %arg3[%mul3A_257] : memref<320000xi32, #tpu.memory_space<hbm>> -> memref<64xi32, #tpu.memory_space<hbm>>
        tpu.enqueue_dma source(%dma_start3A_274 : memref<64xi32, #tpu.memory_space<hbm>>) target(%dma_start3A_273 : memref<64xi32, #tpu.memory_space<vmem>>) target_semaphore(%arg16 : memref<!tpu.dma_semaphore, #tpu.memory_space<semaphore_mem>>)
      } else {
      }
      %mul3A_182 = arith.constant 2 : i32
      %mul3A_183 = arith.muli %scan3A_110, %mul3A_182 : i32
      %add3A_184 = arith.constant 1 : i32
      %add3A_185 = arith.addi %mul3A_183, %add3A_184 : i32
      %mul3A_186 = arith.constant 32 : i32
      %mul3A_187 = arith.muli %add3A_185, %mul3A_186 : i32
      %add3A_188 = arith.addi %mul3A_187, %add3A : i32
      %lt3A_189 = arith.constant 5000 : i32
      %lt3A_190 = arith.cmpi slt, %add3A_188, %lt3A_189 : i32
      %convert_element_type3A_191 = arith.extui %lt3A_190 : i1 to i32
      %cond3A_192 = arith.constant 0 : i32
      %cond3A_193 = arith.cmpi ne, %convert_element_type3A_191, %cond3A_192 : i32
      scf.if %cond3A_193 {
        %dma_wait3A = arith.constant 1 : i32
        %dma_wait3A_256 = arith.constant 1 : i32
        %dma_wait3A_257 = arith.constant 0 : i32
        %dma_wait3A_258 = arith.constant 0 : i32
        %dma_wait3A_259 = tpu.memref_slice %arg11[%dma_wait3A_256, %dma_wait3A_257, %dma_wait3A_258] : memref<2x64x128xf32, #tpu.memory_space<vmem>> -> memref<1x64x128xf32, #tpu.memory_space<vmem>>
        %dma_wait3A_260 = tpu.memref_squeeze %dma_wait3A_259 : memref<1x64x128xf32, #tpu.memory_space<vmem>> -> memref<64x128xf32, #tpu.memory_space<vmem>>
        %dma_wait3A_261 = arith.constant 0 : i32
        %dma_wait3A_262 = tpu.memref_slice %arg9[%dma_wait3A, %dma_wait3A_261] : memref<2x64xi32, #tpu.memory_space<vmem>> -> memref<1x64xi32, #tpu.memory_space<vmem>>
        %dma_wait3A_263 = tpu.memref_squeeze %dma_wait3A_262 : memref<1x64xi32, #tpu.memory_space<vmem>> -> memref<64xi32, #tpu.memory_space<vmem>>
        %dma_wait3A_264 = arith.constant 0 : i32
        %dma_wait3A_265 = arith.constant 0 : i32
        %dma_wait3A_266 = tpu.memref_slice %arg4[%dma_wait3A_264, %dma_wait3A_265] : memref<10000x128xf32, #tpu.memory_space<hbm>> -> memref<10000x128xf32, #tpu.memory_space<hbm>>
        tpu.wait_indirect_dma semaphore(%arg17 : memref<!tpu.dma_semaphore, #tpu.memory_space<semaphore_mem>>) src(%dma_wait3A_266 : memref<10000x128xf32, #tpu.memory_space<hbm>>) dst(%dma_wait3A_260 : memref<64x128xf32, #tpu.memory_space<vmem>>)
        %dma_wait3A_267 = arith.constant 1 : i32
        %dma_wait3A_268 = arith.constant 1 : i32
        %dma_wait3A_269 = arith.constant 0 : i32
        %dma_wait3A_270 = arith.constant 0 : i32
        %dma_wait3A_271 = tpu.memref_slice %arg12[%dma_wait3A_268, %dma_wait3A_269, %dma_wait3A_270] : memref<2x64x128xi32, #tpu.memory_space<vmem>> -> memref<1x64x128xi32, #tpu.memory_space<vmem>>
        %dma_wait3A_272 = tpu.memref_squeeze %dma_wait3A_271 : memref<1x64x128xi32, #tpu.memory_space<vmem>> -> memref<64x128xi32, #tpu.memory_space<vmem>>
        %dma_wait3A_273 = arith.constant 0 : i32
        %dma_wait3A_274 = tpu.memref_slice %arg8[%dma_wait3A_267, %dma_wait3A_273] : memref<2x64xi32, #tpu.memory_space<vmem>> -> memref<1x64xi32, #tpu.memory_space<vmem>>
        %dma_wait3A_275 = tpu.memref_squeeze %dma_wait3A_274 : memref<1x64xi32, #tpu.memory_space<vmem>> -> memref<64xi32, #tpu.memory_space<vmem>>
        %dma_wait3A_276 = arith.constant 0 : i32
        %dma_wait3A_277 = arith.constant 0 : i32
        %dma_wait3A_278 = tpu.memref_slice %arg5[%dma_wait3A_276, %dma_wait3A_277] : memref<10000x128xi32, #tpu.memory_space<hbm>> -> memref<10000x128xi32, #tpu.memory_space<hbm>>
        tpu.wait_indirect_dma semaphore(%arg17 : memref<!tpu.dma_semaphore, #tpu.memory_space<semaphore_mem>>) src(%dma_wait3A_278 : memref<10000x128xi32, #tpu.memory_space<hbm>>) dst(%dma_wait3A_272 : memref<64x128xi32, #tpu.memory_space<vmem>>)
      } else {
      }
      %add3A_194 = arith.constant 1 : i32
      %add3A_195 = arith.addi %add3A_185, %add3A_194 : i32
      %mul3A_196 = arith.constant 32 : i32
      %mul3A_197 = arith.muli %add3A_195, %mul3A_196 : i32
      %add3A_198 = arith.addi %mul3A_197, %add3A : i32
      %lt3A_199 = arith.constant 5000 : i32
      %lt3A_200 = arith.cmpi slt, %add3A_198, %lt3A_199 : i32
      %convert_element_type3A_201 = arith.extui %lt3A_200 : i1 to i32
      %cond3A_202 = arith.constant 0 : i32
      %cond3A_203 = arith.cmpi ne, %convert_element_type3A_201, %cond3A_202 : i32
      scf.if %cond3A_203 {
        %mul3A_256 = arith.constant 64 : i32
        %mul3A_257 = arith.muli %add3A_198, %mul3A_256 : i32
        %dma_wait3A = arith.constant 0 : i32
        %dma_wait3A_258 = arith.constant 0 : i32
        %dma_wait3A_259 = tpu.memref_slice %arg8[%dma_wait3A, %dma_wait3A_258] : memref<2x64xi32, #tpu.memory_space<vmem>> -> memref<1x64xi32, #tpu.memory_space<vmem>>
        %dma_wait3A_260 = tpu.memref_squeeze %dma_wait3A_259 : memref<1x64xi32, #tpu.memory_space<vmem>> -> memref<64xi32, #tpu.memory_space<vmem>>
        %dma_wait3A_261 = tpu.memref_slice %arg2[%mul3A_257] : memref<320000xi32, #tpu.memory_space<hbm>> -> memref<64xi32, #tpu.memory_space<hbm>>
        %dma_wait3A_262 = arith.constant 0 : i32
        %dma_wait3A_263 = tpu.memref_slice %arg8[%dma_wait3A, %dma_wait3A_262] : memref<2x64xi32, #tpu.memory_space<vmem>> -> memref<1x64xi32, #tpu.memory_space<vmem>>
        %dma_wait3A_264 = tpu.memref_squeeze %dma_wait3A_263 : memref<1x64xi32, #tpu.memory_space<vmem>> -> memref<64xi32, #tpu.memory_space<vmem>>
        %dma_wait3A_265 = tpu.memref_slice %arg2[%mul3A_257] : memref<320000xi32, #tpu.memory_space<hbm>> -> memref<64xi32, #tpu.memory_space<hbm>>
        tpu.wait_dma2 semaphore(%arg16 : memref<!tpu.dma_semaphore, #tpu.memory_space<semaphore_mem>>) src(%dma_wait3A_265 : memref<64xi32, #tpu.memory_space<hbm>>) dst(%dma_wait3A_264 : memref<64xi32, #tpu.memory_space<vmem>>)
        %dma_wait3A_266 = arith.constant 0 : i32
        %dma_wait3A_267 = arith.constant 0 : i32
        %dma_wait3A_268 = tpu.memref_slice %arg9[%dma_wait3A_266, %dma_wait3A_267] : memref<2x64xi32, #tpu.memory_space<vmem>> -> memref<1x64xi32, #tpu.memory_space<vmem>>
        %dma_wait3A_269 = tpu.memref_squeeze %dma_wait3A_268 : memref<1x64xi32, #tpu.memory_space<vmem>> -> memref<64xi32, #tpu.memory_space<vmem>>
        %dma_wait3A_270 = tpu.memref_slice %arg2[%mul3A_257] : memref<320000xi32, #tpu.memory_space<hbm>> -> memref<64xi32, #tpu.memory_space<hbm>>
        %dma_wait3A_271 = arith.constant 0 : i32
        %dma_wait3A_272 = tpu.memref_slice %arg9[%dma_wait3A_266, %dma_wait3A_271] : memref<2x64xi32, #tpu.memory_space<vmem>> -> memref<1x64xi32, #tpu.memory_space<vmem>>
        %dma_wait3A_273 = tpu.memref_squeeze %dma_wait3A_272 : memref<1x64xi32, #tpu.memory_space<vmem>> -> memref<64xi32, #tpu.memory_space<vmem>>
        %dma_wait3A_274 = tpu.memref_slice %arg2[%mul3A_257] : memref<320000xi32, #tpu.memory_space<hbm>> -> memref<64xi32, #tpu.memory_space<hbm>>
        tpu.wait_dma2 semaphore(%arg16 : memref<!tpu.dma_semaphore, #tpu.memory_space<semaphore_mem>>) src(%dma_wait3A_274 : memref<64xi32, #tpu.memory_space<hbm>>) dst(%dma_wait3A_273 : memref<64xi32, #tpu.memory_space<vmem>>)
      } else {
      }
      %sub3A_204 = arith.constant 1 : i32
      %sub3A_205 = arith.subi %add3A_185, %sub3A_204 : i32
      %mul3A_206 = arith.constant 32 : i32
      %mul3A_207 = arith.muli %sub3A_205, %mul3A_206 : i32
      %add3A_208 = arith.addi %mul3A_207, %add3A : i32
      %ge3A_209 = arith.constant 0 : i32
      %ge3A_210 = arith.cmpi sge, %sub3A_205, %ge3A_209 : i32
      %lt3A_211 = arith.constant 5000 : i32
      %lt3A_212 = arith.cmpi slt, %add3A_208, %lt3A_211 : i32
      %and3A_213 = arith.andi %ge3A_210, %lt3A_212 : i1
      %convert_element_type3A_214 = arith.extui %and3A_213 : i1 to i32
      %cond3A_215 = arith.constant 0 : i32
      %cond3A_216 = arith.cmpi ne, %convert_element_type3A_214, %cond3A_215 : i32
      scf.if %cond3A_216 {
        %dma_wait3A = arith.constant 0 : i32
        %dma_wait3A_256 = arith.constant 0 : i32
        %dma_wait3A_257 = arith.constant 0 : i32
        %dma_wait3A_258 = arith.constant 0 : i32
        %dma_wait3A_259 = tpu.memref_slice %arg11[%dma_wait3A, %dma_wait3A_257, %dma_wait3A_258] : memref<2x64x128xf32, #tpu.memory_space<vmem>> -> memref<1x64x128xf32, #tpu.memory_space<vmem>>
        %dma_wait3A_260 = tpu.memref_squeeze %dma_wait3A_259 : memref<1x64x128xf32, #tpu.memory_space<vmem>> -> memref<64x128xf32, #tpu.memory_space<vmem>>
        %dma_wait3A_261 = arith.constant 0 : i32
        %dma_wait3A_262 = tpu.memref_slice %arg10[%dma_wait3A_256, %dma_wait3A_261] : memref<2x64xi32, #tpu.memory_space<vmem>> -> memref<1x64xi32, #tpu.memory_space<vmem>>
        %dma_wait3A_263 = tpu.memref_squeeze %dma_wait3A_262 : memref<1x64xi32, #tpu.memory_space<vmem>> -> memref<64xi32, #tpu.memory_space<vmem>>
        %dma_wait3A_264 = arith.constant 0 : i32
        %dma_wait3A_265 = arith.constant 0 : i32
        %dma_wait3A_266 = tpu.memref_slice %arg15[%dma_wait3A_264, %dma_wait3A_265] : memref<10240x128xf32, #tpu.memory_space<vmem_shared>> -> memref<10240x128xf32, #tpu.memory_space<vmem_shared>>
        tpu.wait_indirect_dma semaphore(%arg19 : memref<!tpu.dma_semaphore, #tpu.memory_space<semaphore_mem>>) src(%dma_wait3A_260 : memref<64x128xf32, #tpu.memory_space<vmem>>) dst(%dma_wait3A_266 : memref<10240x128xf32, #tpu.memory_space<vmem_shared>>)
      } else {
      }
      %add3A_217 = arith.constant 1 : i32
      %add3A_218 = arith.addi %add3A_185, %add3A_217 : i32
      %mul3A_219 = arith.constant 32 : i32
      %mul3A_220 = arith.muli %add3A_218, %mul3A_219 : i32
      %add3A_221 = arith.addi %mul3A_220, %add3A : i32
      %lt3A_222 = arith.constant 5000 : i32
      %lt3A_223 = arith.cmpi slt, %add3A_221, %lt3A_222 : i32
      %convert_element_type3A_224 = arith.extui %lt3A_223 : i1 to i32
      %cond3A_225 = arith.constant 0 : i32
      %cond3A_226 = arith.cmpi ne, %convert_element_type3A_224, %cond3A_225 : i32
      scf.if %cond3A_226 {
        %mul3A_256 = arith.constant 64 : i32
        %mul3A_257 = arith.muli %add3A_221, %mul3A_256 : i32
        %dma_start3A = arith.constant 0 : i32
        %dma_start3A_258 = arith.constant 0 : i32
        %dma_start3A_259 = tpu.memref_slice %arg10[%dma_start3A, %dma_start3A_258] : memref<2x64xi32, #tpu.memory_space<vmem>> -> memref<1x64xi32, #tpu.memory_space<vmem>>
        %dma_start3A_260 = tpu.memref_squeeze %dma_start3A_259 : memref<1x64xi32, #tpu.memory_space<vmem>> -> memref<64xi32, #tpu.memory_space<vmem>>
        %dma_start3A_261 = tpu.memref_slice %arg3[%mul3A_257] : memref<320000xi32, #tpu.memory_space<hbm>> -> memref<64xi32, #tpu.memory_space<hbm>>
        %dma_start3A_262 = arith.constant 0 : i32
        %dma_start3A_263 = tpu.memref_slice %arg10[%dma_start3A, %dma_start3A_262] : memref<2x64xi32, #tpu.memory_space<vmem>> -> memref<1x64xi32, #tpu.memory_space<vmem>>
        %dma_start3A_264 = tpu.memref_squeeze %dma_start3A_263 : memref<1x64xi32, #tpu.memory_space<vmem>> -> memref<64xi32, #tpu.memory_space<vmem>>
        %dma_start3A_265 = tpu.memref_slice %arg3[%mul3A_257] : memref<320000xi32, #tpu.memory_space<hbm>> -> memref<64xi32, #tpu.memory_space<hbm>>
        tpu.enqueue_dma source(%dma_start3A_265 : memref<64xi32, #tpu.memory_space<hbm>>) target(%dma_start3A_264 : memref<64xi32, #tpu.memory_space<vmem>>) target_semaphore(%arg18 : memref<!tpu.dma_semaphore, #tpu.memory_space<semaphore_mem>>)
      } else {
      }
      %add3A_227 = arith.constant 1 : i32
      %add3A_228 = arith.addi %add3A_185, %add3A_227 : i32
      %mul3A_229 = arith.constant 32 : i32
      %mul3A_230 = arith.muli %add3A_228, %mul3A_229 : i32
      %add3A_231 = arith.addi %mul3A_230, %add3A : i32
      %lt3A_232 = arith.constant 5000 : i32
      %lt3A_233 = arith.cmpi slt, %add3A_231, %lt3A_232 : i32
      %convert_element_type3A_234 = arith.extui %lt3A_233 : i1 to i32
      %cond3A_235 = arith.constant 0 : i32
      %cond3A_236 = arith.cmpi ne, %convert_element_type3A_234, %cond3A_235 : i32
      scf.if %cond3A_236 {
        %dma_start3A = arith.constant 0 : i32
        %dma_start3A_256 = arith.constant 0 : i32
        %dma_start3A_257 = arith.constant 0 : i32
        %dma_start3A_258 = arith.constant 0 : i32
        %dma_start3A_259 = tpu.memref_slice %arg11[%dma_start3A_256, %dma_start3A_257, %dma_start3A_258] : memref<2x64x128xf32, #tpu.memory_space<vmem>> -> memref<1x64x128xf32, #tpu.memory_space<vmem>>
        %dma_start3A_260 = tpu.memref_squeeze %dma_start3A_259 : memref<1x64x128xf32, #tpu.memory_space<vmem>> -> memref<64x128xf32, #tpu.memory_space<vmem>>
        %dma_start3A_261 = arith.constant 0 : i32
        %dma_start3A_262 = tpu.memref_slice %arg9[%dma_start3A, %dma_start3A_261] : memref<2x64xi32, #tpu.memory_space<vmem>> -> memref<1x64xi32, #tpu.memory_space<vmem>>
        %dma_start3A_263 = tpu.memref_squeeze %dma_start3A_262 : memref<1x64xi32, #tpu.memory_space<vmem>> -> memref<64xi32, #tpu.memory_space<vmem>>
        %dma_start3A_264 = arith.constant 0 : i32
        %dma_start3A_265 = arith.constant 0 : i32
        %dma_start3A_266 = tpu.memref_slice %arg4[%dma_start3A_264, %dma_start3A_265] : memref<10000x128xf32, #tpu.memory_space<hbm>> -> memref<10000x128xf32, #tpu.memory_space<hbm>>
        tpu.enqueue_indirect_dma source(%dma_start3A_266 : memref<10000x128xf32, #tpu.memory_space<hbm>>) target(%dma_start3A_260 : memref<64x128xf32, #tpu.memory_space<vmem>>) offsets(%dma_start3A_263 : memref<64xi32, #tpu.memory_space<vmem>>) semaphore(%arg17 : memref<!tpu.dma_semaphore, #tpu.memory_space<semaphore_mem>>)
        %dma_start3A_267 = arith.constant 0 : i32
        %dma_start3A_268 = arith.constant 0 : i32
        %dma_start3A_269 = arith.constant 0 : i32
        %dma_start3A_270 = arith.constant 0 : i32
        %dma_start3A_271 = tpu.memref_slice %arg12[%dma_start3A_268, %dma_start3A_269, %dma_start3A_270] : memref<2x64x128xi32, #tpu.memory_space<vmem>> -> memref<1x64x128xi32, #tpu.memory_space<vmem>>
        %dma_start3A_272 = tpu.memref_squeeze %dma_start3A_271 : memref<1x64x128xi32, #tpu.memory_space<vmem>> -> memref<64x128xi32, #tpu.memory_space<vmem>>
        %dma_start3A_273 = arith.constant 0 : i32
        %dma_start3A_274 = tpu.memref_slice %arg8[%dma_start3A_267, %dma_start3A_273] : memref<2x64xi32, #tpu.memory_space<vmem>> -> memref<1x64xi32, #tpu.memory_space<vmem>>
        %dma_start3A_275 = tpu.memref_squeeze %dma_start3A_274 : memref<1x64xi32, #tpu.memory_space<vmem>> -> memref<64xi32, #tpu.memory_space<vmem>>
        %dma_start3A_276 = arith.constant 0 : i32
        %dma_start3A_277 = arith.constant 0 : i32
        %dma_start3A_278 = tpu.memref_slice %arg5[%dma_start3A_276, %dma_start3A_277] : memref<10000x128xi32, #tpu.memory_space<hbm>> -> memref<10000x128xi32, #tpu.memory_space<hbm>>
        tpu.enqueue_indirect_dma source(%dma_start3A_278 : memref<10000x128xi32, #tpu.memory_space<hbm>>) target(%dma_start3A_272 : memref<64x128xi32, #tpu.memory_space<vmem>>) offsets(%dma_start3A_275 : memref<64xi32, #tpu.memory_space<vmem>>) semaphore(%arg17 : memref<!tpu.dma_semaphore, #tpu.memory_space<semaphore_mem>>)
      } else {
      }
      %mul3A_237 = arith.constant 32 : i32
      %mul3A_238 = arith.muli %add3A_185, %mul3A_237 : i32
      %add3A_239 = arith.addi %mul3A_238, %add3A : i32
      %lt3A_240 = arith.constant 5000 : i32
      %lt3A_241 = arith.cmpi slt, %add3A_239, %lt3A_240 : i32
      %convert_element_type3A_242 = arith.extui %lt3A_241 : i1 to i32
      %cond3A_243 = arith.constant 0 : i32
      %cond3A_244 = arith.cmpi ne, %convert_element_type3A_242, %cond3A_243 : i32
      scf.if %cond3A_244 {
        %scan3A_256 = arith.constant 0 : i32
        %scan3A_257 = arith.constant 0 : i32
        %scan3A_258 = arith.constant 64 : i32
        %scan3A_259 = arith.addi %scan3A_257, %scan3A_258 : i32
        %scan3A_260 = arith.constant 1 : i32
        %scan3A_261 = scf.for %scan3A_342 = %scan3A_257 to %scan3A_259 step %scan3A_260 iter_args(%scan3A_343 = %scan3A_256) -> (i32)  : i32 {
          %get3A_344 = arith.constant 1 : i32
          %get3A_345 = arith.index_cast %get3A_344 : i32 to index
          %get3A_346 = arith.index_cast %scan3A_342 : i32 to index
          %get3A_347 = arith.constant 0 : index
          %get3A_348 = tpu.vector_load %arg12[%get3A_345, %get3A_346, %get3A_347] {strides = array<i32>} : memref<2x64x128xi32, #tpu.memory_space<vmem>>, vector<16xi32>,
          %bitcast3A = vector.bitcast %get3A_348 : vector<16xi32> to vector<32xbf16>
          %unpack3A = tpu.unpack_subelements %bitcast3A, 0 {pack_format = #tpu.pack_format<interleaved>} : vector<32xbf16> -> vector<16xf32>
          %unpack3A_349 = tpu.unpack_subelements %bitcast3A, 1 {pack_format = #tpu.pack_format<interleaved>} : vector<32xbf16> -> vector<16xf32>
          %get3A_350 = arith.constant 1 : i32
          %get3A_351 = arith.index_cast %get3A_350 : i32 to index
          %get3A_352 = arith.index_cast %scan3A_342 : i32 to index
          %get3A_353 = arith.constant 0 : index
          %get3A_354 = tpu.vector_load %arg11[%get3A_351, %get3A_352, %get3A_353] {strides = array<i32>} : memref<2x64x128xf32, #tpu.memory_space<vmem>>, vector<16xf32>,
          %mul3A_355 = arith.mulf %get3A_354, %unpack3A : vector<16xf32>
          %add3A_356 = arith.addf %broadcast_in_dim3A_1, %mul3A_355 : vector<16xf32>
          %get3A_357 = arith.constant 1 : i32
          %get3A_358 = arith.index_cast %get3A_357 : i32 to index
          %get3A_359 = arith.index_cast %scan3A_342 : i32 to index
          %get3A_360 = arith.constant 16 : index
          %get3A_361 = tpu.vector_load %arg11[%get3A_358, %get3A_359, %get3A_360] {strides = array<i32>} : memref<2x64x128xf32, #tpu.memory_space<vmem>>, vector<16xf32>,
          %mul3A_362 = arith.mulf %get3A_361, %unpack3A_349 : vector<16xf32>
          %add3A_363 = arith.addf %broadcast_in_dim3A_1, %mul3A_362 : vector<16xf32>
          %get3A_364 = arith.constant 1 : i32
          %get3A_365 = arith.index_cast %get3A_364 : i32 to index
          %get3A_366 = arith.index_cast %scan3A_342 : i32 to index
          %get3A_367 = arith.constant 16 : index
          %get3A_368 = tpu.vector_load %arg12[%get3A_365, %get3A_366, %get3A_367] {strides = array<i32>} : memref<2x64x128xi32, #tpu.memory_space<vmem>>, vector<16xi32>,
          %bitcast3A_369 = vector.bitcast %get3A_368 : vector<16xi32> to vector<32xbf16>
          %unpack3A_370 = tpu.unpack_subelements %bitcast3A_369, 0 {pack_format = #tpu.pack_format<interleaved>} : vector<32xbf16> -> vector<16xf32>
          %unpack3A_371 = tpu.unpack_subelements %bitcast3A_369, 1 {pack_format = #tpu.pack_format<interleaved>} : vector<32xbf16> -> vector<16xf32>
          %get3A_372 = arith.constant 1 : i32
          %get3A_373 = arith.index_cast %get3A_372 : i32 to index
          %get3A_374 = arith.index_cast %scan3A_342 : i32 to index
          %get3A_375 = arith.constant 32 : index
          %get3A_376 = tpu.vector_load %arg11[%get3A_373, %get3A_374, %get3A_375] {strides = array<i32>} : memref<2x64x128xf32, #tpu.memory_space<vmem>>, vector<16xf32>,
          %mul3A_377 = arith.mulf %get3A_376, %unpack3A_370 : vector<16xf32>
          %add3A_378 = arith.addf %add3A_356, %mul3A_377 : vector<16xf32>
          %get3A_379 = arith.constant 1 : i32
          %get3A_380 = arith.index_cast %get3A_379 : i32 to index
          %get3A_381 = arith.index_cast %scan3A_342 : i32 to index
          %get3A_382 = arith.constant 48 : index
          %get3A_383 = tpu.vector_load %arg11[%get3A_380, %get3A_381, %get3A_382] {strides = array<i32>} : memref<2x64x128xf32, #tpu.memory_space<vmem>>, vector<16xf32>,
          %mul3A_384 = arith.mulf %get3A_383, %unpack3A_371 : vector<16xf32>
          %add3A_385 = arith.addf %add3A_363, %mul3A_384 : vector<16xf32>
          %get3A_386 = arith.constant 1 : i32
          %get3A_387 = arith.index_cast %get3A_386 : i32 to index
          %get3A_388 = arith.index_cast %scan3A_342 : i32 to index
          %get3A_389 = arith.constant 32 : index
          %get3A_390 = tpu.vector_load %arg12[%get3A_387, %get3A_388, %get3A_389] {strides = array<i32>} : memref<2x64x128xi32, #tpu.memory_space<vmem>>, vector<16xi32>,
          %bitcast3A_391 = vector.bitcast %get3A_390 : vector<16xi32> to vector<32xbf16>
          %unpack3A_392 = tpu.unpack_subelements %bitcast3A_391, 0 {pack_format = #tpu.pack_format<interleaved>} : vector<32xbf16> -> vector<16xf32>
          %unpack3A_393 = tpu.unpack_subelements %bitcast3A_391, 1 {pack_format = #tpu.pack_format<interleaved>} : vector<32xbf16> -> vector<16xf32>
          %get3A_394 = arith.constant 1 : i32
          %get3A_395 = arith.index_cast %get3A_394 : i32 to index
          %get3A_396 = arith.index_cast %scan3A_342 : i32 to index
          %get3A_397 = arith.constant 64 : index
          %get3A_398 = tpu.vector_load %arg11[%get3A_395, %get3A_396, %get3A_397] {strides = array<i32>} : memref<2x64x128xf32, #tpu.memory_space<vmem>>, vector<16xf32>,
          %mul3A_399 = arith.mulf %get3A_398, %unpack3A_392 : vector<16xf32>
          %add3A_400 = arith.addf %add3A_378, %mul3A_399 : vector<16xf32>
          %get3A_401 = arith.constant 1 : i32
          %get3A_402 = arith.index_cast %get3A_401 : i32 to index
          %get3A_403 = arith.index_cast %scan3A_342 : i32 to index
          %get3A_404 = arith.constant 80 : index
          %get3A_405 = tpu.vector_load %arg11[%get3A_402, %get3A_403, %get3A_404] {strides = array<i32>} : memref<2x64x128xf32, #tpu.memory_space<vmem>>, vector<16xf32>,
          %mul3A_406 = arith.mulf %get3A_405, %unpack3A_393 : vector<16xf32>
          %add3A_407 = arith.addf %add3A_385, %mul3A_406 : vector<16xf32>
          %get3A_408 = arith.constant 1 : i32
          %get3A_409 = arith.index_cast %get3A_408 : i32 to index
          %get3A_410 = arith.index_cast %scan3A_342 : i32 to index
          %get3A_411 = arith.constant 48 : index
          %get3A_412 = tpu.vector_load %arg12[%get3A_409, %get3A_410, %get3A_411] {strides = array<i32>} : memref<2x64x128xi32, #tpu.memory_space<vmem>>, vector<16xi32>,
          %bitcast3A_413 = vector.bitcast %get3A_412 : vector<16xi32> to vector<32xbf16>
          %unpack3A_414 = tpu.unpack_subelements %bitcast3A_413, 0 {pack_format = #tpu.pack_format<interleaved>} : vector<32xbf16> -> vector<16xf32>
          %unpack3A_415 = tpu.unpack_subelements %bitcast3A_413, 1 {pack_format = #tpu.pack_format<interleaved>} : vector<32xbf16> -> vector<16xf32>
          %get3A_416 = arith.constant 1 : i32
          %get3A_417 = arith.index_cast %get3A_416 : i32 to index
          %get3A_418 = arith.index_cast %scan3A_342 : i32 to index
          %get3A_419 = arith.constant 96 : index
          %get3A_420 = tpu.vector_load %arg11[%get3A_417, %get3A_418, %get3A_419] {strides = array<i32>} : memref<2x64x128xf32, #tpu.memory_space<vmem>>, vector<16xf32>,
          %mul3A_421 = arith.mulf %get3A_420, %unpack3A_414 : vector<16xf32>
          %add3A_422 = arith.addf %add3A_400, %mul3A_421 : vector<16xf32>
          %get3A_423 = arith.constant 1 : i32
          %get3A_424 = arith.index_cast %get3A_423 : i32 to index
          %get3A_425 = arith.index_cast %scan3A_342 : i32 to index
          %get3A_426 = arith.constant 112 : index
          %get3A_427 = tpu.vector_load %arg11[%get3A_424, %get3A_425, %get3A_426] {strides = array<i32>} : memref<2x64x128xf32, #tpu.memory_space<vmem>>, vector<16xf32>,
          %mul3A_428 = arith.mulf %get3A_427, %unpack3A_415 : vector<16xf32>
          %add3A_429 = arith.addf %add3A_407, %mul3A_428 : vector<16xf32>
          %add3A_430 = arith.addf %add3A_422, %add3A_429 : vector<16xf32>
          %reduce_sum3A = arith.constant true
          %reduce_sum3A_431 = vector.broadcast %reduce_sum3A : i1 to vector<16xi1>
          %reduce_sum3A_432 = tpu.scan <sum>, %add3A_430 masked %reduce_sum3A_431 : vector<16xf32>, vector<16xi1> -> vector<16xf32>
          %reduce_sum3A_433 = vector.extract %reduce_sum3A_432[15] : f32 from vector<16xf32>
          %broadcast_in_dim3A_434 = vector.broadcast %reduce_sum3A_433 : f32 to vector<16xf32>
          %swap3A_435 = arith.index_cast %scan3A_342 : i32 to index
          %swap3A_436 = tpu.vector_load %arg13[%swap3A_435] {strides = array<i32>} : memref<80xf32, #tpu.memory_space<vmem>>, vector<16xf32>,
          tpu.vector_store %arg13[%swap3A_435], %broadcast_in_dim3A_434 {strides = array<i32>} : memref<80xf32, #tpu.memory_space<vmem>>, vector<16xf32>,
          %scan3A_437 = arith.constant 0 : i32
          scf.yield %scan3A_437 : i32
        }
        %scan3A_262 = arith.constant 64 : i32
        %get3A = arith.constant 0 : index
        %get3A_263 = tpu.vector_load %arg13[%get3A] {strides = array<i32>} : memref<80xf32, #tpu.memory_space<vmem>>, vector<16xf32>,
        %mul3A_264 = arith.constant 0.0883883461 : f32
        %mul3A_265 = vector.broadcast %mul3A_264 : f32 to vector<16xf32>
        %mul3A_266 = arith.mulf %get3A_263, %mul3A_265 : vector<16xf32>
        %exp3A = math.exp %mul3A_266 : vector<16xf32>
        %swap3A = arith.constant 0 : index
        %swap3A_267 = tpu.vector_load %arg13[%swap3A] {strides = array<i32>} : memref<80xf32, #tpu.memory_space<vmem>>, vector<16xf32>,
        tpu.vector_store %arg13[%swap3A], %exp3A {strides = array<i32>} : memref<80xf32, #tpu.memory_space<vmem>>, vector<16xf32>,
        %get3A_268 = arith.constant 16 : index
        %get3A_269 = tpu.vector_load %arg13[%get3A_268] {strides = array<i32>} : memref<80xf32, #tpu.memory_space<vmem>>, vector<16xf32>,
        %mul3A_270 = arith.constant 0.0883883461 : f32
        %mul3A_271 = vector.broadcast %mul3A_270 : f32 to vector<16xf32>
        %mul3A_272 = arith.mulf %get3A_269, %mul3A_271 : vector<16xf32>
        %exp3A_273 = math.exp %mul3A_272 : vector<16xf32>
        %swap3A_274 = arith.constant 16 : index
        %swap3A_275 = tpu.vector_load %arg13[%swap3A_274] {strides = array<i32>} : memref<80xf32, #tpu.memory_space<vmem>>, vector<16xf32>,
        tpu.vector_store %arg13[%swap3A_274], %exp3A_273 {strides = array<i32>} : memref<80xf32, #tpu.memory_space<vmem>>, vector<16xf32>,
        %get3A_276 = arith.constant 32 : index
        %get3A_277 = tpu.vector_load %arg13[%get3A_276] {strides = array<i32>} : memref<80xf32, #tpu.memory_space<vmem>>, vector<16xf32>,
        %mul3A_278 = arith.constant 0.0883883461 : f32
        %mul3A_279 = vector.broadcast %mul3A_278 : f32 to vector<16xf32>
        %mul3A_280 = arith.mulf %get3A_277, %mul3A_279 : vector<16xf32>
        %exp3A_281 = math.exp %mul3A_280 : vector<16xf32>
        %swap3A_282 = arith.constant 32 : index
        %swap3A_283 = tpu.vector_load %arg13[%swap3A_282] {strides = array<i32>} : memref<80xf32, #tpu.memory_space<vmem>>, vector<16xf32>,
        tpu.vector_store %arg13[%swap3A_282], %exp3A_281 {strides = array<i32>} : memref<80xf32, #tpu.memory_space<vmem>>, vector<16xf32>,
        %get3A_284 = arith.constant 48 : index
        %get3A_285 = tpu.vector_load %arg13[%get3A_284] {strides = array<i32>} : memref<80xf32, #tpu.memory_space<vmem>>, vector<16xf32>,
        %mul3A_286 = arith.constant 0.0883883461 : f32
        %mul3A_287 = vector.broadcast %mul3A_286 : f32 to vector<16xf32>
        %mul3A_288 = arith.mulf %get3A_285, %mul3A_287 : vector<16xf32>
        %exp3A_289 = math.exp %mul3A_288 : vector<16xf32>
        %swap3A_290 = arith.constant 48 : index
        %swap3A_291 = tpu.vector_load %arg13[%swap3A_290] {strides = array<i32>} : memref<80xf32, #tpu.memory_space<vmem>>, vector<16xf32>,
        tpu.vector_store %arg13[%swap3A_290], %exp3A_289 {strides = array<i32>} : memref<80xf32, #tpu.memory_space<vmem>>, vector<16xf32>,
        %get3A_292 = arith.constant 1 : i32
        %get3A_293 = arith.index_cast %get3A_292 : i32 to index
        %get3A_294 = arith.constant 0 : index
        %get3A_295 = tpu.vector_load %arg9[%get3A_293, %get3A_294] {strides = array<i32>} : memref<2x64xi32, #tpu.memory_space<vmem>>, vector<16xi32>,
        %get3A_296 = arith.constant 0 : index
        %get3A_297 = tpu.vector_load %arg13[%get3A_296] {strides = array<i32>} : memref<80xf32, #tpu.memory_space<vmem>>, vector<16xf32>,
        tpu.vector_store_idx %arg14[%get3A_295], %get3A_297 {add = true} : memref<10256xf32, #tpu.memory_space<vmem>>[vector<16xi32>], vector<16xf32>,
        %get3A_298 = arith.constant 1 : i32
        %get3A_299 = arith.index_cast %get3A_298 : i32 to index
        %get3A_300 = arith.constant 16 : index
        %get3A_301 = tpu.vector_load %arg9[%get3A_299, %get3A_300] {strides = array<i32>} : memref<2x64xi32, #tpu.memory_space<vmem>>, vector<16xi32>,
        %get3A_302 = arith.constant 16 : index
        %get3A_303 = tpu.vector_load %arg13[%get3A_302] {strides = array<i32>} : memref<80xf32, #tpu.memory_space<vmem>>, vector<16xf32>,
        tpu.vector_store_idx %arg14[%get3A_301], %get3A_303 {add = true} : memref<10256xf32, #tpu.memory_space<vmem>>[vector<16xi32>], vector<16xf32>,
        %get3A_304 = arith.constant 1 : i32
        %get3A_305 = arith.index_cast %get3A_304 : i32 to index
        %get3A_306 = arith.constant 32 : index
        %get3A_307 = tpu.vector_load %arg9[%get3A_305, %get3A_306] {strides = array<i32>} : memref<2x64xi32, #tpu.memory_space<vmem>>, vector<16xi32>,
        %get3A_308 = arith.constant 32 : index
        %get3A_309 = tpu.vector_load %arg13[%get3A_308] {strides = array<i32>} : memref<80xf32, #tpu.memory_space<vmem>>, vector<16xf32>,
        tpu.vector_store_idx %arg14[%get3A_307], %get3A_309 {add = true} : memref<10256xf32, #tpu.memory_space<vmem>>[vector<16xi32>], vector<16xf32>,
        %get3A_310 = arith.constant 1 : i32
        %get3A_311 = arith.index_cast %get3A_310 : i32 to index
        %get3A_312 = arith.constant 48 : index
        %get3A_313 = tpu.vector_load %arg9[%get3A_311, %get3A_312] {strides = array<i32>} : memref<2x64xi32, #tpu.memory_space<vmem>>, vector<16xi32>,
        %get3A_314 = arith.constant 48 : index
        %get3A_315 = tpu.vector_load %arg13[%get3A_314] {strides = array<i32>} : memref<80xf32, #tpu.memory_space<vmem>>, vector<16xf32>,
        tpu.vector_store_idx %arg14[%get3A_313], %get3A_315 {add = true} : memref<10256xf32, #tpu.memory_space<vmem>>[vector<16xi32>], vector<16xf32>,
        %scan3A_316 = arith.constant 0 : i32
        %scan3A_317 = arith.constant 0 : i32
        %scan3A_318 = arith.constant 64 : i32
        %scan3A_319 = arith.addi %scan3A_317, %scan3A_318 : i32
        %scan3A_320 = arith.constant 1 : i32
        %scan3A_321 = scf.for %scan3A_342 = %scan3A_317 to %scan3A_319 step %scan3A_320 iter_args(%scan3A_343 = %scan3A_316) -> (i32)  : i32 {
          %get3A_344 = arith.index_cast %scan3A_342 : i32 to index
          %get3A_345 = tpu.vector_load %arg13[%get3A_344] {strides = array<i32>} : memref<80xf32, #tpu.memory_space<vmem>>, vector<16xf32>,
          %slice3A = vector.extract_strided_slice %get3A_345 {offsets = [0], sizes = [1], strides = [1]} : vector<16xf32> to vector<1xf32>
          %squeeze3A = vector.extract %slice3A[0] : f32 from vector<1xf32>
          %broadcast_in_dim3A_346 = vector.broadcast %squeeze3A : f32 to vector<16xf32>
          %get3A_347 = arith.constant 1 : i32
          %get3A_348 = arith.index_cast %get3A_347 : i32 to index
          %get3A_349 = arith.index_cast %scan3A_342 : i32 to index
          %get3A_350 = arith.constant 64 : index
          %get3A_351 = tpu.vector_load %arg12[%get3A_348, %get3A_349, %get3A_350] {strides = array<i32>} : memref<2x64x128xi32, #tpu.memory_space<vmem>>, vector<16xi32>,
          %bitcast3A = vector.bitcast %get3A_351 : vector<16xi32> to vector<32xbf16>
          %unpack3A = tpu.unpack_subelements %bitcast3A, 0 {pack_format = #tpu.pack_format<interleaved>} : vector<32xbf16> -> vector<16xf32>
          %unpack3A_352 = tpu.unpack_subelements %bitcast3A, 1 {pack_format = #tpu.pack_format<interleaved>} : vector<32xbf16> -> vector<16xf32>
          %mul3A_353 = arith.mulf %unpack3A, %broadcast_in_dim3A_346 : vector<16xf32>
          %swap3A_354 = arith.constant 1 : i32
          %swap3A_355 = arith.index_cast %swap3A_354 : i32 to index
          %swap3A_356 = arith.index_cast %scan3A_342 : i32 to index
          %swap3A_357 = arith.constant 0 : index
          %swap3A_358 = tpu.vector_load %arg11[%swap3A_355, %swap3A_356, %swap3A_357] {strides = array<i32>} : memref<2x64x128xf32, #tpu.memory_space<vmem>>, vector<16xf32>,
          tpu.vector_store %arg11[%swap3A_355, %swap3A_356, %swap3A_357], %mul3A_353 {strides = array<i32>} : memref<2x64x128xf32, #tpu.memory_space<vmem>>, vector<16xf32>,
          %mul3A_359 = arith.mulf %unpack3A_352, %broadcast_in_dim3A_346 : vector<16xf32>
          %swap3A_360 = arith.constant 1 : i32
          %swap3A_361 = arith.index_cast %swap3A_360 : i32 to index
          %swap3A_362 = arith.index_cast %scan3A_342 : i32 to index
          %swap3A_363 = arith.constant 16 : index
          %swap3A_364 = tpu.vector_load %arg11[%swap3A_361, %swap3A_362, %swap3A_363] {strides = array<i32>} : memref<2x64x128xf32, #tpu.memory_space<vmem>>, vector<16xf32>,
          tpu.vector_store %arg11[%swap3A_361, %swap3A_362, %swap3A_363], %mul3A_359 {strides = array<i32>} : memref<2x64x128xf32, #tpu.memory_space<vmem>>, vector<16xf32>,
          %get3A_365 = arith.constant 1 : i32
          %get3A_366 = arith.index_cast %get3A_365 : i32 to index
          %get3A_367 = arith.index_cast %scan3A_342 : i32 to index
          %get3A_368 = arith.constant 80 : index
          %get3A_369 = tpu.vector_load %arg12[%get3A_366, %get3A_367, %get3A_368] {strides = array<i32>} : memref<2x64x128xi32, #tpu.memory_space<vmem>>, vector<16xi32>,
          %bitcast3A_370 = vector.bitcast %get3A_369 : vector<16xi32> to vector<32xbf16>
          %unpack3A_371 = tpu.unpack_subelements %bitcast3A_370, 0 {pack_format = #tpu.pack_format<interleaved>} : vector<32xbf16> -> vector<16xf32>
          %unpack3A_372 = tpu.unpack_subelements %bitcast3A_370, 1 {pack_format = #tpu.pack_format<interleaved>} : vector<32xbf16> -> vector<16xf32>
          %mul3A_373 = arith.mulf %unpack3A_371, %broadcast_in_dim3A_346 : vector<16xf32>
          %swap3A_374 = arith.constant 1 : i32
          %swap3A_375 = arith.index_cast %swap3A_374 : i32 to index
          %swap3A_376 = arith.index_cast %scan3A_342 : i32 to index
          %swap3A_377 = arith.constant 32 : index
          %swap3A_378 = tpu.vector_load %arg11[%swap3A_375, %swap3A_376, %swap3A_377] {strides = array<i32>} : memref<2x64x128xf32, #tpu.memory_space<vmem>>, vector<16xf32>,
          tpu.vector_store %arg11[%swap3A_375, %swap3A_376, %swap3A_377], %mul3A_373 {strides = array<i32>} : memref<2x64x128xf32, #tpu.memory_space<vmem>>, vector<16xf32>,
          %mul3A_379 = arith.mulf %unpack3A_372, %broadcast_in_dim3A_346 : vector<16xf32>
          %swap3A_380 = arith.constant 1 : i32
          %swap3A_381 = arith.index_cast %swap3A_380 : i32 to index
          %swap3A_382 = arith.index_cast %scan3A_342 : i32 to index
          %swap3A_383 = arith.constant 48 : index
          %swap3A_384 = tpu.vector_load %arg11[%swap3A_381, %swap3A_382, %swap3A_383] {strides = array<i32>} : memref<2x64x128xf32, #tpu.memory_space<vmem>>, vector<16xf32>,
          tpu.vector_store %arg11[%swap3A_381, %swap3A_382, %swap3A_383], %mul3A_379 {strides = array<i32>} : memref<2x64x128xf32, #tpu.memory_space<vmem>>, vector<16xf32>,
          %get3A_385 = arith.constant 1 : i32
          %get3A_386 = arith.index_cast %get3A_385 : i32 to index
          %get3A_387 = arith.index_cast %scan3A_342 : i32 to index
          %get3A_388 = arith.constant 96 : index
          %get3A_389 = tpu.vector_load %arg12[%get3A_386, %get3A_387, %get3A_388] {strides = array<i32>} : memref<2x64x128xi32, #tpu.memory_space<vmem>>, vector<16xi32>,
          %bitcast3A_390 = vector.bitcast %get3A_389 : vector<16xi32> to vector<32xbf16>
          %unpack3A_391 = tpu.unpack_subelements %bitcast3A_390, 0 {pack_format = #tpu.pack_format<interleaved>} : vector<32xbf16> -> vector<16xf32>
          %unpack3A_392 = tpu.unpack_subelements %bitcast3A_390, 1 {pack_format = #tpu.pack_format<interleaved>} : vector<32xbf16> -> vector<16xf32>
          %mul3A_393 = arith.mulf %unpack3A_391, %broadcast_in_dim3A_346 : vector<16xf32>
          %swap3A_394 = arith.constant 1 : i32
          %swap3A_395 = arith.index_cast %swap3A_394 : i32 to index
          %swap3A_396 = arith.index_cast %scan3A_342 : i32 to index
          %swap3A_397 = arith.constant 64 : index
          %swap3A_398 = tpu.vector_load %arg11[%swap3A_395, %swap3A_396, %swap3A_397] {strides = array<i32>} : memref<2x64x128xf32, #tpu.memory_space<vmem>>, vector<16xf32>,
          tpu.vector_store %arg11[%swap3A_395, %swap3A_396, %swap3A_397], %mul3A_393 {strides = array<i32>} : memref<2x64x128xf32, #tpu.memory_space<vmem>>, vector<16xf32>,
          %mul3A_399 = arith.mulf %unpack3A_392, %broadcast_in_dim3A_346 : vector<16xf32>
          %swap3A_400 = arith.constant 1 : i32
          %swap3A_401 = arith.index_cast %swap3A_400 : i32 to index
          %swap3A_402 = arith.index_cast %scan3A_342 : i32 to index
          %swap3A_403 = arith.constant 80 : index
          %swap3A_404 = tpu.vector_load %arg11[%swap3A_401, %swap3A_402, %swap3A_403] {strides = array<i32>} : memref<2x64x128xf32, #tpu.memory_space<vmem>>, vector<16xf32>,
          tpu.vector_store %arg11[%swap3A_401, %swap3A_402, %swap3A_403], %mul3A_399 {strides = array<i32>} : memref<2x64x128xf32, #tpu.memory_space<vmem>>, vector<16xf32>,
          %get3A_405 = arith.constant 1 : i32
          %get3A_406 = arith.index_cast %get3A_405 : i32 to index
          %get3A_407 = arith.index_cast %scan3A_342 : i32 to index
          %get3A_408 = arith.constant 112 : index
          %get3A_409 = tpu.vector_load %arg12[%get3A_406, %get3A_407, %get3A_408] {strides = array<i32>} : memref<2x64x128xi32, #tpu.memory_space<vmem>>, vector<16xi32>,
          %bitcast3A_410 = vector.bitcast %get3A_409 : vector<16xi32> to vector<32xbf16>
          %unpack3A_411 = tpu.unpack_subelements %bitcast3A_410, 0 {pack_format = #tpu.pack_format<interleaved>} : vector<32xbf16> -> vector<16xf32>
          %unpack3A_412 = tpu.unpack_subelements %bitcast3A_410, 1 {pack_format = #tpu.pack_format<interleaved>} : vector<32xbf16> -> vector<16xf32>
          %mul3A_413 = arith.mulf %unpack3A_411, %broadcast_in_dim3A_346 : vector<16xf32>
          %swap3A_414 = arith.constant 1 : i32
          %swap3A_415 = arith.index_cast %swap3A_414 : i32 to index
          %swap3A_416 = arith.index_cast %scan3A_342 : i32 to index
          %swap3A_417 = arith.constant 96 : index
          %swap3A_418 = tpu.vector_load %arg11[%swap3A_415, %swap3A_416, %swap3A_417] {strides = array<i32>} : memref<2x64x128xf32, #tpu.memory_space<vmem>>, vector<16xf32>,
          tpu.vector_store %arg11[%swap3A_415, %swap3A_416, %swap3A_417], %mul3A_413 {strides = array<i32>} : memref<2x64x128xf32, #tpu.memory_space<vmem>>, vector<16xf32>,
          %mul3A_419 = arith.mulf %unpack3A_412, %broadcast_in_dim3A_346 : vector<16xf32>
          %swap3A_420 = arith.constant 1 : i32
          %swap3A_421 = arith.index_cast %swap3A_420 : i32 to index
          %swap3A_422 = arith.index_cast %scan3A_342 : i32 to index
          %swap3A_423 = arith.constant 112 : index
          %swap3A_424 = tpu.vector_load %arg11[%swap3A_421, %swap3A_422, %swap3A_423] {strides = array<i32>} : memref<2x64x128xf32, #tpu.memory_space<vmem>>, vector<16xf32>,
          tpu.vector_store %arg11[%swap3A_421, %swap3A_422, %swap3A_423], %mul3A_419 {strides = array<i32>} : memref<2x64x128xf32, #tpu.memory_space<vmem>>, vector<16xf32>,
          %scan3A_425 = arith.constant 0 : i32
          scf.yield %scan3A_425 : i32
        }
        %scan3A_322 = arith.constant 64 : i32
        %mul3A_323 = arith.constant 32 : i32
        %mul3A_324 = arith.muli %add3A_185, %mul3A_323 : i32
        %add3A_325 = arith.addi %mul3A_324, %add3A : i32
        %lt3A_326 = arith.constant 5000 : i32
        %lt3A_327 = arith.cmpi slt, %add3A_325, %lt3A_326 : i32
        %convert_element_type3A_328 = arith.extui %lt3A_327 : i1 to i32
        %cond3A_329 = arith.constant 0 : i32
        %cond3A_330 = arith.cmpi ne, %convert_element_type3A_328, %cond3A_329 : i32
        scf.if %cond3A_330 {
          %mul3A_342 = arith.constant 64 : i32
          %mul3A_343 = arith.muli %add3A_325, %mul3A_342 : i32
          %dma_wait3A = arith.constant 1 : i32
          %dma_wait3A_344 = arith.constant 0 : i32
          %dma_wait3A_345 = tpu.memref_slice %arg10[%dma_wait3A, %dma_wait3A_344] : memref<2x64xi32, #tpu.memory_space<vmem>> -> memref<1x64xi32, #tpu.memory_space<vmem>>
          %dma_wait3A_346 = tpu.memref_squeeze %dma_wait3A_345 : memref<1x64xi32, #tpu.memory_space<vmem>> -> memref<64xi32, #tpu.memory_space<vmem>>
          %dma_wait3A_347 = tpu.memref_slice %arg3[%mul3A_343] : memref<320000xi32, #tpu.memory_space<hbm>> -> memref<64xi32, #tpu.memory_space<hbm>>
          %dma_wait3A_348 = arith.constant 0 : i32
          %dma_wait3A_349 = tpu.memref_slice %arg10[%dma_wait3A, %dma_wait3A_348] : memref<2x64xi32, #tpu.memory_space<vmem>> -> memref<1x64xi32, #tpu.memory_space<vmem>>
          %dma_wait3A_350 = tpu.memref_squeeze %dma_wait3A_349 : memref<1x64xi32, #tpu.memory_space<vmem>> -> memref<64xi32, #tpu.memory_space<vmem>>
          %dma_wait3A_351 = tpu.memref_slice %arg3[%mul3A_343] : memref<320000xi32, #tpu.memory_space<hbm>> -> memref<64xi32, #tpu.memory_space<hbm>>
          tpu.wait_dma2 semaphore(%arg18 : memref<!tpu.dma_semaphore, #tpu.memory_space<semaphore_mem>>) src(%dma_wait3A_351 : memref<64xi32, #tpu.memory_space<hbm>>) dst(%dma_wait3A_350 : memref<64xi32, #tpu.memory_space<vmem>>)
        } else {
        }
        %dma_start3A = arith.constant 1 : i32
        %dma_start3A_331 = arith.constant 1 : i32
        %dma_start3A_332 = arith.constant 0 : i32
        %dma_start3A_333 = arith.constant 0 : i32
        %dma_start3A_334 = tpu.memref_slice %arg11[%dma_start3A, %dma_start3A_332, %dma_start3A_333] : memref<2x64x128xf32, #tpu.memory_space<vmem>> -> memref<1x64x128xf32, #tpu.memory_space<vmem>>
        %dma_start3A_335 = tpu.memref_squeeze %dma_start3A_334 : memref<1x64x128xf32, #tpu.memory_space<vmem>> -> memref<64x128xf32, #tpu.memory_space<vmem>>
        %dma_start3A_336 = arith.constant 0 : i32
        %dma_start3A_337 = tpu.memref_slice %arg10[%dma_start3A_331, %dma_start3A_336] : memref<2x64xi32, #tpu.memory_space<vmem>> -> memref<1x64xi32, #tpu.memory_space<vmem>>
        %dma_start3A_338 = tpu.memref_squeeze %dma_start3A_337 : memref<1x64xi32, #tpu.memory_space<vmem>> -> memref<64xi32, #tpu.memory_space<vmem>>
        %dma_start3A_339 = arith.constant 0 : i32
        %dma_start3A_340 = arith.constant 0 : i32
        %dma_start3A_341 = tpu.memref_slice %arg15[%dma_start3A_339, %dma_start3A_340] : memref<10240x128xf32, #tpu.memory_space<vmem_shared>> -> memref<10240x128xf32, #tpu.memory_space<vmem_shared>>
        tpu.enqueue_indirect_dma source(%dma_start3A_335 : memref<64x128xf32, #tpu.memory_space<vmem>>) target(%dma_start3A_341 : memref<10240x128xf32, #tpu.memory_space<vmem_shared>>) offsets(%dma_start3A_338 : memref<64xi32, #tpu.memory_space<vmem>>) semaphore(%arg19 : memref<!tpu.dma_semaphore, #tpu.memory_space<semaphore_mem>>) {add = true}
      } else {
      }
      %add3A_245 = arith.constant 2 : i32
      %add3A_246 = arith.addi %add3A_185, %add3A_245 : i32
      %mul3A_247 = arith.constant 32 : i32
      %mul3A_248 = arith.muli %add3A_246, %mul3A_247 : i32
      %add3A_249 = arith.addi %mul3A_248, %add3A : i32
      %lt3A_250 = arith.constant 5000 : i32
      %lt3A_251 = arith.cmpi slt, %add3A_249, %lt3A_250 : i32
      %convert_element_type3A_252 = arith.extui %lt3A_251 : i1 to i32
      %cond3A_253 = arith.constant 0 : i32
      %cond3A_254 = arith.cmpi ne, %convert_element_type3A_252, %cond3A_253 : i32
      scf.if %cond3A_254 {
        %mul3A_256 = arith.constant 64 : i32
        %mul3A_257 = arith.muli %add3A_249, %mul3A_256 : i32
        %dma_start3A = arith.constant 1 : i32
        %dma_start3A_258 = arith.constant 0 : i32
        %dma_start3A_259 = tpu.memref_slice %arg8[%dma_start3A, %dma_start3A_258] : memref<2x64xi32, #tpu.memory_space<vmem>> -> memref<1x64xi32, #tpu.memory_space<vmem>>
        %dma_start3A_260 = tpu.memref_squeeze %dma_start3A_259 : memref<1x64xi32, #tpu.memory_space<vmem>> -> memref<64xi32, #tpu.memory_space<vmem>>
        %dma_start3A_261 = tpu.memref_slice %arg2[%mul3A_257] : memref<320000xi32, #tpu.memory_space<hbm>> -> memref<64xi32, #tpu.memory_space<hbm>>
        %dma_start3A_262 = arith.constant 0 : i32
        %dma_start3A_263 = tpu.memref_slice %arg8[%dma_start3A, %dma_start3A_262] : memref<2x64xi32, #tpu.memory_space<vmem>> -> memref<1x64xi32, #tpu.memory_space<vmem>>
        %dma_start3A_264 = tpu.memref_squeeze %dma_start3A_263 : memref<1x64xi32, #tpu.memory_space<vmem>> -> memref<64xi32, #tpu.memory_space<vmem>>
        %dma_start3A_265 = tpu.memref_slice %arg2[%mul3A_257] : memref<320000xi32, #tpu.memory_space<hbm>> -> memref<64xi32, #tpu.memory_space<hbm>>
        tpu.enqueue_dma source(%dma_start3A_265 : memref<64xi32, #tpu.memory_space<hbm>>) target(%dma_start3A_264 : memref<64xi32, #tpu.memory_space<vmem>>) target_semaphore(%arg16 : memref<!tpu.dma_semaphore, #tpu.memory_space<semaphore_mem>>)
        %dma_start3A_266 = arith.constant 1 : i32
        %dma_start3A_267 = arith.constant 0 : i32
        %dma_start3A_268 = tpu.memref_slice %arg9[%dma_start3A_266, %dma_start3A_267] : memref<2x64xi32, #tpu.memory_space<vmem>> -> memref<1x64xi32, #tpu.memory_space<vmem>>
        %dma_start3A_269 = tpu.memref_squeeze %dma_start3A_268 : memref<1x64xi32, #tpu.memory_space<vmem>> -> memref<64xi32, #tpu.memory_space<vmem>>
        %dma_start3A_270 = tpu.memref_slice %arg3[%mul3A_257] : memref<320000xi32, #tpu.memory_space<hbm>> -> memref<64xi32, #tpu.memory_space<hbm>>
        %dma_start3A_271 = arith.constant 0 : i32
        %dma_start3A_272 = tpu.memref_slice %arg9[%dma_start3A_266, %dma_start3A_271] : memref<2x64xi32, #tpu.memory_space<vmem>> -> memref<1x64xi32, #tpu.memory_space<vmem>>
        %dma_start3A_273 = tpu.memref_squeeze %dma_start3A_272 : memref<1x64xi32, #tpu.memory_space<vmem>> -> memref<64xi32, #tpu.memory_space<vmem>>
        %dma_start3A_274 = tpu.memref_slice %arg3[%mul3A_257] : memref<320000xi32, #tpu.memory_space<hbm>> -> memref<64xi32, #tpu.memory_space<hbm>>
        tpu.enqueue_dma source(%dma_start3A_274 : memref<64xi32, #tpu.memory_space<hbm>>) target(%dma_start3A_273 : memref<64xi32, #tpu.memory_space<vmem>>) target_semaphore(%arg16 : memref<!tpu.dma_semaphore, #tpu.memory_space<semaphore_mem>>)
      } else {
      }
      %scan3A_255 = arith.constant 0 : i32
      scf.yield %scan3A_255 : i32
    }
    %scan3A_104 = arith.constant 79 : i32
    %barrier3A_105 = arith.constant 0 : index
    tpu.barrier barrier_id(%barrier3A_105)
    %mul3A_106 = arith.constant 640 : i32
    %mul3A_107 = arith.muli %arg1, %mul3A_106 : i32
    %mul3A_108 = arith.constant 640 : i32
    %mul3A_109 = arith.muli %arg1, %mul3A_108 : i32
    "tpu.region"() ({
      %run_scoped3A_110 = tpu.sem_alloc : memref<!tpu.dma_semaphore, #tpu.memory_space<semaphore_mem>>
      %dma_start3A = arith.constant 0 : i32
      %dma_start3A_111 = tpu.memref_slice %arg6[%arg0, %mul3A_109, %dma_start3A] : memref<2x10240x128xf32, #tpu.memory_space<hbm>> -> memref<1x640x128xf32, #tpu.memory_space<hbm>>
      %dma_start3A_112 = tpu.memref_squeeze %dma_start3A_111 : memref<1x640x128xf32, #tpu.memory_space<hbm>> -> memref<640x128xf32, #tpu.memory_space<hbm>>
      %dma_start3A_113 = arith.constant 0 : i32
      %dma_start3A_114 = tpu.memref_slice %arg15[%mul3A_107, %dma_start3A_113] : memref<10240x128xf32, #tpu.memory_space<vmem_shared>> -> memref<640x128xf32, #tpu.memory_space<vmem_shared>>
      tpu.enqueue_dma source(%dma_start3A_114 : memref<640x128xf32, #tpu.memory_space<vmem_shared>>) target(%dma_start3A_112 : memref<640x128xf32, #tpu.memory_space<hbm>>) target_semaphore(%run_scoped3A_110 : memref<!tpu.dma_semaphore, #tpu.memory_space<semaphore_mem>>)
      %dma_wait3A = arith.constant 0 : i32
      %dma_wait3A_115 = tpu.memref_slice %arg6[%arg0, %mul3A_109, %dma_wait3A] : memref<2x10240x128xf32, #tpu.memory_space<hbm>> -> memref<1x640x128xf32, #tpu.memory_space<hbm>>
      %dma_wait3A_116 = tpu.memref_squeeze %dma_wait3A_115 : memref<1x640x128xf32, #tpu.memory_space<hbm>> -> memref<640x128xf32, #tpu.memory_space<hbm>>
      %dma_wait3A_117 = arith.constant 0 : i32
      %dma_wait3A_118 = tpu.memref_slice %arg15[%mul3A_107, %dma_wait3A_117] : memref<10240x128xf32, #tpu.memory_space<vmem_shared>> -> memref<640x128xf32, #tpu.memory_space<vmem_shared>>
      tpu.wait_dma2 semaphore(%run_scoped3A_110 : memref<!tpu.dma_semaphore, #tpu.memory_space<semaphore_mem>>) src(%dma_wait3A_118 : memref<640x128xf32, #tpu.memory_space<vmem_shared>>) dst(%dma_wait3A_116 : memref<640x128xf32, #tpu.memory_space<hbm>>)
      tpu.yield
    }) : () -> ()
    "tpu.region"() ({
      %run_scoped3A_110 = tpu.sem_alloc : memref<!tpu.dma_semaphore, #tpu.memory_space<semaphore_mem>>
      %dma_start3A = arith.constant 0 : i32
      %dma_start3A_111 = tpu.memref_slice %arg14[%dma_start3A] : memref<10256xf32, #tpu.memory_space<vmem>> -> memref<10240xf32, #tpu.memory_space<vmem>>
      %dma_start3A_112 = arith.constant 0 : i32
      %dma_start3A_113 = tpu.memref_slice %arg7[%add3A, %dma_start3A_112] : memref<32x10240xf32, #tpu.memory_space<hbm>> -> memref<1x10240xf32, #tpu.memory_space<hbm>>
      %dma_start3A_114 = tpu.memref_squeeze %dma_start3A_113 : memref<1x10240xf32, #tpu.memory_space<hbm>> -> memref<10240xf32, #tpu.memory_space<hbm>>
      %dma_start3A_115 = arith.constant 0 : i32
      %dma_start3A_116 = tpu.memref_slice %arg7[%add3A, %dma_start3A_115] : memref<32x10240xf32, #tpu.memory_space<hbm>> -> memref<1x10240xf32, #tpu.memory_space<hbm>>
      %dma_start3A_117 = tpu.memref_squeeze %dma_start3A_116 : memref<1x10240xf32, #tpu.memory_space<hbm>> -> memref<10240xf32, #tpu.memory_space<hbm>>
      %dma_start3A_118 = arith.constant 0 : i32
      %dma_start3A_119 = tpu.memref_slice %arg14[%dma_start3A_118] : memref<10256xf32, #tpu.memory_space<vmem>> -> memref<10240xf32, #tpu.memory_space<vmem>>
      tpu.enqueue_dma source(%dma_start3A_119 : memref<10240xf32, #tpu.memory_space<vmem>>) target(%dma_start3A_117 : memref<10240xf32, #tpu.memory_space<hbm>>) target_semaphore(%run_scoped3A_110 : memref<!tpu.dma_semaphore, #tpu.memory_space<semaphore_mem>>)
      %dma_wait3A = arith.constant 0 : i32
      %dma_wait3A_120 = tpu.memref_slice %arg14[%dma_wait3A] : memref<10256xf32, #tpu.memory_space<vmem>> -> memref<10240xf32, #tpu.memory_space<vmem>>
      %dma_wait3A_121 = arith.constant 0 : i32
      %dma_wait3A_122 = tpu.memref_slice %arg7[%add3A, %dma_wait3A_121] : memref<32x10240xf32, #tpu.memory_space<hbm>> -> memref<1x10240xf32, #tpu.memory_space<hbm>>
      %dma_wait3A_123 = tpu.memref_squeeze %dma_wait3A_122 : memref<1x10240xf32, #tpu.memory_space<hbm>> -> memref<10240xf32, #tpu.memory_space<hbm>>
      %dma_wait3A_124 = arith.constant 0 : i32
      %dma_wait3A_125 = tpu.memref_slice %arg7[%add3A, %dma_wait3A_124] : memref<32x10240xf32, #tpu.memory_space<hbm>> -> memref<1x10240xf32, #tpu.memory_space<hbm>>
      %dma_wait3A_126 = tpu.memref_squeeze %dma_wait3A_125 : memref<1x10240xf32, #tpu.memory_space<hbm>> -> memref<10240xf32, #tpu.memory_space<hbm>>
      %dma_wait3A_127 = arith.constant 0 : i32
      %dma_wait3A_128 = tpu.memref_slice %arg14[%dma_wait3A_127] : memref<10256xf32, #tpu.memory_space<vmem>> -> memref<10240xf32, #tpu.memory_space<vmem>>
      tpu.wait_dma2 semaphore(%run_scoped3A_110 : memref<!tpu.dma_semaphore, #tpu.memory_space<semaphore_mem>>) src(%dma_wait3A_128 : memref<10240xf32, #tpu.memory_space<vmem>>) dst(%dma_wait3A_126 : memref<10240xf32, #tpu.memory_space<hbm>>)
      tpu.yield
    }) : () -> ()
    return
  }
}

module attributes {stable_mosaic.version = 14 : i64} {
  func.func @_proj_body(%arg0: i32, %arg1: memref<2000x128xf32, #tpu.memory_space<vmem>>, %arg2: memref<128x128xf32, #tpu.memory_space<vmem>>, %arg3: memref<1x128xf32, #tpu.memory_space<vmem>>, %arg4: memref<128x128xf32, #tpu.memory_space<vmem>>, %arg5: memref<1x128xf32, #tpu.memory_space<vmem>>, %arg6: memref<128x128xf32, #tpu.memory_space<vmem>>, %arg7: memref<1x128xf32, #tpu.memory_space<vmem>>, %arg8: memref<128x128xf32, #tpu.memory_space<vmem>>, %arg9: memref<1x128xf32, #tpu.memory_space<vmem>>, %arg10: memref<2000x128xf32, #tpu.memory_space<vmem>>, %arg11: memref<2000x256xbf16, #tpu.memory_space<vmem>>, %arg12: memref<2000x128xf32, #tpu.memory_space<vmem>>) attributes {dimension_semantics = [#tpu.dimension_semantics<arbitrary>], iteration_bounds = array<i64: 5>, scalar_prefetch = 0 : i64, scratch_operands = 0 : i64, tpu.core_type = #tpu.core_type<tc>, window_params = [{transform_indices = @transform_0, window_bounds = array<i64: 2000, 128>}, {pipeline_mode = #tpu.pipeline_mode<synchronous>, transform_indices = @transform_1, window_bounds = array<i64: 128, 128>}, {pipeline_mode = #tpu.pipeline_mode<synchronous>, transform_indices = @transform_2, window_bounds = array<i64: 1, 128>}, {pipeline_mode = #tpu.pipeline_mode<synchronous>, transform_indices = @transform_3, window_bounds = array<i64: 128, 128>}, {pipeline_mode = #tpu.pipeline_mode<synchronous>, transform_indices = @transform_4, window_bounds = array<i64: 1, 128>}, {pipeline_mode = #tpu.pipeline_mode<synchronous>, transform_indices = @transform_5, window_bounds = array<i64: 128, 128>}, {pipeline_mode = #tpu.pipeline_mode<synchronous>, transform_indices = @transform_6, window_bounds = array<i64: 1, 128>}, {pipeline_mode = #tpu.pipeline_mode<synchronous>, transform_indices = @transform_7, window_bounds = array<i64: 128, 128>}, {pipeline_mode = #tpu.pipeline_mode<synchronous>, transform_indices = @transform_8, window_bounds = array<i64: 1, 128>}, {transform_indices = @transform_9, window_bounds = array<i64: 2000, 128>}, {transform_indices = @transform_10, window_bounds = array<i64: 2000, 256>}, {transform_indices = @transform_11, window_bounds = array<i64: 2000, 128>}]} {
    %get3A = arith.constant 0 : index
    %get3A_0 = arith.constant 0 : index
    %get3A_1 = vector.load %arg1[%get3A, %get3A_0] : memref<2000x128xf32, #tpu.memory_space<vmem>>, vector<2000x128xf32>
    %get3A_2 = arith.constant 0 : index
    %get3A_3 = arith.constant 0 : index
    %get3A_4 = vector.load %arg2[%get3A_2, %get3A_3] : memref<128x128xf32, #tpu.memory_space<vmem>>, vector<128x128xf32>
    %dot_general3A = arith.constant dense<0.000000e+00> : vector<2000x128xf32>
    %dot_general3A_5 = tpu.matmul %get3A_1, %get3A_4, %dot_general3A {dimension_numbers = #tpu.dot_dimension_numbers<[1], [0], [0], [1], [0, 0, 1, 1], [], []>, transpose_lhs_hint = false} : vector<2000x128xf32>, vector<128x128xf32>, vector<2000x128xf32> -> vector<2000x128xf32>
    %get3A_6 = arith.constant 0 : index
    %get3A_7 = arith.constant 0 : index
    %get3A_8 = vector.load %arg3[%get3A_6, %get3A_7] : memref<1x128xf32, #tpu.memory_space<vmem>>, vector<1x128xf32>
    %add3A = vector.broadcast %get3A_8 : vector<1x128xf32> to vector<2000x128xf32>
    %add3A_9 = arith.addf %dot_general3A_5, %add3A : vector<2000x128xf32>
    %swap3A = arith.constant 0 : index
    %swap3A_10 = arith.constant 0 : index
    %swap3A_11 = vector.load %arg10[%swap3A, %swap3A_10] : memref<2000x128xf32, #tpu.memory_space<vmem>>, vector<2000x128xf32>
    tpu.vector_store %arg10[%swap3A, %swap3A_10], %add3A_9 {strides = array<i32>} : memref<2000x128xf32, #tpu.memory_space<vmem>>, vector<2000x128xf32>,
    %get3A_12 = arith.constant 0 : index
    %get3A_13 = arith.constant 0 : index
    %get3A_14 = vector.load %arg4[%get3A_12, %get3A_13] : memref<128x128xf32, #tpu.memory_space<vmem>>, vector<128x128xf32>
    %dot_general3A_15 = arith.constant dense<0.000000e+00> : vector<2000x128xf32>
    %dot_general3A_16 = tpu.matmul %get3A_1, %get3A_14, %dot_general3A_15 {dimension_numbers = #tpu.dot_dimension_numbers<[1], [0], [0], [1], [0, 0, 1, 1], [], []>, transpose_lhs_hint = false} : vector<2000x128xf32>, vector<128x128xf32>, vector<2000x128xf32> -> vector<2000x128xf32>
    %get3A_17 = arith.constant 0 : index
    %get3A_18 = arith.constant 0 : index
    %get3A_19 = vector.load %arg5[%get3A_17, %get3A_18] : memref<1x128xf32, #tpu.memory_space<vmem>>, vector<1x128xf32>
    %add3A_20 = vector.broadcast %get3A_19 : vector<1x128xf32> to vector<2000x128xf32>
    %add3A_21 = arith.addf %dot_general3A_16, %add3A_20 : vector<2000x128xf32>
    %convert_element_type3A = arith.truncf %add3A_21 : vector<2000x128xf32> to vector<2000x128xbf16>
    %swap3A_22 = arith.constant 0 : index
    %swap3A_23 = arith.constant 0 : index
    %swap3A_24 = vector.load %arg11[%swap3A_22, %swap3A_23] : memref<2000x256xbf16, #tpu.memory_space<vmem>>, vector<2000x128xbf16>
    tpu.vector_store %arg11[%swap3A_22, %swap3A_23], %convert_element_type3A {strides = array<i32>} : memref<2000x256xbf16, #tpu.memory_space<vmem>>, vector<2000x128xbf16>,
    %get3A_25 = arith.constant 0 : index
    %get3A_26 = arith.constant 0 : index
    %get3A_27 = vector.load %arg6[%get3A_25, %get3A_26] : memref<128x128xf32, #tpu.memory_space<vmem>>, vector<128x128xf32>
    %dot_general3A_28 = arith.constant dense<0.000000e+00> : vector<2000x128xf32>
    %dot_general3A_29 = tpu.matmul %get3A_1, %get3A_27, %dot_general3A_28 {dimension_numbers = #tpu.dot_dimension_numbers<[1], [0], [0], [1], [0, 0, 1, 1], [], []>, transpose_lhs_hint = false} : vector<2000x128xf32>, vector<128x128xf32>, vector<2000x128xf32> -> vector<2000x128xf32>
    %get3A_30 = arith.constant 0 : index
    %get3A_31 = arith.constant 0 : index
    %get3A_32 = vector.load %arg7[%get3A_30, %get3A_31] : memref<1x128xf32, #tpu.memory_space<vmem>>, vector<1x128xf32>
    %add3A_33 = vector.broadcast %get3A_32 : vector<1x128xf32> to vector<2000x128xf32>
    %add3A_34 = arith.addf %dot_general3A_29, %add3A_33 : vector<2000x128xf32>
    %convert_element_type3A_35 = arith.truncf %add3A_34 : vector<2000x128xf32> to vector<2000x128xbf16>
    %swap3A_36 = arith.constant 0 : index
    %swap3A_37 = arith.constant 128 : index
    %swap3A_38 = vector.load %arg11[%swap3A_36, %swap3A_37] : memref<2000x256xbf16, #tpu.memory_space<vmem>>, vector<2000x128xbf16>
    tpu.vector_store %arg11[%swap3A_36, %swap3A_37], %convert_element_type3A_35 {strides = array<i32>} : memref<2000x256xbf16, #tpu.memory_space<vmem>>, vector<2000x128xbf16>,
    %get3A_39 = arith.constant 0 : index
    %get3A_40 = arith.constant 0 : index
    %get3A_41 = vector.load %arg8[%get3A_39, %get3A_40] : memref<128x128xf32, #tpu.memory_space<vmem>>, vector<128x128xf32>
    %dot_general3A_42 = arith.constant dense<0.000000e+00> : vector<2000x128xf32>
    %dot_general3A_43 = tpu.matmul %get3A_1, %get3A_41, %dot_general3A_42 {dimension_numbers = #tpu.dot_dimension_numbers<[1], [0], [0], [1], [0, 0, 1, 1], [], []>, transpose_lhs_hint = false} : vector<2000x128xf32>, vector<128x128xf32>, vector<2000x128xf32> -> vector<2000x128xf32>
    %get3A_44 = arith.constant 0 : index
    %get3A_45 = arith.constant 0 : index
    %get3A_46 = vector.load %arg9[%get3A_44, %get3A_45] : memref<1x128xf32, #tpu.memory_space<vmem>>, vector<1x128xf32>
    %add3A_47 = vector.broadcast %get3A_46 : vector<1x128xf32> to vector<2000x128xf32>
    %add3A_48 = arith.addf %dot_general3A_43, %add3A_47 : vector<2000x128xf32>
    %swap3A_49 = arith.constant 0 : index
    %swap3A_50 = arith.constant 0 : index
    %swap3A_51 = vector.load %arg12[%swap3A_49, %swap3A_50] : memref<2000x128xf32, #tpu.memory_space<vmem>>, vector<2000x128xf32>
    tpu.vector_store %arg12[%swap3A_49, %swap3A_50], %add3A_48 {strides = array<i32>} : memref<2000x128xf32, #tpu.memory_space<vmem>>, vector<2000x128xf32>,
    return
  }
  func.func @transform_0(%arg0: i32) -> (i32, i32) {
    %c0_i32 = arith.constant 0 : i32
    %c0_i32_0 = arith.constant 0 : i32
    return %arg0, %c0_i32 : i32, i32
  }
  func.func @transform_1(%arg0: i32) -> (i32, i32) {
    %c0_i32 = arith.constant 0 : i32
    %c0_i32_0 = arith.constant 0 : i32
    %c0_i32_1 = arith.constant 0 : i32
    return %c0_i32, %c0_i32_0 : i32, i32
  }
  func.func @transform_2(%arg0: i32) -> (i32, i32) {
    %c0_i32 = arith.constant 0 : i32
    %c0_i32_0 = arith.constant 0 : i32
    %c0_i32_1 = arith.constant 0 : i32
    return %c0_i32, %c0_i32_0 : i32, i32
  }
  func.func @transform_3(%arg0: i32) -> (i32, i32) {
    %c0_i32 = arith.constant 0 : i32
    %c0_i32_0 = arith.constant 0 : i32
    %c0_i32_1 = arith.constant 0 : i32
    return %c0_i32, %c0_i32_0 : i32, i32
  }
  func.func @transform_4(%arg0: i32) -> (i32, i32) {
    %c0_i32 = arith.constant 0 : i32
    %c0_i32_0 = arith.constant 0 : i32
    %c0_i32_1 = arith.constant 0 : i32
    return %c0_i32, %c0_i32_0 : i32, i32
  }
  func.func @transform_5(%arg0: i32) -> (i32, i32) {
    %c0_i32 = arith.constant 0 : i32
    %c0_i32_0 = arith.constant 0 : i32
    %c0_i32_1 = arith.constant 0 : i32
    return %c0_i32, %c0_i32_0 : i32, i32
  }
  func.func @transform_6(%arg0: i32) -> (i32, i32) {
    %c0_i32 = arith.constant 0 : i32
    %c0_i32_0 = arith.constant 0 : i32
    %c0_i32_1 = arith.constant 0 : i32
    return %c0_i32, %c0_i32_0 : i32, i32
  }
  func.func @transform_7(%arg0: i32) -> (i32, i32) {
    %c0_i32 = arith.constant 0 : i32
    %c0_i32_0 = arith.constant 0 : i32
    %c0_i32_1 = arith.constant 0 : i32
    return %c0_i32, %c0_i32_0 : i32, i32
  }
  func.func @transform_8(%arg0: i32) -> (i32, i32) {
    %c0_i32 = arith.constant 0 : i32
    %c0_i32_0 = arith.constant 0 : i32
    %c0_i32_1 = arith.constant 0 : i32
    return %c0_i32, %c0_i32_0 : i32, i32
  }
  func.func @transform_9(%arg0: i32) -> (i32, i32) {
    %c0_i32 = arith.constant 0 : i32
    %c0_i32_0 = arith.constant 0 : i32
    return %arg0, %c0_i32 : i32, i32
  }
  func.func @transform_10(%arg0: i32) -> (i32, i32) {
    %c0_i32 = arith.constant 0 : i32
    %c0_i32_0 = arith.constant 0 : i32
    return %arg0, %c0_i32 : i32, i32
  }
  func.func @transform_11(%arg0: i32) -> (i32, i32) {
    %c0_i32 = arith.constant 0 : i32
    %c0_i32_0 = arith.constant 0 : i32
    return %arg0, %c0_i32 : i32, i32
  }
}

module attributes {stable_mosaic.version = 14 : i64} {
  func.func @_combine_body(%arg0: i32, %arg1: memref<2x2048x128xf32, #tpu.memory_space<vmem>>, %arg2: memref<32x2048xf32, #tpu.memory_space<vmem>>, %arg3: memref<2048x128xf32, #tpu.memory_space<vmem>>, %arg4: memref<2048x128xf32, #tpu.memory_space<vmem>>) attributes {dimension_semantics = [#tpu.dimension_semantics<arbitrary>], iteration_bounds = array<i64: 5>, scalar_prefetch = 0 : i64, scratch_operands = 0 : i64, tpu.core_type = #tpu.core_type<tc>, window_params = [{transform_indices = @transform_0, window_bounds = array<i64: 2, 2048, 128>}, {transform_indices = @transform_1, window_bounds = array<i64: 32, 2048>}, {transform_indices = @transform_2, window_bounds = array<i64: 2048, 128>}, {transform_indices = @transform_3, window_bounds = array<i64: 2048, 128>}]} {
    %get3A = arith.constant 0 : index
    %get3A_0 = arith.constant 0 : index
    %get3A_1 = arith.constant 0 : index
    %get3A_2 = vector.load %arg1[%get3A, %get3A_0, %get3A_1] : memref<2x2048x128xf32, #tpu.memory_space<vmem>>, vector<1x2048x128xf32>
    %get3A_3 = vector.shape_cast %get3A_2 : vector<1x2048x128xf32> to vector<2048x128xf32>
    %get3A_4 = arith.constant 1 : index
    %get3A_5 = arith.constant 0 : index
    %get3A_6 = arith.constant 0 : index
    %get3A_7 = vector.load %arg1[%get3A_4, %get3A_5, %get3A_6] : memref<2x2048x128xf32, #tpu.memory_space<vmem>>, vector<1x2048x128xf32>
    %get3A_8 = vector.shape_cast %get3A_7 : vector<1x2048x128xf32> to vector<2048x128xf32>
    %add3A = arith.addf %get3A_3, %get3A_8 : vector<2048x128xf32>
    %get3A_9 = arith.constant 0 : index
    %get3A_10 = arith.constant 0 : index
    %get3A_11 = vector.load %arg2[%get3A_9, %get3A_10] : memref<32x2048xf32, #tpu.memory_space<vmem>>, vector<32x2048xf32>
    %reduce_sum3A = arith.constant dense<0.000000e+00> : vector<2048xf32>
    %reduce_sum3A_12 = vector.multi_reduction <add>, %get3A_11, %reduce_sum3A [0] : vector<32x2048xf32> to vector<2048xf32>
    %eq3A = arith.constant 0.000000e+00 : f32
    %eq3A_13 = vector.broadcast %eq3A : f32 to vector<2048xf32>
    %eq3A_14 = arith.cmpf oeq, %reduce_sum3A_12, %eq3A_13 : vector<2048xf32>
    %jit3A = arith.constant 1.000000e+00 : f32
    %broadcast_in_dim3A = vector.broadcast %jit3A : f32 to vector<2048xf32>
    %select_n3A = arith.select %eq3A_14, %broadcast_in_dim3A, %reduce_sum3A_12 : vector<2048xi1>, vector<2048xf32>
    %broadcast_in_dim3A_15 = vector.shape_cast %select_n3A : vector<2048xf32> to vector<2048x1xf32>
    %div3A = vector.broadcast %broadcast_in_dim3A_15 : vector<2048x1xf32> to vector<2048x128xf32>
    %div3A_16 = arith.divf %add3A, %div3A : vector<2048x128xf32>
    %get3A_17 = arith.constant 0 : index
    %get3A_18 = arith.constant 0 : index
    %get3A_19 = vector.load %arg3[%get3A_17, %get3A_18] : memref<2048x128xf32, #tpu.memory_space<vmem>>, vector<2048x128xf32>
    %add3A_20 = arith.addf %div3A_16, %get3A_19 : vector<2048x128xf32>
    %max3A = arith.constant 0.000000e+00 : f32
    %max3A_21 = vector.broadcast %max3A : f32 to vector<2048x128xf32>
    %max3A_22 = arith.maximumf %add3A_20, %max3A_21 : vector<2048x128xf32>
    %swap3A = arith.constant 0 : index
    %swap3A_23 = arith.constant 0 : index
    %swap3A_24 = vector.load %arg4[%swap3A, %swap3A_23] : memref<2048x128xf32, #tpu.memory_space<vmem>>, vector<2048x128xf32>
    tpu.vector_store %arg4[%swap3A, %swap3A_23], %max3A_22 {strides = array<i32>} : memref<2048x128xf32, #tpu.memory_space<vmem>>, vector<2048x128xf32>,
    return
  }
  func.func @transform_0(%arg0: i32) -> (i32, i32, i32) {
    %c0_i32 = arith.constant 0 : i32
    %c0_i32_0 = arith.constant 0 : i32
    %c0_i32_1 = arith.constant 0 : i32
    return %c0_i32, %arg0, %c0_i32_0 : i32, i32, i32
  }
  func.func @transform_1(%arg0: i32) -> (i32, i32) {
    %c0_i32 = arith.constant 0 : i32
    %c0_i32_0 = arith.constant 0 : i32
    return %c0_i32, %arg0 : i32, i32
  }
  func.func @transform_2(%arg0: i32) -> (i32, i32) {
    %c0_i32 = arith.constant 0 : i32
    %c0_i32_0 = arith.constant 0 : i32
    return %arg0, %c0_i32 : i32, i32
  }
  func.func @transform_3(%arg0: i32) -> (i32, i32) {
    %c0_i32 = arith.constant 0 : i32
    %c0_i32_0 = arith.constant 0 : i32
    return %arg0, %c0_i32 : i32, i32
  }
}

</mosaic_0001>

<sc_bundles>
// kernel: kernel.5.cloned.1.call-start
scs
__scs_entry_jumppad:
0x0: {  	(pc) =	sbr.rel $0x88, $3  }
0x1: {  	(tag) =	ssettag $0x0;
	lr =	simm.s32 $0x1  }
0x2: {  	[smem:$0x3F97] =	sst lr;
	_ =	strace $0xD0000000  }
0x3: {  	_ = 	snop  }
0x4: {  	_ = 	snop  }
0x5: {  	_ = 	snop  }
0x6: {  	_ = 	snop  }
0x7: {  	_ = 	snop  }
__scs_overlays_trampoline_lowered:
0x8: {  	[smem:$0x3FA6] =	sst s0  }
0x9: {  	[smem:$0x3FA7] =	sst s1  }
0xa: {  	[smem:$0x3FA8] =	sst s2  }
0xb: {  	[smem:$0x3FA9] =	sst s3  }
0xc: {  	[smem:$0x3FAA] =	sst s4  }
0xd: {  	[smem:$0x3FAB] =	sst s5  }
0xe: {  	[smem:$0x3FAC] =	sst s6  }
0xf: {  	[smem:$0x3FAD] =	sst s7  }
0x10: {  	[smem:$0x3FAE] =	sst s8  }
0x11: {  	[smem:$0x3FAF] =	sst s9;
	s0 =	simm.s32 @!p0 $0x0  }
0x12: {  	s1 =	sld [smem:$0x3F95];
	s0 =	simm.s32 @p0 $0x1  }
0x13: {  	[smem:$0x3FB0] =	sst s0;
	s0 =	simm.s32 @!p1 $0x0  }
0x14: {  	s2 =	sld [smem:$0x3F94];
	s0 =	simm.s32 @p1 $0x1  }
0x15: {  	[smem:$0x3FB1] =	sst s0;
	s0 =	simm.s32 @!p2 $0x0  }
0x16: {  	s3 =	sld [smem:$0x3FDB];
	s0 =	simm.s32 @p2 $0x1  }
0x17: {  	s4 =	simm.s32 $0x1BF5;
	[smem:$0x3FB3] =	sst s0  }
0x18: {  	s0 =	sld [smem:$0x3F96];
	_ =	swait.ge [sflag:s4], $0x0  }
0x19: {  	s7 =	sld [smem:$0x3F97]  }
0x1a: {  	s8 =	sadd.s32 $0xFFFFE003, lr  }
0x1b: {  	s9 =	sadd.s32 $0xFFFFFEF7, lr;
	s5 =	simm.s32 $0xFFFFFFFF;
	p2 =	slt.u32 s8, $0xFFFFF086  }
0x1c: {  	p1 =	slt.u32 s9, $0xF7A;
	s5 =	simm.s32 @!p2 $0x0  }
0x1d: {  	s5 =	simm.s32 @p1 $0x1;
	p0 =	seq.s32 s7, s2  }
0x1e: {  	s7 =	smul.u32 @!p0 $0xF7A, s2;
	p2 =	seq.s32 @!p0 s5, $0x0  }
0x1f: {  	s9 =	smul.u32 $0xF7A, s1;
	s8 =	simm.s32 @!p0 $0x1BF5;
	p2 =	por !p2, p0  }
0x20: {  	[sflag:s8] =	ssyncset.s32 @!p0 $0xFFFFF086;
	s6 =	sadd.s32 @!p0 s3, s7;
	s7 =	simm.s32 @!p0 $0x108  }
0x21: {  	s3 =	sadd.s32 s3, s9;
	s6 =	sadd.s32 @!p0 $0x88, s6;
	s7 =	simm.s32 @p2 $0x1082  }
0x22: {  	[simem:s7], [sflag:s8] =	dma.local @!p0 [hbm:s6], $0xF7A  }
0x23: {  	s9 =	sor.u32 $0xD0000000, s2;
	s6 =	simm.s32 $0x108;
	_ =	swait.ge @!p0 [sflag:s8], $0x0  }
0x24: {  	s3 =	sadd.s32 $0x88, s3;
	s6 =	simm.s32 @!p1 $0x1082;
	[sflag:s4] =	ssyncset.s32 $0xFFFFF086  }
0x25: {  	[simem:s6], [sflag:s4] =	dma.local [hbm:s3], $0xF7A  }
0x26: {  	[smem:$0x3F97] =	sst s1;
	(tag) =	ssettag s2;
	_ =	strace s9  }
0x27: {  	s1 =	sld [smem:$0x3FA7]  }
0x28: {  	s2 =	sld [smem:$0x3FA8]  }
0x29: {  	s4 =	sld [smem:$0x3FAA]  }
0x2a: {  	p0 =	seq.s32 s5, $0x0;
	s5 =	sld [smem:$0x3FAB]  }
0x2b: {  	s6 =	sld [smem:$0x3FAC]  }
0x2c: {  	s7 =	sld [smem:$0x3FAD]  }
0x2d: {  	s3 =	simm.s32 $0x108;
	s8 =	sld [smem:$0x3FAE]  }
0x2e: {  	s3 =	simm.s32 @!p0 $0x1082;
	s9 =	sld [smem:$0x3FAF]  }
0x2f: {  	lr =	sadd.s32 s0, s3;
	s0 =	sld [smem:$0x3FA6]  }
0x30: {  	s3 =	sld [smem:$0x3FA9]  }
0x31: {  	[smem:$0x3FB2] =	sst s10  }
0x32: {  	s10 =	sld [smem:$0x3FB0];
	_ =	sdelay $0x3  }
0x33: {  	p0 =	seq.s32 s10, $0x1;
	s10 =	sld [smem:$0x3FB2];
	_ =	sdelay $0x3  }
0x34: {  	[smem:$0x3FB2] =	sst s10  }
0x35: {  	s10 =	sld [smem:$0x3FB1];
	_ =	sdelay $0x3  }
0x36: {  	p1 =	seq.s32 s10, $0x1;
	s10 =	sld [smem:$0x3FB2];
	_ =	sdelay $0x3  }
0x37: {  	[smem:$0x3FB2] =	sst s10  }
0x38: {  	s10 =	sld [smem:$0x3FB3]  }
0x39: {  	_ = 	snop;
	(pc) =	sbr.ind lr, $3  }
0x3a: {  	_ = 	snop  }
0x3b: {  	_ = 	snop  }
0x3c: {  	p2 =	seq.s32 s10, $0x1;
	s10 =	sld [smem:$0x3FB2]  }
0x3d: {  	_ =	shalt  }
0x3e: {  	_ =	shalt  }
0x3f: {  	_ =	shalt  }
0x40: {  	_ =	shalt  }
0x41: {  	_ =	shalt  }
0x42: {  	_ =	shalt  }
0x43: {  	_ =	shalt  }
0x44: {  	_ =	shalt  }
0x45: {  	_ =	shalt  }
0x46: {  	_ =	shalt  }
0x47: {  	_ =	shalt  }
0x48: {  	_ =	shalt  }
0x49: {  	_ =	shalt  }
0x4a: {  	_ =	shalt  }
0x4b: {  	_ =	shalt  }
0x4c: {  	_ =	shalt  }
0x4d: {  	_ =	shalt  }
0x4e: {  	_ =	shalt  }
0x4f: {  	_ =	shalt  }
0x50: {  	_ =	shalt  }
0x51: {  	_ =	shalt  }
0x52: {  	_ =	shalt  }
0x53: {  	_ =	shalt  }
0x54: {  	_ =	shalt  }
0x55: {  	_ =	shalt  }
0x56: {  	_ =	shalt  }
0x57: {  	_ =	shalt  }
0x58: {  	_ =	shalt  }
0x59: {  	_ =	shalt  }
0x5a: {  	_ =	shalt  }
0x5b: {  	_ =	shalt  }
0x5c: {  	_ =	shalt  }
0x5d: {  	_ =	shalt  }
0x5e: {  	_ =	shalt  }
0x5f: {  	_ =	shalt  }
0x60: {  	_ =	shalt  }
0x61: {  	_ =	shalt  }
0x62: {  	_ =	shalt  }
0x63: {  	_ =	shalt  }
0x64: {  	_ =	shalt  }
0x65: {  	_ =	shalt  }
0x66: {  	_ =	shalt  }
0x67: {  	_ =	shalt  }
0x68: {  	_ =	shalt  }
0x69: {  	_ =	shalt  }
0x6a: {  	_ =	shalt  }
0x6b: {  	_ =	shalt  }
0x6c: {  	_ =	shalt  }
0x6d: {  	_ =	shalt  }
0x6e: {  	_ =	shalt  }
0x6f: {  	_ =	shalt  }
0x70: {  	_ =	shalt  }
0x71: {  	_ =	shalt  }
0x72: {  	_ =	shalt  }
0x73: {  	_ =	shalt  }
0x74: {  	_ =	shalt  }
0x75: {  	_ =	shalt  }
0x76: {  	_ =	shalt  }
0x77: {  	_ =	shalt  }
0x78: {  	_ =	shalt  }
0x79: {  	_ =	shalt  }
0x7a: {  	_ =	shalt  }
0x7b: {  	_ =	shalt  }
0x7c: {  	_ =	shalt  }
0x7d: {  	_ =	shalt  }
0x7e: {  	_ =	shalt  }
0x7f: {  	_ =	shalt  }
0x80: {  	_ =	shalt  }
0x81: {  	_ =	shalt  }
0x82: {  	_ =	shalt  }
0x83: {  	_ =	shalt  }
0x84: {  	_ =	shalt  }
0x85: {  	_ =	shalt  }
0x86: {  	_ =	shalt  }
0x87: {  	_ =	shalt  }
.Lfunc_end0:
.L_simem_size_0:
called_computation_lowered:
.L_overlay_start_0:
0x88: {  	s2 =	sld [smem:$0x3FD9]  }
0x89: {  	s3 =	sld [smem:$0x3FFE];
	_ =	sdelay $0x1  }
0x8a: {  	s1 =	srdreg.scid  }
0x8b: {  	s0 =	sand.u32 $0x1, s1  }
0x8c: {  	s17 =	sshll.u32 s0, $0xA;
	s2 =	sadd.s32 s3, s2  }
0x8d: {  	s2 =	sadd.s32 s2, s17  }
0x8e: {  	[smem:$0x3FBE] =	sst s2  }
0x8f: {  	_ = 	snop  }
0x90: {  	s2 =	sld [smem:$0x3FD0];
	(tm) =	ssettm $0x1  }
0x91: {  	s18 =	sld [smem:$0x3FFB];
	_ =	sdelay $0x3  }
0x92: {  	_ =	strace s18  }
0x93: {  	s3 =	sld [smem:$0x3FFC];
	_ =	sdelay $0x3  }
0x94: {  	_ =	strace s3  }
0x95: {  	s3 =	sld [smem:$0x3FFD];
	_ =	sdelay $0x3  }
0x96: {  	_ =	strace s3  }
0x97: {  	_ =	strace $0x8FFFFFFF  }
0x98: {  	s19 =	sld [smem:$0x3FDB];
	_ =	sdelay $0x1  }
0x99: {  	s4 =	simm.s32 $_scs_section_size  }
0x9a: {  	s5 =	simm.s32 $_size__tile_overlayer_lowered;
	s6 =	simm.s32 $_tile_overlayer_lowered  }
0x9b: {  	s22 =	simm.s32 $0x1BFF;
	s21 =	sshll.u32 s6, $0x1;
	s3 =	sadd.s32 s4, s19  }
0x9c: {  	s7 =	simm.s32 $0x0;
	s20 =	sshll.u32 s5, $0x1;
	s5 =	sadd.s32 s21, s3  }
0x9d: {  	[timem:s7], [sflag:s22] =	dma.local [hbm:s5], s20  }
0x9e: {  	_ =	swait.ge [sflag:s22], s20  }
0x9f: {  	s4 =	ssub.s32 $0x0, s20;
	[sflag:s22] =	ssyncset.done $0x0  }
0xa0: {  	[sflag:s22] =	ssyncadd.s32 s4;
	_ =	sdelay $0x1  }
0xa1: {  	s23 =	simm.s32 $0x1B8B  }
0xa2: {  	_ =	swait.ge [sflag:s23], $0x1  }
0xa3: {  	[sflag:s23] =	ssyncset.done $0x0  }
0xa4: {  	s25 =	simm.s32 $0x1B8E;
	s24 =	sld [smem:$0x3FFE];
	[sflag:s23] =	ssyncadd.s32 $0xFFFFFFFF  }
0xa5: {  	s26 =	simm.s32 $execute0_lowered;
	[smem:$0x3FD2] =	sst s25  }
0xa6: {  	s5 =	sshll.u32 s26, $0x1;
	_ =	strace $0x80000046;
	[dreg:$0x1] =	wrdreg $0xFFFFFFFF  }
0xa7: {  	s28 =	simm.s32 $_size_execute0_lowered;
	s3 =	sadd.s32 s3, s5;
	[dreg:$0x0] =	wrdreg $0x0  }
0xa8: {  	s5 =	sshll.u32 s28, $0x1;
	[dreg:$0x2] =	wrdreg s3  }
0xa9: {  	[dreg:$0x3] =	wrdreg s5  }
0xaa: {  	[dreg:$0x4] =	wrdreg $0xC0  }
0xab: {  	_ =	task [dreg:s7], $0x5FFFF  }
0xac: {  	[dreg:$0x1] =	wrdreg $0xFFFFFFFF  }
0xad: {  	[dreg:$0x0] =	wrdreg $0x60  }
0xae: {  	[dreg:$0x2] =	wrdreg s24  }
0xaf: {  	[dreg:$0x3] =	wrdreg s2  }
0xb0: {  	[dreg:$0x4] =	wrdreg $0xAC000  }
0xb1: {  	[dreg:$0x5] =	wrdreg $0x9  }
0xb2: {  	_ =	task.clear_ibuf [dreg:s7], $0x6FFFF;
	_ =	strace $0x90000046  }
0xb3: {  	s29 =	simm.s32 $0x9;
	_ =	strace $0x80000048  }
0xb4: {  	_ =	swait.ge [sflag:s29], $0x1  }
0xb5: {  	[sflag:s29] =	ssyncadd.s32 $0xFFFFFFFF  }
0xb6: {  	_ =	strace $0x90000048  }
0xb7: {  	_ =	sfence  }
0xb8: {  	s30 =	sld [smem:$0x0];
	_ =	sdelay $0x2  }
0xb9: {  	s31 =	sshll.u32 s1, $0xD;
	s1 =	sshrl.u32 s1, $0x2  }
0xba: {  	s3 =	sand.u32 $0x4000, s31;
	s1 =	sadd.s32 s1, s30  }
0xbb: {  	s0 =	sor.u32 s3, s0;
	s1 =	sshll.u32 s1, $0x11  }
0xbc: {  	s0 =	sor.u32 s1, s0  }
0xbd: {  	s0 =	sadd.s32 $0x8F2B, s0  }
0xbe: {  	[sflag:s0] =	ssyncadd.remote.s32 $0x1  }
0xbf: {  	_ =	sfence.sel $0xFFFF  }
0xc0: {  	[dreg:$0x0] =	wrdreg $0xFFFFFFFF;
	(pc) =	sbr.abs _section_cstart, $3  }
0xc1: {  	[dreg:$0x1] =	wrdreg $0xFFFFFFFF  }
0xc2: {  	_ =	task.clear_ibuf [dreg:s7], $0x2FFFF;
	_ =	strace $0x9FFFFFFF  }
0xc3: {  	(tm) =	ssettm $0x7FFFFFFF  }
tec
execute0_lowered:
.L_overlay_start_1:
0x0: {  	(tag) =	ssettag $0x1  }
0x1: {  	s0 =	rddreg [dreg:$0x0]  }
0x2: {  	s1 =	rddreg [dreg:$0x1]  }
0x3: {  	s2 =	rddreg [dreg:$0x2];
	s3 =	simm.s32 $0x0;
	s4 =	srdreg.scid  }
0x4: {  	s13 =	stileid.u32;
	s30 =	simm.s32 $0x300;
	s31 =	simm.s32 $0x5  }
0x5: {  	[smem:$0x7FF] =	sst s3;
	s4 =	sand.u32 $0x1, s4;
	s5 =	sadd.s32 $0x32200, s0  }
0x6: {  	s6 =	sadd.s32 $0x28400, s0;
	s9 =	smul.u32 $0x14000, s13;
	s10 =	sshll.u32 s13, $0x1  }
0x7: {  	s7 =	sadd.s32 $0x1200, s0;
	s12 =	sshrl.u32 s13, $0x2;
	s13 =	smul.u32 $0x50000, s13  }
0x8: {  	_ =	strace $0x80000047;
	s8 =	smul.u32 $0x140000, s4;
	s11 =	sor.u32 s4, s10  }
0x9: {  	s25 =	smul.u32 $0x14000, s12;
	s4 =	ssub.s32 $0x2, s4;
	s26 =	sshll.u32 s11, $0x7  }
0xa: {  	s13 =	sshrl.u32 s13, $0x2;
	s20 =	sshll.u32 s11, $0x3;
	s8 =	sadd.s32 s9, s8  }
0xb: {  	s12 =	sand.u32 $0x380, s26;
	s21 =	sadd.s32 s5, s20;
	s22 =	sor.u32 $0x100, s20  }
0xc: {  	s8 =	sshrl.u32 s8, $0x3;
	s9 =	sor.u32 s25, s12;
	s12 =	sshrl.u32 s4, $0x1  }
0xd: {  	[dreg:$0xa] =	wrdreg s21;
	s23 =	sadd.s32 s5, s22;
	s24 =	sadd.s32 s6, s22  }
0xe: {  	s21 =	sor.u32 $0x60, s11;
	s14 =	sadd.s32 s8, s0;
	[dreg:$0xb] =	wrdreg s23  }
0xf: {  	s8 =	sshrl.u32 s9, $0x3;
	s4 =	ssub.s32 s4, s12;
	[dreg:$0xc] =	wrdreg s24  }
0x10: {  	s9 =	simm.s32 $0x200;
	s0 =	sadd.s32 s8, s0;
	s8 =	sadd.s32 s13, s2  }
0x11: {  	s25 =	sadd.s32 $0x3C000, s14;
	s26 =	smax.u32 s4, $0x1;
	s4 =	simm.s32 $0x1  }
0x12: {  	s13 =	simm.s32 $0x3;
	s14 =	simm.s32 $0x280;
	[dreg:$0xd] =	wrdreg s25  }
0x13: {  	s15 =	sadd.s32 $0x2000, s8;
	s16 =	sadd.s32 $0x4000, s8;
	[dreg:$0xf] =	wrdreg s26  }
0x14: {  	s17 =	sadd.s32 $0x6000, s8;
	s18 =	sadd.s32 $0x8000, s8;
	[dreg:$0x4] =	wrdreg s15  }
0x15: {  	s19 =	sadd.s32 $0xA000, s8;
	s12 =	sadd.s32 $0xC000, s8;
	[dreg:$0x5] =	wrdreg s16  }
0x16: {  	s0 =	sadd.s32 $0x8C000, s0;
	s25 =	sor.u32 $0x20, s11;
	[dreg:$0x6] =	wrdreg s17  }
.Ltmp0:
0x17: {  	s26 =	sadd.s32 $0xE000, s8;
	[dreg:$0x7] =	wrdreg s18;
	(pc) =	sbr.rel .LBB2_1-.Ltmp0, $4  }
0x18: {  	s28 =	sadd.s32 $0x10000, s8;
	s29 =	sadd.s32 $0x12000, s8;
	[dreg:$0x8] =	wrdreg s19  }
0x19: {  	[dreg:$0x9] =	wrdreg s12;
	s16 =	sadd.s32 s6, s20;
	s19 =	ssub.s32 $0x1388, s10  }
0x1a: {  	s20 =	sor.u32 $0x40, s11;
	[dreg:$0xe] =	wrdreg s0;
	s10 =	simm.s32 $0x40  }
0x1b: {  	v0 =	vimm.f32 $0.0e+00;
	s18 =	simm.s32 $0x80;
	s12 =	simm.s32 $0x8380;
	s15 =	simm.s32 $0x2300  }
.LBB2_19:
0x1c: {  	s0 =	stileid.u32  }
0x1d: {  	[bflag:$0x0] =	sbarrier.arrive $0xFFFF;
	s0 =	sshll.u32 s0, $0x6  }
0x1e: {  	s11 =	sshrl.u32 s8, $0x3;
	s17 =	rddreg [dreg:$0xd];
	s0 =	sor.u32 $0x1C05, s0  }
0x1f: {  	[hbm:s17], [sflag:s0] =	dma.local [spmem:s11], $0x2800  }
0x20: {  	_ =	swait.ge [sflag:s31], $0x2800  }
0x21: {  	s18 =	simm.s32 $0x80;
	[sflag:s31] =	ssyncset.done $0x0  }
0x22: {  	s23 =	simm.s32 $0x400;
	s22 =	rddreg [dreg:$0xe];
	[sflag:s31] =	ssyncadd.s32 $0xFFFFD800  }
0x23: {  	[hbm4b:s22+s18] =	stream.strided.scatter [tilespmem:s12], [sflag:$0x5], $0x2800, s23, s18, $0x38;
	[tilespmem:$0x1EC00] =	vst v63  }
0x24: {  	_ =	swait.ge [sflag:s31], $0x2800  }
0x25: {  	s3 =	sadd.s32 $0x1, s3;
	s24 =	rddreg [dreg:$0xf]  }
0x26: {  	p0 =	sne.s32 s3, s24  }
.Ltmp1:
0x27: {  	_ = 	snop;
	(pc) =	sbr.rel @!p0 .LBB2_20-.Ltmp1, $3  }
0x28: {  	_ =	sdelay $0x1  }
0x29: {  	[sflag:s31] =	ssyncset.done $0x0  }
0x2a: {  	[sflag:s31] =	ssyncadd.s32 $0xFFFFD800  }
.LBB2_1:
0x2b: {  	s0 =	simm.s32 $0x0  }
.LBB2_2:
0x2c: {  	p0 =	sne.s32 s0, $0xA000  }
.Ltmp2:
0x2d: {  	_ = 	snop;
	(pc) =	sbr.rel @p0 .LBB2_2-.Ltmp2, $3  }
0x2e: {  	_ =	sdelay $0x1  }
0x2f: {  	s11 =	sshra.s32 s0, $0x2  }
0x30: {  	s0 =	sadd.s32 $0x40, s0;
	[tilespmem:s11+$0x8380] =	vst v0  }
0x31: {  	s0 =	simm.s32 $0x0;
	s11 =	simm.s32 $0x200  }
.LBB2_4:
0x32: {  	p0 =	sne.s32 s11, $0x7E00;
	[tilespmem:s0+$0x370] =	vst v0  }
0x33: {  	[tilespmem:s0+$0x300] =	vst v0  }
0x34: {  	[tilespmem:s0+$0x310] =	vst v0  }
.Ltmp3:
0x35: {  	[tilespmem:s0+$0x320] =	vst v0;
	(pc) =	sbr.rel @p0 .LBB2_4-.Ltmp3, $4  }
0x36: {  	[tilespmem:s0+$0x330] =	vst v0  }
0x37: {  	[tilespmem:s0+$0x340] =	vst v0  }
0x38: {  	[tilespmem:s0+$0x350] =	vst v0  }
0x39: {  	[tilespmem:s0+$0x360] =	vst v0;
	s0 =	sshra.s32 s11, $0x2;
	s11 =	sadd.s32 $0x200, s11  }
0x3a: {  	[tilespmem:s0+$0x370] =	vst v0  }
0x3b: {  	[tilespmem:s0+$0x300] =	vst v0  }
0x3c: {  	[tilespmem:s0+$0x310] =	vst v0  }
0x3d: {  	[tilespmem:s0+$0x320] =	vst v0  }
0x3e: {  	[tilespmem:s0+$0x330] =	vst v0  }
0x3f: {  	[tilespmem:s0+$0x340] =	vst v0  }
0x40: {  	[tilespmem:s0+$0x350] =	vst v0  }
0x41: {  	[tilespmem:s0+$0x360] =	vst v0  }
0x42: {  	[spmem:s8] =	stream.linear.scatter [tilespmem:s30], [sflag:$0x5], $0x2000, $0x38;
	[tilespmem:$0x1EC00] =	vst v63  }
0x43: {  	_ =	swait.ge [sflag:s31], $0x2000  }
0x44: {  	[sflag:s31] =	ssyncset.done $0x0  }
0x45: {  	s23 =	rddreg [dreg:$0x4];
	[sflag:s31] =	ssyncadd.s32 $0xFFFFE000  }
0x46: {  	[spmem:s23] =	stream.linear.scatter [tilespmem:s30], [sflag:$0x5], $0x2000, $0x38;
	[tilespmem:$0x1EC00] =	vst v63  }
0x47: {  	_ =	swait.ge [sflag:s31], $0x2000  }
0x48: {  	[sflag:s31] =	ssyncset.done $0x0  }
0x49: {  	s24 =	rddreg [dreg:$0x5];
	[sflag:s31] =	ssyncadd.s32 $0xFFFFE000  }
0x4a: {  	[spmem:s24] =	stream.linear.scatter [tilespmem:s30], [sflag:$0x5], $0x2000, $0x38;
	[tilespmem:$0x1EC00] =	vst v63  }
0x4b: {  	_ =	swait.ge [sflag:s31], $0x2000  }
0x4c: {  	[sflag:s31] =	ssyncset.done $0x0  }
0x4d: {  	s11 =	rddreg [dreg:$0x6];
	[sflag:s31] =	ssyncadd.s32 $0xFFFFE000  }
0x4e: {  	[spmem:s11] =	stream.linear.scatter [tilespmem:s30], [sflag:$0x5], $0x2000, $0x38;
	[tilespmem:$0x1EC00] =	vst v63  }
0x4f: {  	_ =	swait.ge [sflag:s31], $0x2000  }
0x50: {  	[sflag:s31] =	ssyncset.done $0x0  }
0x51: {  	s17 =	rddreg [dreg:$0x7];
	[sflag:s31] =	ssyncadd.s32 $0xFFFFE000  }
0x52: {  	[spmem:s17] =	stream.linear.scatter [tilespmem:s30], [sflag:$0x5], $0x2000, $0x38;
	[tilespmem:$0x1EC00] =	vst v63  }
0x53: {  	_ =	swait.ge [sflag:s31], $0x2000  }
0x54: {  	[sflag:s31] =	ssyncset.done $0x0  }
0x55: {  	s22 =	rddreg [dreg:$0x8];
	[sflag:s31] =	ssyncadd.s32 $0xFFFFE000  }
0x56: {  	[spmem:s22] =	stream.linear.scatter [tilespmem:s30], [sflag:$0x5], $0x2000, $0x38;
	[tilespmem:$0x1EC00] =	vst v63  }
0x57: {  	_ =	swait.ge [sflag:s31], $0x2000  }
0x58: {  	[sflag:s31] =	ssyncset.done $0x0  }
0x59: {  	s23 =	rddreg [dreg:$0x9];
	[sflag:s31] =	ssyncadd.s32 $0xFFFFE000  }
0x5a: {  	[spmem:s23] =	stream.linear.scatter [tilespmem:s30], [sflag:$0x5], $0x2000, $0x38;
	[tilespmem:$0x1EC00] =	vst v63  }
0x5b: {  	_ =	swait.ge [sflag:s31], $0x2000  }
0x5c: {  	[sflag:s31] =	ssyncset.done $0x0  }
0x5d: {  	[sflag:s31] =	ssyncadd.s32 $0xFFFFE000  }
0x5e: {  	[spmem:s26] =	stream.linear.scatter [tilespmem:s30], [sflag:$0x5], $0x2000, $0x38;
	[tilespmem:$0x1EC00] =	vst v63  }
0x5f: {  	_ =	swait.ge [sflag:s31], $0x2000  }
0x60: {  	[sflag:s31] =	ssyncset.done $0x0  }
0x61: {  	[sflag:s31] =	ssyncadd.s32 $0xFFFFE000  }
0x62: {  	[spmem:s28] =	stream.linear.scatter [tilespmem:s30], [sflag:$0x5], $0x2000, $0x38;
	[tilespmem:$0x1EC00] =	vst v63  }
0x63: {  	_ =	swait.ge [sflag:s31], $0x2000  }
0x64: {  	[sflag:s31] =	ssyncset.done $0x0  }
0x65: {  	[sflag:s31] =	ssyncadd.s32 $0xFFFFE000  }
0x66: {  	[spmem:s29] =	stream.linear.scatter [tilespmem:s30], [sflag:$0x5], $0x2000, $0x38;
	[tilespmem:$0x1EC00] =	vst v63  }
0x67: {  	_ =	swait.ge [sflag:s31], $0x2000  }
0x68: {  	[sflag:s31] =	ssyncset.done $0x0  }
0x69: {  	[sflag:s31] =	ssyncadd.s32 $0xFFFFE000  }
0x6a: {  	[bflag:$0x0] =	sbarrier.arrive $0xFFFF  }
0x6b: {  	s17 =	simm.s32 $0x0;
	s24 =	rddreg [dreg:$0xa]  }
0x6c: {  	[tilespmem:s17], [sflag:$0x1] =	stream.linear.gather [hbm4b:s24+s17], $0x40, $0x38;
	[tilespmem:$0x1EC00] =	vst v63  }
0x6d: {  	s11 =	simm.s32 $0x100  }
0x6e: {  	[tilespmem:s11], [sflag:$0x1] =	stream.linear.gather [hbm4b:s16+s17], $0x40, $0x38;
	[tilespmem:$0x1EC00] =	vst v63  }
0x6f: {  	_ =	swait.ge [sflag:s4], $0x40  }
0x70: {  	[sflag:s4] =	ssyncset.done $0x0  }
0x71: {  	[sflag:s4] =	ssyncadd.s32 $0xFFFFFFC0  }
0x72: {  	_ =	swait.ge [sflag:s4], $0x40  }
0x73: {  	[sflag:s4] =	ssyncset.done $0x0  }
0x74: {  	[sflag:s4] =	ssyncadd.s32 $0xFFFFFFC0  }
0x75: {  	[tilespmem:s9], [sflag:$0x3] =	stream.linear.gather [hbm4b:s16+s17], $0x40, $0x38;
	[tilespmem:$0x1EC00] =	vst v63  }
0x76: {  	_ = 	snop  }
0x77: {  	[tilespmem:s30], [sflag:$0x2] =	stream.indirect.gather [hbm4b:s1+s10], $0x80, s11, s10, $0xb8;
	[tilespmem:$0x1EC00] =	vst v63  }
0x78: {  	s22 =	simm.s32 $0x4300  }
0x79: {  	[tilespmem:s22], [sflag:$0x2] =	stream.indirect.gather [hbm4b:s7+s10], $0x80, s17, s10, $0xb8;
	[tilespmem:$0x1EC00] =	vst v63  }
.Ltmp4:
0x7a: {  	_ = 	snop;
	(pc) =	sbr.rel .LBB2_6-.Ltmp4, $4  }
0x7b: {  	s23 =	rddreg [dreg:$0xb]  }
0x7c: {  	[tilespmem:s18], [sflag:$0x1] =	stream.linear.gather [hbm4b:s23+s17], $0x40, $0x38;
	[tilespmem:$0x1EC00] =	vst v63  }
0x7d: {  	s24 =	rddreg [dreg:$0xc];
	s11 =	simm.s32 $0x180;
	s18 =	simm.s32 $0x0  }
0x7e: {  	[tilespmem:s11], [sflag:$0x1] =	stream.linear.gather [hbm4b:s24+s17], $0x40, $0x38;
	[tilespmem:$0x1EC00] =	vst v63  }
.LBB2_18:
0x7f: {  	s0 =	sadd.s32 s21, s0  }
0x80: {  	p0 =	sgt.u32 s0, $0x1387  }
0x81: {  	s0 =	sshll.u32 @!p0 s0, $0x3  }
0x82: {  	s22 =	simm.s32 @!p0 $0x0;
	s23 =	simm.s32 @!p0 $0x80;
	s11 =	sadd.s32 @!p0 s5, s0  }
0x83: {  	[tilespmem:s23], [sflag:$0x1] =	stream.linear.gather @!p0 [hbm4b:s11+s22], $0x40, $0x38;
	[tilespmem:$0x1EC00] =	vst v63  }
0x84: {  	s18 =	sadd.s32 $0x1, s18;
	s0 =	sadd.s32 @!p0 s6, s0;
	s11 =	simm.s32 @!p0 $0x180  }
0x85: {  	[tilespmem:s11], [sflag:$0x1] =	stream.linear.gather @!p0 [hbm4b:s0+s22], $0x40, $0x38;
	[tilespmem:$0x1EC00] =	vst v63  }
0x86: {  	p0 =	sne.s32 s18, $0x4F  }
.Ltmp5:
0x87: {  	_ = 	snop;
	(pc) =	sbr.rel @!p0 .LBB2_19-.Ltmp5, $1  }
0x88: {  	_ =	sdelay $0x3  }
.LBB2_6:
0x89: {  	s0 =	sshll.u32 s18, $0x6  }
0x8a: {  	p0 =	sge.u32 s0, s19  }
0x8b: {  	s11 =	simm.s32 @!p0 $0x2  }
0x8c: {  	_ =	swait.ge @!p0 [sflag:s11], $0x2000  }
0x8d: {  	[sflag:s11] =	ssyncset.done @!p0 $0x0  }
0x8e: {  	[sflag:s11] =	ssyncadd.s32 @!p0 $0xFFFFE000  }
0x8f: {  	s22 =	sor.u32 s25, s0;
	_ =	swait.ge @!p0 [sflag:s11], $0x2000  }
0x90: {  	p1 =	sgt.u32 s22, $0x1387;
	[sflag:s11] =	ssyncset.done @!p0 $0x0  }
0x91: {  	[sflag:s11] =	ssyncadd.s32 @!p0 $0xFFFFE000;
	s11 =	simm.s32 @!p1 $0x1  }
0x92: {  	_ =	swait.ge @!p1 [sflag:s11], $0x40  }
0x93: {  	[sflag:s11] =	ssyncset.done @!p1 $0x0  }
0x94: {  	[sflag:s11] =	ssyncadd.s32 @!p1 $0xFFFFFFC0  }
0x95: {  	_ =	swait.ge @!p1 [sflag:s11], $0x40  }
0x96: {  	p2 =	seq.s32 s18, $0x0;
	[sflag:s11] =	ssyncset.done @!p1 $0x0  }
0x97: {  	[sflag:s11] =	ssyncadd.s32 @!p1 $0xFFFFFFC0;
	s11 =	simm.s32 @!p2 $0x4  }
0x98: {  	_ =	swait.ge @!p2 [sflag:s11], $0x2000  }
0x99: {  	[sflag:s11] =	ssyncset.done @!p2 $0x0  }
0x9a: {  	[sflag:s11] =	ssyncadd.s32 @!p2 $0xFFFFE000;
	s11 =	sshll.u32 @!p1 s22, $0x3  }
0x9b: {  	s23 =	simm.s32 @!p1 $0x280;
	s22 =	simm.s32 @!p1 $0x0;
	s11 =	sadd.s32 @!p1 s6, s11  }
0x9c: {  	[tilespmem:s23], [sflag:$0x3] =	stream.linear.gather @!p1 [hbm4b:s11+s22], $0x40, $0x38;
	[tilespmem:$0x1EC00] =	vst v63  }
0x9d: {  	s11 =	simm.s32 @!p1 $0x40  }
.Ltmp6:
0x9e: {  	s22 =	simm.s32 @!p1 $0x180;
	s23 =	simm.s32 @!p1 $0x2300;
	(pc) =	sbr.rel @p0 .LBB2_12-.Ltmp6, $4  }
0x9f: {  	[tilespmem:s23], [sflag:$0x2] =	stream.indirect.gather @!p1 [hbm4b:s1+s11], $0x80, s22, s11, $0xb8;
	[tilespmem:$0x1EC00] =	vst v63  }
0xa0: {  	s22 =	simm.s32 @!p1 $0x80;
	s23 =	simm.s32 @!p1 $0x6300  }
0xa1: {  	[tilespmem:s23], [sflag:$0x2] =	stream.indirect.gather @!p1 [hbm4b:s7+s11], $0x80, s22, s11, $0xb8;
	[tilespmem:$0x1EC00] =	vst v63  }
0xa2: {  	s22 =	simm.s32 $0x8300  }
0xa3: {  	s11 =	sshra.s32 s17, $0x2  }
0xa4: {  	v1 =	vld [tilespmem:s11+$0x340]  }
0xa5: {  	v2 =	vld [tilespmem:s11+$0x320]  }
0xa6: {  	v3 =	vld [tilespmem:s11+$0x300]  }
0xa7: {  	v4 =	vld [tilespmem:s11+$0x310]  }
0xa8: {  	v5 =	vld [tilespmem:s11+$0x4300]  }
0xa9: {  	v6 =	vld [tilespmem:s11+$0x4310]  }
0xaa: {  	v7 =	vld [tilespmem:s11+$0x4320]  }
0xab: {  	v8 =	vld [tilespmem:s11+$0x330]  }
0xac: {  	v9 =	vld [tilespmem:s11+$0x4330]  }
0xad: {  	v11 =	vld [tilespmem:s11+$0x350];
	v10 =	vunpack.i.u.bf16.f32 v5;
	v5 =	vunpack.i.l.bf16.f32 v5  }
0xae: {  	v63 =	vld [tilespmem:s11+$0x360];
	v3 =	vmul.f32 v3, v5;
	v4 =	vmul.f32 v4, v10;
	v5 =	vunpack.i.l.bf16.f32 v6  }
0xaf: {  	v12 =	vld [tilespmem:s11+$0x370];
	v6 =	vunpack.i.u.bf16.f32 v6;
	v2 =	vmul.f32 v2, v5;
	v5 =	vunpack.i.l.bf16.f32 v7  }
0xb0: {  	v6 =	vmul.f32 v8, v6;
	v3 =	vadd.f32 $0.0e+00, v3;
	v4 =	vadd.f32 $0.0e+00, v4  }
0xb1: {  	v7 =	vunpack.i.u.bf16.f32 v7;
	v1 =	vmul.f32 v1, v5;
	v5 =	vunpack.i.l.bf16.f32 v9  }
0xb2: {  	v2 =	vadd.f32 v2, v3;
	v3 =	vadd.f32 v6, v4;
	v4 =	vmul.f32 v11, v7  }
0xb3: {  	v5 =	vmul.f32 v63, v5;
	v6 =	vunpack.i.u.bf16.f32 v9  }
0xb4: {  	v1 =	vadd.f32 v1, v2;
	v2 =	vadd.f32 v4, v3;
	v3 =	vmul.f32 v12, v6;
	_ =	sdelay $0x1  }
0xb5: {  	v1 =	vadd.f32 v5, v1;
	v2 =	vadd.f32 v3, v2;
	_ =	sdelay $0x1  }
0xb6: {  	v1 =	vadd.f32 v2, v1;
	_ =	sdelay $0x1  }
0xb7: {  	(xrf2) =	vadd.scan.msk.f32 $0xffff, v1;
	_ =	sdelay $0x9  }
0xb8: {  	v1, _, _ =	vpop (xrf2)  }
0xb9: {  	v1 =	vbroadcast v1, $0xF  }
0xba: {  	s23 =	sadd.s32 $0x200, s17  }
0xbb: {  	s11 =	sshra.s32 s23, $0x2;
	[tilespmem:s22+$0x0] =	vst v1  }
0xbc: {  	v1 =	vld [tilespmem:s11+$0x340]  }
0xbd: {  	v2 =	vld [tilespmem:s11+$0x320]  }
0xbe: {  	v3 =	vld [tilespmem:s11+$0x300]  }
0xbf: {  	s23 =	sadd.s32 $0x200, s23;
	v4 =	vld [tilespmem:s11+$0x310]  }
.LBB2_8:
0xc0: {  	p2 =	sne.s32 s23, $0x7E00;
	v5 =	vld [tilespmem:s11+$0x4300]  }
0xc1: {  	v6 =	vld [tilespmem:s11+$0x4310]  }
0xc2: {  	v7 =	vld [tilespmem:s11+$0x4320]  }
0xc3: {  	v8 =	vld [tilespmem:s11+$0x330]  }
0xc4: {  	v9 =	vld [tilespmem:s11+$0x4330]  }
0xc5: {  	v10 =	vunpack.i.u.bf16.f32 v5;
	v5 =	vunpack.i.l.bf16.f32 v5;
	v11 =	vld [tilespmem:s11+$0x350]  }
0xc6: {  	v3 =	vmul.f32 v3, v5;
	v4 =	vmul.f32 v4, v10;
	v5 =	vunpack.i.l.bf16.f32 v6;
	v10 =	vld [tilespmem:s11+$0x360]  }
0xc7: {  	v6 =	vunpack.i.u.bf16.f32 v6;
	v2 =	vmul.f32 v2, v5;
	v5 =	vunpack.i.l.bf16.f32 v7;
	v12 =	vld [tilespmem:s11+$0x370]  }
0xc8: {  	v3 =	vadd.f32 $0.0e+00, v3;
	v4 =	vadd.f32 $0.0e+00, v4;
	v6 =	vmul.f32 v8, v6  }
0xc9: {  	v7 =	vunpack.i.u.bf16.f32 v7;
	v1 =	vmul.f32 v1, v5;
	v5 =	vunpack.i.l.bf16.f32 v9  }
0xca: {  	v2 =	vadd.f32 v2, v3;
	v3 =	vadd.f32 v6, v4;
	v4 =	vmul.f32 v11, v7  }
0xcb: {  	v6 =	vunpack.i.u.bf16.f32 v9;
	v5 =	vmul.f32 v10, v5  }
0xcc: {  	v1 =	vadd.f32 v1, v2;
	v2 =	vadd.f32 v4, v3;
	v3 =	vmul.f32 v12, v6;
	_ =	sdelay $0x1  }
0xcd: {  	v1 =	vadd.f32 v5, v1;
	v2 =	vadd.f32 v3, v2;
	_ =	sdelay $0x1  }
0xce: {  	v1 =	vadd.f32 v2, v1;
	_ =	sdelay $0x1  }
0xcf: {  	(xrf2) =	vadd.scan.msk.f32 $0xffff, v1;
	_ =	sdelay $0x9  }
0xd0: {  	v1, _, _ =	vpop (xrf2)  }
0xd1: {  	v1 =	vbroadcast v1, $0xF  }
0xd2: {  	s22 =	sadd.s32 $0x1, s22  }
.Ltmp7:
0xd3: {  	s11 =	sshra.s32 s23, $0x2;
	[tilespmem:s22+$0x0] =	vst v1;
	(pc) =	sbr.rel @p2 .LBB2_8-.Ltmp7, $4  }
0xd4: {  	v1 =	vld [tilespmem:s11+$0x340]  }
0xd5: {  	v2 =	vld [tilespmem:s11+$0x320]  }
0xd6: {  	v3 =	vld [tilespmem:s11+$0x300]  }
0xd7: {  	s23 =	sadd.s32 $0x200, s23;
	v4 =	vld [tilespmem:s11+$0x310]  }
0xd8: {  	v5 =	vld [tilespmem:s11+$0x4300]  }
0xd9: {  	v6 =	vld [tilespmem:s11+$0x4310]  }
0xda: {  	v7 =	vld [tilespmem:s11+$0x4320]  }
0xdb: {  	v8 =	vld [tilespmem:s11+$0x330]  }
0xdc: {  	v9 =	vld [tilespmem:s11+$0x4330]  }
0xdd: {  	v11 =	vld [tilespmem:s11+$0x350];
	v10 =	vunpack.i.u.bf16.f32 v5;
	v5 =	vunpack.i.l.bf16.f32 v5  }
0xde: {  	v62 =	vld [tilespmem:s11+$0x360];
	v3 =	vmul.f32 v3, v5;
	v4 =	vmul.f32 v4, v10;
	v5 =	vunpack.i.l.bf16.f32 v6  }
0xdf: {  	v12 =	vld [tilespmem:s11+$0x370];
	v6 =	vunpack.i.u.bf16.f32 v6;
	v2 =	vmul.f32 v2, v5;
	v5 =	vunpack.i.l.bf16.f32 v7  }
0xe0: {  	v6 =	vmul.f32 v8, v6;
	v3 =	vadd.f32 $0.0e+00, v3;
	v4 =	vadd.f32 $0.0e+00, v4  }
0xe1: {  	v7 =	vunpack.i.u.bf16.f32 v7;
	v1 =	vmul.f32 v1, v5;
	v5 =	vunpack.i.l.bf16.f32 v9  }
0xe2: {  	v2 =	vadd.f32 v2, v3;
	v3 =	vadd.f32 v6, v4;
	v4 =	vmul.f32 v11, v7  }
0xe3: {  	v63 =	vunpack.i.u.bf16.f32 v9;
	v5 =	vmul.f32 v62, v5  }
0xe4: {  	v1 =	vadd.f32 v1, v2;
	v2 =	vadd.f32 v4, v3;
	v3 =	vmul.f32 v12, v63;
	_ =	sdelay $0x1  }
0xe5: {  	v1 =	vadd.f32 v5, v1;
	v2 =	vadd.f32 v3, v2;
	_ =	sdelay $0x1  }
0xe6: {  	v1 =	vadd.f32 v2, v1;
	_ =	sdelay $0x1  }
0xe7: {  	(xrf2) =	vadd.scan.msk.f32 $0xffff, v1;
	_ =	sdelay $0x9  }
0xe8: {  	v1, _, _ =	vpop (xrf2)  }
0xe9: {  	v1 =	vbroadcast v1, $0xF  }
0xea: {  	s24 =	sadd.s32 $0x1, s22  }
0xeb: {  	[tilespmem:s24+$0x0] =	vst v1  }
0xec: {  	v1 =	vld [tilespmem:$0x8300]  }
0xed: {  	v2 =	vld [tilespmem:$0x8310]  }
0xee: {  	v3 =	vld [tilespmem:$0x8320]  }
0xef: {  	v4 =	vld [tilespmem:$0x8330];
	_ =	sdelay $0x1  }
0xf0: {  	v1 =	vmul.f32 $8.838834610e-02, v1  }
0xf1: {  	v2 =	vmul.f32 $8.838834610e-02, v2  }
0xf2: {  	v3 =	vmul.f32 $8.838834610e-02, v3;
	v1 =	vmul.f32 $1.442695020e+00, v1  }
0xf3: {  	v4 =	vmul.f32 $8.838834610e-02, v4;
	v2 =	vmul.f32 $1.442695020e+00, v2  }
0xf4: {  	(erf) = vpow2.f32 v1;
	v1 =	vmul.f32 $1.442695020e+00, v3  }
0xf5: {  	(erf) = vpow2.f32 v2;
	v2 =	vmul.f32 $1.442695020e+00, v4  }
0xf6: {  	(erf) = vpow2.f32 v1  }
0xf7: {  	(erf) = vpow2.f32 v2;
	_ =	sdelay $0x2  }
0xf8: {  	v1 =	vld [tilespmem:$0x100];
	_ =	sdelay $0x2  }
0xf9: {  	v2 =	vpop (erf)  }
0xfa: {  	v3 =	vpop (erf);
	[tilespmem:$0x8300] =	vst v2  }
0xfb: {  	v4 =	vpop (erf);
	[tilespmem:$0x8310] =	vst v3  }
0xfc: {  	[tilespmem:$0x8320] =	vst v4;
	v3 =	vpop (erf)  }
0xfd: {  	[tilespmem:$0x8330] =	vst v3  }
0xfe: {  	[tilespmem:v1+s12+$0x0] =	vst.idx.add.f32.msk $0xffff, v2  }
0xff: {  	v1 =	vld [tilespmem:$0x110];
	_ =	sdelay $0x2  }
0x100: {  	v2 =	vld [tilespmem:$0x8310];
	_ =	sdelay $0x4  }
0x101: {  	[tilespmem:v1+s12+$0x0] =	vst.idx.add.f32.msk $0xffff, v2  }
0x102: {  	v1 =	vld [tilespmem:$0x120];
	_ =	sdelay $0x2  }
0x103: {  	v2 =	vld [tilespmem:$0x8320];
	_ =	sdelay $0x4  }
0x104: {  	[tilespmem:v1+s12+$0x0] =	vst.idx.add.f32.msk $0xffff, v2  }
0x105: {  	v1 =	vld [tilespmem:$0x130];
	_ =	sdelay $0x2  }
0x106: {  	v2 =	vld [tilespmem:$0x8330];
	_ =	sdelay $0x4  }
0x107: {  	s22 =	simm.s32 $0x0;
	[tilespmem:v1+s12+$0x0] =	vst.idx.add.f32.msk $0xffff, v2  }
0x108: {  	v3 =	vld [tilespmem:s22+$0x4340]  }
0x109: {  	v2 =	vld [tilespmem:s22+$0x4350]  }
0x10a: {  	s11 =	simm.s32 $0x8300;
	s23 =	simm.s32 $0x200;
	v1 =	vld [tilespmem:s22+$0x4360]  }
.LBB2_10:
0x10b: {  	p2 =	sne.s32 s23, $0x7E00;
	v4 =	vld.msk [tilespmem:s11+$0x0 ss:$0x0], $0xffff;
	_ =	sdelay $0x1  }
0x10c: {  	v5 =	vld [tilespmem:s22+$0x4370];
	_ =	sdelay $0x1  }
0x10d: {  	v6 =	vunpack.i.u.bf16.f32 v3;
	v3 =	vunpack.i.l.bf16.f32 v3  }
0x10e: {  	v7 =	vunpack.i.u.bf16.f32 v2;
	v2 =	vunpack.i.l.bf16.f32 v2;
	v8 =	vunpack.i.u.bf16.f32 v1  }
0x10f: {  	v1 =	vunpack.i.l.bf16.f32 v1;
	v3 =	vmul.f32 v3, v4;
	v6 =	vmul.f32 v6, v4  }
0x110: {  	v2 =	vmul.f32 v2, v4;
	v7 =	vmul.f32 v7, v4;
	v9 =	vunpack.i.u.bf16.f32 v5  }
0x111: {  	v1 =	vmul.f32 v1, v4;
	v8 =	vmul.f32 v8, v4;
	[tilespmem:s22+$0x300] =	vst v3;
	v3 =	vunpack.i.l.bf16.f32 v5  }
0x112: {  	[tilespmem:s22+$0x310] =	vst v6;
	v5 =	vmul.f32 v3, v4;
	v4 =	vmul.f32 v9, v4  }
0x113: {  	[tilespmem:s22+$0x320] =	vst v2  }
.Ltmp8:
0x114: {  	[tilespmem:s22+$0x330] =	vst v7;
	(pc) =	sbr.rel @p2 .LBB2_10-.Ltmp8, $4  }
0x115: {  	s24 =	sshra.s32 s23, $0x2;
	[tilespmem:s22+$0x340] =	vst v1  }
0x116: {  	v3 =	vld [tilespmem:s24+$0x4340];
	[tilespmem:s22+$0x350] =	vst v8  }
0x117: {  	v2 =	vld [tilespmem:s24+$0x4350];
	[tilespmem:s22+$0x360] =	vst v5  }
0x118: {  	s23 =	sadd.s32 $0x200, s23;
	s11 =	sadd.s32 $0x1, s11;
	v1 =	vld [tilespmem:s24+$0x4360];
	[tilespmem:s22+$0x370] =	vst v4;
	s22 =	smov.u32 s24  }
0x119: {  	v4 =	vld.msk [tilespmem:s11+$0x0 ss:$0x0], $0xffff;
	_ =	sdelay $0x3  }
0x11a: {  	v5 =	vunpack.i.l.bf16.f32 v3  }
0x11b: {  	v6 =	vld [tilespmem:s22+$0x4370];
	v3 =	vunpack.i.u.bf16.f32 v3;
	v5 =	vmul.f32 v5, v4  }
0x11c: {  	v7 =	vunpack.i.l.bf16.f32 v2;
	v3 =	vmul.f32 v3, v4  }
0x11d: {  	v2 =	vunpack.i.u.bf16.f32 v2;
	v7 =	vmul.f32 v7, v4;
	[tilespmem:s22+$0x300] =	vst v5  }
0x11e: {  	v62 =	vunpack.i.l.bf16.f32 v1;
	v1 =	vunpack.i.u.bf16.f32 v1;
	v2 =	vmul.f32 v2, v4;
	[tilespmem:s22+$0x310] =	vst v3  }
0x11f: {  	v1 =	vmul.f32 v1, v4;
	[tilespmem:s22+$0x320] =	vst v7  }
0x120: {  	v63 =	vunpack.i.l.bf16.f32 v6;
	v3 =	vmul.f32 v62, v4;
	[tilespmem:s22+$0x330] =	vst v2  }
0x121: {  	v2 =	vunpack.i.u.bf16.f32 v6;
	v5 =	vmul.f32 v63, v4;
	[tilespmem:s22+$0x350] =	vst v1  }
0x122: {  	v2 =	vmul.f32 v2, v4;
	[tilespmem:s22+$0x340] =	vst v3  }
0x123: {  	[tilespmem:s22+$0x360] =	vst v5  }
0x124: {  	[tilespmem:s22+$0x370] =	vst v2  }
0x125: {  	_ =	swait.ge [sflag:s13], $0x40  }
0x126: {  	[sflag:s13] =	ssyncset.done $0x0  }
0x127: {  	[sflag:s13] =	ssyncadd.s32 $0xFFFFFFC0  }
0x128: {  	[spmem:s2] =	stream.indirect.scatter.add.f32 [tilespmem:s30], [sflag:$0x4], $0x80, s9, s10, $0xb8;
	[tilespmem:$0x1EC00] =	vst v63  }
.LBB2_12:
0x129: {  	s11 =	sadd.s32 s20, s0  }
0x12a: {  	p2 =	sgt.u32 s11, $0x1387  }
0x12b: {  	s11 =	sshll.u32 @!p2 s11, $0x3  }
0x12c: {  	s23 =	simm.s32 @!p2 $0x0;
	s22 =	sadd.s32 @!p2 s5, s11  }
0x12d: {  	[tilespmem:s23], [sflag:$0x1] =	stream.linear.gather @!p2 [hbm4b:s22+s23], $0x40, $0x38;
	[tilespmem:$0x1EC00] =	vst v63  }
0x12e: {  	s24 =	simm.s32 @!p1 $0x2;
	s11 =	sadd.s32 @!p2 s6, s11;
	s22 =	simm.s32 @!p2 $0x100  }
0x12f: {  	[tilespmem:s22], [sflag:$0x1] =	stream.linear.gather @!p2 [hbm4b:s11+s23], $0x40, $0x38;
	[tilespmem:$0x1EC00] =	vst v63  }
0x130: {  	_ =	swait.ge @!p1 [sflag:s24], $0x2000  }
0x131: {  	[sflag:s24] =	ssyncset.done @!p1 $0x0  }
0x132: {  	[sflag:s24] =	ssyncadd.s32 @!p1 $0xFFFFE000  }
0x133: {  	_ =	swait.ge @!p1 [sflag:s24], $0x2000  }
0x134: {  	[sflag:s24] =	ssyncset.done @!p1 $0x0  }
0x135: {  	[sflag:s24] =	ssyncadd.s32 @!p1 $0xFFFFE000;
	s24 =	simm.s32 @!p2 $0x1  }
0x136: {  	_ =	swait.ge @!p2 [sflag:s24], $0x40  }
0x137: {  	[sflag:s24] =	ssyncset.done @!p2 $0x0  }
0x138: {  	[sflag:s24] =	ssyncadd.s32 @!p2 $0xFFFFFFC0  }
0x139: {  	_ =	swait.ge @!p2 [sflag:s24], $0x40  }
0x13a: {  	[sflag:s24] =	ssyncset.done @!p2 $0x0  }
0x13b: {  	[sflag:s24] =	ssyncadd.s32 @!p2 $0xFFFFFFC0;
	s24 =	simm.s32 @!p0 $0x4  }
0x13c: {  	_ =	swait.ge @!p0 [sflag:s24], $0x2000  }
0x13d: {  	[sflag:s24] =	ssyncset.done @!p0 $0x0  }
0x13e: {  	[sflag:s24] =	ssyncadd.s32 @!p0 $0xFFFFE000;
	s24 =	simm.s32 @!p2 $0x200  }
0x13f: {  	[tilespmem:s24], [sflag:$0x3] =	stream.linear.gather @!p2 [hbm4b:s11+s23], $0x40, $0x38;
	[tilespmem:$0x1EC00] =	vst v63  }
.Ltmp9:
0x140: {  	_ = 	snop;
	(pc) =	sbr.rel @p1 .LBB2_18-.Ltmp9, $4  }
0x141: {  	s11 =	simm.s32 @!p2 $0x40;
	s24 =	simm.s32 @!p2 $0x300  }
0x142: {  	[tilespmem:s24], [sflag:$0x2] =	stream.indirect.gather @!p2 [hbm4b:s1+s11], $0x80, s22, s11, $0xb8;
	[tilespmem:$0x1EC00] =	vst v63  }
0x143: {  	s22 =	simm.s32 @!p2 $0x4300  }
0x144: {  	[tilespmem:s22], [sflag:$0x2] =	stream.indirect.gather @!p2 [hbm4b:s7+s11], $0x80, s23, s11, $0xb8;
	[tilespmem:$0x1EC00] =	vst v63  }
0x145: {  	s11 =	simm.s32 $0x0  }
0x146: {  	v1 =	vld [tilespmem:s11+$0x2340]  }
0x147: {  	v2 =	vld [tilespmem:s11+$0x2320]  }
0x148: {  	v3 =	vld [tilespmem:s11+$0x2300]  }
0x149: {  	v4 =	vld [tilespmem:s11+$0x2310]  }
0x14a: {  	v5 =	vld [tilespmem:s11+$0x6300]  }
0x14b: {  	v6 =	vld [tilespmem:s11+$0x6310]  }
0x14c: {  	v7 =	vld [tilespmem:s11+$0x6320]  }
0x14d: {  	v8 =	vld [tilespmem:s11+$0x2330]  }
0x14e: {  	v9 =	vld [tilespmem:s11+$0x6330]  }
0x14f: {  	v11 =	vld [tilespmem:s11+$0x2350];
	v10 =	vunpack.i.u.bf16.f32 v5;
	v5 =	vunpack.i.l.bf16.f32 v5  }
0x150: {  	v63 =	vld [tilespmem:s11+$0x2360];
	v3 =	vmul.f32 v3, v5;
	v4 =	vmul.f32 v4, v10;
	v5 =	vunpack.i.l.bf16.f32 v6  }
0x151: {  	v12 =	vld [tilespmem:s11+$0x2370];
	v6 =	vunpack.i.u.bf16.f32 v6;
	v2 =	vmul.f32 v2, v5;
	v5 =	vunpack.i.l.bf16.f32 v7  }
0x152: {  	v6 =	vmul.f32 v8, v6;
	v3 =	vadd.f32 $0.0e+00, v3;
	v4 =	vadd.f32 $0.0e+00, v4  }
0x153: {  	v7 =	vunpack.i.u.bf16.f32 v7;
	v1 =	vmul.f32 v1, v5;
	v5 =	vunpack.i.l.bf16.f32 v9  }
0x154: {  	v2 =	vadd.f32 v2, v3;
	v3 =	vadd.f32 v6, v4;
	v4 =	vmul.f32 v11, v7  }
0x155: {  	v5 =	vmul.f32 v63, v5;
	v6 =	vunpack.i.u.bf16.f32 v9  }
0x156: {  	v1 =	vadd.f32 v1, v2;
	v2 =	vadd.f32 v4, v3;
	v3 =	vmul.f32 v12, v6;
	_ =	sdelay $0x1  }
0x157: {  	v1 =	vadd.f32 v5, v1;
	v2 =	vadd.f32 v3, v2;
	_ =	sdelay $0x1  }
0x158: {  	v1 =	vadd.f32 v2, v1;
	_ =	sdelay $0x1  }
0x159: {  	(xrf2) =	vadd.scan.msk.f32 $0xffff, v1;
	_ =	sdelay $0x9  }
0x15a: {  	v1, _, _ =	vpop (xrf2)  }
0x15b: {  	v1 =	vbroadcast v1, $0xF  }
0x15c: {  	s22 =	simm.s32 $0x8300  }
0x15d: {  	s11 =	simm.s32 $0x80;
	[tilespmem:s22+$0x0] =	vst v1  }
0x15e: {  	v1 =	vld [tilespmem:s11+$0x2340]  }
0x15f: {  	v2 =	vld [tilespmem:s11+$0x2320]  }
0x160: {  	v3 =	vld [tilespmem:s11+$0x2300]  }
0x161: {  	s23 =	simm.s32 $0x400;
	v4 =	vld [tilespmem:s11+$0x2310]  }
.LBB2_14:
0x162: {  	p0 =	sne.s32 s23, $0x7E00;
	v5 =	vld [tilespmem:s11+$0x6300]  }
0x163: {  	v6 =	vld [tilespmem:s11+$0x6310]  }
0x164: {  	v7 =	vld [tilespmem:s11+$0x6320]  }
0x165: {  	v8 =	vld [tilespmem:s11+$0x2330]  }
0x166: {  	v9 =	vld [tilespmem:s11+$0x6330]  }
0x167: {  	v10 =	vunpack.i.u.bf16.f32 v5;
	v5 =	vunpack.i.l.bf16.f32 v5;
	v11 =	vld [tilespmem:s11+$0x2350]  }
0x168: {  	v3 =	vmul.f32 v3, v5;
	v4 =	vmul.f32 v4, v10;
	v5 =	vunpack.i.l.bf16.f32 v6;
	v10 =	vld [tilespmem:s11+$0x2360]  }
0x169: {  	v6 =	vunpack.i.u.bf16.f32 v6;
	v2 =	vmul.f32 v2, v5;
	v5 =	vunpack.i.l.bf16.f32 v7;
	v12 =	vld [tilespmem:s11+$0x2370]  }
0x16a: {  	v3 =	vadd.f32 $0.0e+00, v3;
	v4 =	vadd.f32 $0.0e+00, v4;
	v6 =	vmul.f32 v8, v6  }
0x16b: {  	v7 =	vunpack.i.u.bf16.f32 v7;
	v1 =	vmul.f32 v1, v5;
	v5 =	vunpack.i.l.bf16.f32 v9  }
0x16c: {  	v2 =	vadd.f32 v2, v3;
	v3 =	vadd.f32 v6, v4;
	v4 =	vmul.f32 v11, v7  }
0x16d: {  	v6 =	vunpack.i.u.bf16.f32 v9;
	v5 =	vmul.f32 v10, v5  }
0x16e: {  	v1 =	vadd.f32 v1, v2;
	v2 =	vadd.f32 v4, v3;
	v3 =	vmul.f32 v12, v6;
	_ =	sdelay $0x1  }
0x16f: {  	v1 =	vadd.f32 v5, v1;
	v2 =	vadd.f32 v3, v2;
	_ =	sdelay $0x1  }
0x170: {  	v1 =	vadd.f32 v2, v1;
	_ =	sdelay $0x1  }
0x171: {  	(xrf2) =	vadd.scan.msk.f32 $0xffff, v1;
	_ =	sdelay $0x9  }
0x172: {  	v1, _, _ =	vpop (xrf2)  }
0x173: {  	v1 =	vbroadcast v1, $0xF  }
0x174: {  	s22 =	sadd.s32 $0x1, s22  }
.Ltmp10:
0x175: {  	s11 =	sshra.s32 s23, $0x2;
	[tilespmem:s22+$0x0] =	vst v1;
	(pc) =	sbr.rel @p0 .LBB2_14-.Ltmp10, $4  }
0x176: {  	v1 =	vld [tilespmem:s11+$0x2340]  }
0x177: {  	v2 =	vld [tilespmem:s11+$0x2320]  }
0x178: {  	v3 =	vld [tilespmem:s11+$0x2300]  }
0x179: {  	s23 =	sadd.s32 $0x200, s23;
	v4 =	vld [tilespmem:s11+$0x2310]  }
0x17a: {  	v5 =	vld [tilespmem:s11+$0x6300]  }
0x17b: {  	v6 =	vld [tilespmem:s11+$0x6310]  }
0x17c: {  	v7 =	vld [tilespmem:s11+$0x6320]  }
0x17d: {  	v8 =	vld [tilespmem:s11+$0x2330]  }
0x17e: {  	v9 =	vld [tilespmem:s11+$0x6330]  }
0x17f: {  	v11 =	vld [tilespmem:s11+$0x2350];
	v10 =	vunpack.i.u.bf16.f32 v5;
	v5 =	vunpack.i.l.bf16.f32 v5  }
0x180: {  	v62 =	vld [tilespmem:s11+$0x2360];
	v3 =	vmul.f32 v3, v5;
	v4 =	vmul.f32 v4, v10;
	v5 =	vunpack.i.l.bf16.f32 v6  }
0x181: {  	v12 =	vld [tilespmem:s11+$0x2370];
	v6 =	vunpack.i.u.bf16.f32 v6;
	v2 =	vmul.f32 v2, v5;
	v5 =	vunpack.i.l.bf16.f32 v7  }
0x182: {  	v6 =	vmul.f32 v8, v6;
	v3 =	vadd.f32 $0.0e+00, v3;
	v4 =	vadd.f32 $0.0e+00, v4  }
0x183: {  	v7 =	vunpack.i.u.bf16.f32 v7;
	v1 =	vmul.f32 v1, v5;
	v5 =	vunpack.i.l.bf16.f32 v9  }
0x184: {  	v2 =	vadd.f32 v2, v3;
	v3 =	vadd.f32 v6, v4;
	v4 =	vmul.f32 v11, v7  }
0x185: {  	v63 =	vunpack.i.u.bf16.f32 v9;
	v5 =	vmul.f32 v62, v5  }
0x186: {  	v1 =	vadd.f32 v1, v2;
	v2 =	vadd.f32 v4, v3;
	v3 =	vmul.f32 v12, v63;
	_ =	sdelay $0x1  }
0x187: {  	v1 =	vadd.f32 v5, v1;
	v2 =	vadd.f32 v3, v2;
	_ =	sdelay $0x1  }
0x188: {  	v1 =	vadd.f32 v2, v1;
	_ =	sdelay $0x1  }
0x189: {  	(xrf2) =	vadd.scan.msk.f32 $0xffff, v1;
	_ =	sdelay $0x9  }
0x18a: {  	v1, _, _ =	vpop (xrf2)  }
0x18b: {  	v1 =	vbroadcast v1, $0xF  }
0x18c: {  	s24 =	sadd.s32 $0x1, s22  }
0x18d: {  	[tilespmem:s24+$0x0] =	vst v1  }
0x18e: {  	v1 =	vld [tilespmem:$0x8300]  }
0x18f: {  	v2 =	vld [tilespmem:$0x8310]  }
0x190: {  	v3 =	vld [tilespmem:$0x8320]  }
0x191: {  	v4 =	vld [tilespmem:$0x8330];
	_ =	sdelay $0x1  }
0x192: {  	v1 =	vmul.f32 $8.838834610e-02, v1  }
0x193: {  	v2 =	vmul.f32 $8.838834610e-02, v2  }
0x194: {  	v3 =	vmul.f32 $8.838834610e-02, v3;
	v1 =	vmul.f32 $1.442695020e+00, v1  }
0x195: {  	v4 =	vmul.f32 $8.838834610e-02, v4;
	v2 =	vmul.f32 $1.442695020e+00, v2  }
0x196: {  	(erf) = vpow2.f32 v1;
	v1 =	vmul.f32 $1.442695020e+00, v3  }
0x197: {  	(erf) = vpow2.f32 v2;
	v2 =	vmul.f32 $1.442695020e+00, v4  }
0x198: {  	(erf) = vpow2.f32 v1  }
0x199: {  	(erf) = vpow2.f32 v2;
	_ =	sdelay $0x2  }
0x19a: {  	v1 =	vld [tilespmem:$0x180];
	_ =	sdelay $0x2  }
0x19b: {  	v2 =	vpop (erf)  }
0x19c: {  	v3 =	vpop (erf);
	[tilespmem:$0x8300] =	vst v2  }
0x19d: {  	v4 =	vpop (erf);
	[tilespmem:$0x8310] =	vst v3  }
0x19e: {  	[tilespmem:$0x8320] =	vst v4;
	v3 =	vpop (erf)  }
0x19f: {  	[tilespmem:$0x8330] =	vst v3  }
0x1a0: {  	[tilespmem:v1+s12+$0x0] =	vst.idx.add.f32.msk $0xffff, v2  }
0x1a1: {  	v1 =	vld [tilespmem:$0x190];
	_ =	sdelay $0x2  }
0x1a2: {  	v2 =	vld [tilespmem:$0x8310];
	_ =	sdelay $0x4  }
0x1a3: {  	[tilespmem:v1+s12+$0x0] =	vst.idx.add.f32.msk $0xffff, v2  }
0x1a4: {  	v1 =	vld [tilespmem:$0x1A0];
	_ =	sdelay $0x2  }
0x1a5: {  	v2 =	vld [tilespmem:$0x8320];
	_ =	sdelay $0x4  }
0x1a6: {  	[tilespmem:v1+s12+$0x0] =	vst.idx.add.f32.msk $0xffff, v2  }
0x1a7: {  	v1 =	vld [tilespmem:$0x1B0];
	_ =	sdelay $0x2  }
0x1a8: {  	v2 =	vld [tilespmem:$0x8330];
	_ =	sdelay $0x4  }
0x1a9: {  	s22 =	simm.s32 $0x0;
	[tilespmem:v1+s12+$0x0] =	vst.idx.add.f32.msk $0xffff, v2  }
0x1aa: {  	v3 =	vld [tilespmem:s22+$0x6340]  }
0x1ab: {  	v2 =	vld [tilespmem:s22+$0x6350]  }
0x1ac: {  	s11 =	simm.s32 $0x8300;
	s23 =	simm.s32 $0x200;
	v1 =	vld [tilespmem:s22+$0x6360]  }
.LBB2_16:
0x1ad: {  	p0 =	sne.s32 s23, $0x7E00;
	v4 =	vld.msk [tilespmem:s11+$0x0 ss:$0x0], $0xffff;
	_ =	sdelay $0x1  }
0x1ae: {  	v5 =	vld [tilespmem:s22+$0x6370];
	_ =	sdelay $0x1  }
0x1af: {  	v6 =	vunpack.i.u.bf16.f32 v3;
	v3 =	vunpack.i.l.bf16.f32 v3  }
0x1b0: {  	v7 =	vunpack.i.u.bf16.f32 v2;
	v2 =	vunpack.i.l.bf16.f32 v2;
	v8 =	vunpack.i.u.bf16.f32 v1  }
0x1b1: {  	v1 =	vunpack.i.l.bf16.f32 v1;
	v3 =	vmul.f32 v3, v4;
	v6 =	vmul.f32 v6, v4  }
0x1b2: {  	v2 =	vmul.f32 v2, v4;
	v7 =	vmul.f32 v7, v4;
	v9 =	vunpack.i.u.bf16.f32 v5  }
0x1b3: {  	v1 =	vmul.f32 v1, v4;
	v8 =	vmul.f32 v8, v4;
	[tilespmem:s22+$0x2300] =	vst v3;
	v3 =	vunpack.i.l.bf16.f32 v5  }
0x1b4: {  	[tilespmem:s22+$0x2310] =	vst v6;
	v5 =	vmul.f32 v3, v4;
	v4 =	vmul.f32 v9, v4  }
0x1b5: {  	[tilespmem:s22+$0x2320] =	vst v2  }
.Ltmp11:
0x1b6: {  	[tilespmem:s22+$0x2330] =	vst v7;
	(pc) =	sbr.rel @p0 .LBB2_16-.Ltmp11, $4  }
0x1b7: {  	s24 =	sshra.s32 s23, $0x2;
	[tilespmem:s22+$0x2340] =	vst v1  }
0x1b8: {  	v3 =	vld [tilespmem:s24+$0x6340];
	[tilespmem:s22+$0x2350] =	vst v8  }
0x1b9: {  	v2 =	vld [tilespmem:s24+$0x6350];
	[tilespmem:s22+$0x2360] =	vst v5  }
0x1ba: {  	s23 =	sadd.s32 $0x200, s23;
	s11 =	sadd.s32 $0x1, s11;
	v1 =	vld [tilespmem:s24+$0x6360];
	[tilespmem:s22+$0x2370] =	vst v4;
	s22 =	smov.u32 s24  }
0x1bb: {  	v4 =	vld.msk [tilespmem:s11+$0x0 ss:$0x0], $0xffff;
	_ =	sdelay $0x3  }
0x1bc: {  	v5 =	vunpack.i.l.bf16.f32 v3  }
0x1bd: {  	v6 =	vld [tilespmem:s22+$0x6370];
	v3 =	vunpack.i.u.bf16.f32 v3;
	v5 =	vmul.f32 v5, v4  }
0x1be: {  	v7 =	vunpack.i.l.bf16.f32 v2;
	v3 =	vmul.f32 v3, v4  }
0x1bf: {  	v2 =	vunpack.i.u.bf16.f32 v2;
	v7 =	vmul.f32 v7, v4;
	[tilespmem:s22+$0x2300] =	vst v5  }
0x1c0: {  	v62 =	vunpack.i.l.bf16.f32 v1;
	v1 =	vunpack.i.u.bf16.f32 v1;
	v2 =	vmul.f32 v2, v4;
	[tilespmem:s22+$0x2310] =	vst v3  }
0x1c1: {  	v1 =	vmul.f32 v1, v4;
	[tilespmem:s22+$0x2320] =	vst v7  }
0x1c2: {  	v63 =	vunpack.i.l.bf16.f32 v6;
	v3 =	vmul.f32 v62, v4;
	[tilespmem:s22+$0x2330] =	vst v2  }
0x1c3: {  	v2 =	vunpack.i.u.bf16.f32 v6;
	v5 =	vmul.f32 v63, v4;
	[tilespmem:s22+$0x2350] =	vst v1  }
0x1c4: {  	v2 =	vmul.f32 v2, v4;
	[tilespmem:s22+$0x2340] =	vst v3  }
0x1c5: {  	[tilespmem:s22+$0x2360] =	vst v5  }
.Ltmp12:
0x1c6: {  	[tilespmem:s22+$0x2370] =	vst v2;
	(pc) =	sbr.rel .LBB2_18-.Ltmp12, $4  }
0x1c7: {  	_ =	swait.ge [sflag:s13], $0x40  }
0x1c8: {  	[sflag:s13] =	ssyncset.done $0x0  }
0x1c9: {  	[sflag:s13] =	ssyncadd.s32 $0xFFFFFFC0  }
0x1ca: {  	[spmem:s2] =	stream.indirect.scatter.add.f32 [tilespmem:s15], [sflag:$0x4], $0x80, s14, s10, $0xb8;
	[tilespmem:$0x1EC00] =	vst v63  }
.LBB2_20:
0x1cb: {  	_ =	sfence.sel $0x180000  }
0x1cc: {  	[bflag:$0x0] =	sbarrier.arrive $0xFFFF  }
0x1cd: {  	_ =	strace $0x90000047  }
0x1ce: {  	s0 =	stileid.u32;
	[bflag:$0x2] =	sbarrier.arrive $0xFFFF  }
0x1cf: {  	p0 =	sne.s32 s0, $0x0;
	s0 =	rddreg [dreg:$0x3]  }
0x1d0: {  	s0 =	sadd.s32 @!p0 $0x100000, s0  }
0x1d1: {  	[sflag:s0] =	ssyncadd.tile.s32 @!p0 $0x1;
	_ =	shalt  }
.Lfunc_end2:
_tile_overlayer_lowered:
.L_overlay_start_2:
0x1d2: {  	(tag) =	ssettag $0x2  }
0x1d3: {  	s0 =	rddreg [dreg:$0x0];
	s2 =	stileid.u32  }
0x1d4: {  	s1 =	rddreg [dreg:$0x1];
	p0 =	sne.s32 s2, $0x0  }
0x1d5: {  	s3 =	rddreg [dreg:$0x2];
	[bflag:$0x3] =	sbarrier.arrive $0xFFFF;
	s2 =	simm.s32 @!p0 $0x1C05  }
0x1d6: {  	[timem:s3], [sflag:s2] =	dma.local @!p0 [hbm:s0], s1  }
0x1d7: {  	s0 =	simm.s32 @!p0 $0x5  }
0x1d8: {  	_ =	swait.ge @!p0 [sflag:s0], s1  }
0x1d9: {  	s1 =	ssub.s32 @!p0 $0x0, s1;
	[sflag:s0] =	ssyncset.done @!p0 $0x0  }
0x1da: {  	[sflag:s0] =	ssyncadd.s32 @!p0 s1  }
0x1db: {  	[bflag:$0x3] =	sbarrier.arrive $0xFFFF  }
0x1dc: {  	_ =	shalt  }

</sc_bundles>
